<compile_context>
chip_gen: v7x
topology: tpu7x:2x2x1
jax: 0.10.2.dev20260603
libtpu: 0.0.44.dev20260713+nightly
codegen_flags: <defaults>
</compile_context>

<pallas_src>
import functools
import numpy as np
import jax
import jax.numpy as jnp
from jax import lax
from jax.experimental import pallas as pl
from jax.experimental.pallas import tpu as pltpu
from jax.experimental.pallas import tpu_sc as plsc

_H, _W = 250, 400
_N = _H * _W
_F = 128
_B = 2
_C = 80
_CHUNKS = _N // _C
_NW = 32
_STEPS = -(-_CHUNKS // _NW)
_T = _B * _STEPS


def _nbr_table():
    idx = np.arange(_N)
    r, c = idx // _W, idx % _W
    up = np.where(r > 0, idx - _W, idx)
    dn = np.where(r < _H - 1, idx + _W, idx)
    lf = np.where(c > 0, idx - 1, idx)
    rt = np.where(c < _W - 1, idx + 1, idx)
    nbr = np.stack([up, dn, lf, rt])
    nbr = nbr.reshape(4, _CHUNKS, _C).transpose(1, 0, 2)
    both = np.stack([nbr, nbr + _N])
    return both.reshape(-1).astype(np.int32)


_NBR = _nbr_table()


def _sc_ax_kernel(x_hbm, nbr_hbm, ax_hbm,
                  idxv0, idxv1, idxv2, idxv3, rows0, rows1, axv0, axv1,
                  gsem0, gsem1, isem0, isem1, ssem0, ssem1):
    wid = lax.axis_index("s") * 2 + lax.axis_index("c")
    idxs = (idxv0, idxv1, idxv2, idxv3)
    isems = (isem0, isem1)
    gsems = (gsem0, gsem1)
    ssems = (ssem0, ssem1)
    rows = (rows0, rows1)
    axvs = (axv0, axv1)

    def item(tt):
        b = jnp.where(tt >= _STEPS, 1, 0)
        chunk = (tt - b * _STEPS) * _NW + wid
        return b, chunk, (chunk >= 0) & (chunk < _CHUNKS)

    def nbr_slice(tt):
        b, chunk, _ = item(tt)
        off = (b * _CHUNKS + chunk) * (4 * _C)
        return nbr_hbm.at[pl.ds(off, 4 * _C)]

    def idx_load(tt, k, p):
        _, _, valid = item(tt)

        @pl.when(valid)
        def _():
            pltpu.async_copy(nbr_slice(tt), idxs[k], isems[p])

    def fire(tt, k, p):
        _, _, valid = item(tt)

        @pl.when(valid)
        def _():
            pltpu.make_async_copy(nbr_slice(tt), idxs[k], isems[p]).wait()
            for j in range(4):
                pltpu.async_copy(x_hbm.at[idxs[k].at[pl.ds(j * _C, _C)]],
                                 rows[p].at[pl.ds(j * _C, _C)], gsems[p])

    def drain_store(tt, p):
        b, chunk, valid = item(tt)

        @pl.when(valid)
        def _():
            pltpu.make_async_copy(
                axvs[p], ax_hbm.at[pl.ds(b * _N + chunk * _C, _C)],
                ssems[p]).wait()

    def finish(tt, k, p):
        b, chunk, valid = item(tt)

        @pl.when(valid)
        def _():
            for j in range(4):
                pltpu.make_async_copy(x_hbm.at[idxs[k].at[pl.ds(j * _C, _C)]],
                                      rows[p].at[pl.ds(j * _C, _C)],
                                      gsems[p]).wait()
            base = chunk * _C
            ax_v = axvs[p]
            rows_v = rows[p]

            @pl.loop(0, _C)
            def _(i):
                node = base + i
                cmod = node % _W
                m0 = jnp.where(node >= _W, 1.0, 0.0)
                m1 = jnp.where(node < _N - _W, 1.0, 0.0)
                m2 = jnp.where(cmod > 0, 1.0, 0.0)
                m3 = jnp.where(cmod < _W - 1, 1.0, 0.0)
                for f in range(_F // 16):
                    sl = pl.ds(f * 16, 16)
                    acc = rows_v[i, sl] * m0
                    acc = acc + rows_v[_C + i, sl] * m1
                    acc = acc + rows_v[2 * _C + i, sl] * m2
                    acc = acc + rows_v[3 * _C + i, sl] * m3
                    ax_v[i, sl] = acc

            pltpu.async_copy(ax_v, ax_hbm.at[pl.ds(b * _N + base, _C)],
                             ssems[p])

    idx_load(0, 0, 0)
    fire(0, 0, 0)
    idx_load(1, 1, 1)

    @pl.loop(0, _T, step=4)
    def _(t):
        fire(t + 1, 1, 1)
        idx_load(t + 2, 2, 0)
        drain_store(t - 2, 0)
        finish(t, 0, 0)
        fire(t + 2, 2, 0)
        idx_load(t + 3, 3, 1)
        drain_store(t - 1, 1)
        finish(t + 1, 1, 1)
        fire(t + 3, 3, 1)
        idx_load(t + 4, 0, 0)
        drain_store(t, 0)
        finish(t + 2, 2, 0)
        fire(t + 4, 0, 0)
        idx_load(t + 5, 1, 1)
        drain_store(t + 1, 1)
        finish(t + 3, 3, 1)

    drain_store(_T - 2, 0)
    drain_store(_T - 1, 1)


def _sc_ax(xf):
    mesh = plsc.VectorSubcoreMesh(core_axis_name="c", subcore_axis_name="s")
    k = functools.partial(
        pl.kernel,
        out_type=jax.ShapeDtypeStruct((_B * _N, _F), jnp.float32),
        mesh=mesh,
        scratch_types=(
            [pltpu.VMEM((4 * _C,), jnp.int32)] * 4
            + [pltpu.VMEM((4 * _C, _F), jnp.float32)] * 2
            + [pltpu.VMEM((_C, _F), jnp.float32)] * 2
            + [pltpu.SemaphoreType.DMA] * 6
        ),
    )(_sc_ax_kernel)
    return k(xf, jnp.asarray(_NBR))


_BM = 8000


def _mm_kernel(ax_ref, w_ref, b_ref, o_ref):
    o_ref[...] = (jnp.dot(ax_ref[...], w_ref[...],
                          preferred_element_type=jnp.float32) + b_ref[0])


def kernel(X, W, b, row, col):
    B, N, F = X.shape
    F_out = W.shape[1]
    ax = _sc_ax(X.reshape(B * N, F))
    out = pl.pallas_call(
        _mm_kernel,
        grid=((B * N) // _BM,),
        in_specs=[
            pl.BlockSpec((_BM, F), lambda i: (i, 0)),
            pl.BlockSpec((F, F_out), lambda i: (0, 0)),
            pl.BlockSpec((1, F_out), lambda i: (0, 0)),
        ],
        out_specs=pl.BlockSpec((_BM, F_out), lambda i: (i, 0)),
        out_shape=jax.ShapeDtypeStruct((B * N, F_out), jnp.float32),
    )(ax, W, b.reshape(1, F_out))
    return out.reshape(B, N, F_out)

# --- scband reference (transcript-rebuilt; emitter-appended) ---
"""Pipeline reference for scband-graph-conv-layer-25598005084524 (READ-ONLY COPY).

The authoritative reference and input builder live on the scoring server;
editing this copy changes nothing except your own understanding.
"""

import jax, jax.numpy as jnp
import numpy as np

H_GRID, W_GRID = 250, 400
N = H_GRID * W_GRID
F_IN, F_OUT, B = 128, 128, 2


def _grid_edges(h, w):
    r, c = np.meshgrid(np.arange(h), np.arange(w), indexing='ij')
    i = (r * w + c).ravel()
    rows, cols = [], []
    for dr, dc in [(-1, 0), (1, 0), (0, -1), (0, 1)]:
        rr, cc = r + dr, c + dc
        mask = ((rr >= 0) & (rr < h) & (cc >= 0) & (cc < w)).ravel()
        rows.append(i[mask])
        cols.append((rr * w + cc).ravel()[mask])
    row = np.concatenate(rows).astype(np.int32)
    col = np.concatenate(cols).astype(np.int32)
    order = np.argsort(row, kind='stable')
    return row[order], col[order]


def setup_inputs(seed: int = 0) -> dict:
    key = jax.random.key(seed)
    kx, kw = jax.random.split(key)
    X = jax.random.normal(kx, (B, N, F_IN), dtype=jnp.float32)
    limit = float(np.sqrt(6.0 / (F_IN + F_OUT)))
    W = jax.random.uniform(kw, (F_IN, F_OUT), minval=-limit, maxval=limit, dtype=jnp.float32)
    b = jnp.zeros((F_OUT,), dtype=jnp.float32)
    row_np, col_np = _grid_edges(H_GRID, W_GRID)
    return {
        'X': X,
        'W': W,
        'b': b,
        'row': jnp.asarray(row_np),
        'col': jnp.asarray(col_np),
    }


def reference(X, W, b, row, col):
    # A @ X per batch: scatter-add of neighbor features along edges
    # (sparse_dense_matmul with unit edge weights == segment-sum gather/scatter)
    gathered = X[:, col, :]                       # [B, E, F_in] gather
    AX = jnp.zeros(X.shape, dtype=X.dtype).at[:, row, :].add(gathered)  # scatter-add
    return jnp.einsum('bnf,fo->bno', AX, W) + b   # [B, N, F_out]

if __name__ == "__main__":
    import jax
    _d = setup_inputs()
    print(jax.jit(kernel)(*tuple(_d.values())))

</pallas_src>

<mosaic_0001>
#map = affine_map<(d0, d1) -> (0, 0)>
#map1 = affine_map<(d0, d1) -> (0)>
module attributes {stable_mosaic.version = 14 : i64} {
  func.func @_sc_ax_kernel(%arg0: i32, %arg1: i32, %arg2: memref<200000x128xf32, #tpu.memory_space<hbm>>, %arg3: memref<800000xi32, #tpu.memory_space<hbm>>, %arg4: memref<200000x128xf32, #tpu.memory_space<hbm>>, %arg5: memref<320xi32, #tpu.memory_space<vmem>>, %arg6: memref<320xi32, #tpu.memory_space<vmem>>, %arg7: memref<320xi32, #tpu.memory_space<vmem>>, %arg8: memref<320xi32, #tpu.memory_space<vmem>>, %arg9: memref<320x128xf32, #tpu.memory_space<vmem>>, %arg10: memref<320x128xf32, #tpu.memory_space<vmem>>, %arg11: memref<80x128xf32, #tpu.memory_space<vmem>>, %arg12: memref<80x128xf32, #tpu.memory_space<vmem>>, %arg13: memref<!tpu.dma_semaphore, #tpu.memory_space<semaphore_mem>>, %arg14: memref<!tpu.dma_semaphore, #tpu.memory_space<semaphore_mem>>, %arg15: memref<!tpu.dma_semaphore, #tpu.memory_space<semaphore_mem>>, %arg16: memref<!tpu.dma_semaphore, #tpu.memory_space<semaphore_mem>>, %arg17: memref<!tpu.dma_semaphore, #tpu.memory_space<semaphore_mem>>, %arg18: memref<!tpu.dma_semaphore, #tpu.memory_space<semaphore_mem>>) attributes {dimension_semantics = [#tpu.dimension_semantics<core_parallel>, #tpu.dimension_semantics<subcore_parallel>], iteration_bounds = array<i64: 2, 16>, scalar_prefetch = 0 : i64, scratch_operands = 14 : i64, tpu.core_type = #tpu.core_type<sc_vector_subcore>, window_params = [{transform_indices = #map}, {transform_indices = #map1}, {transform_indices = #map}]} {
    %mul3A = arith.constant 2 : i32
    %mul3A_0 = arith.muli %arg1, %mul3A : i32
    %add3A = arith.addi %mul3A_0, %arg0 : i32
    %jit3A = arith.constant false
    %jit3A_1 = arith.constant 1 : i32
    %jit3A_2 = arith.constant 0 : i32
    %select_n3A = arith.select %jit3A, %jit3A_1, %jit3A_2 : i32
    %mul3A_3 = arith.constant 40 : i32
    %mul3A_4 = arith.muli %select_n3A, %mul3A_3 : i32
    %sub3A = arith.constant 0 : i32
    %sub3A_5 = arith.subi %sub3A, %mul3A_4 : i32
    %mul3A_6 = arith.constant 32 : i32
    %mul3A_7 = arith.muli %sub3A_5, %mul3A_6 : i32
    %add3A_8 = arith.addi %mul3A_7, %add3A : i32
    %ge3A = arith.constant 0 : i32
    %ge3A_9 = arith.cmpi sge, %add3A_8, %ge3A : i32
    %lt3A = arith.constant 1250 : i32
    %lt3A_10 = arith.cmpi slt, %add3A_8, %lt3A : i32
    %and3A = arith.andi %ge3A_9, %lt3A_10 : i1
    %convert_element_type3A = arith.extui %and3A : i1 to i32
    %cond3A = arith.constant 0 : i32
    %cond3A_11 = arith.cmpi ne, %convert_element_type3A, %cond3A : i32
    scf.if %cond3A_11 {
      %jit3A_92 = arith.constant false
      %jit3A_93 = arith.constant 1 : i32
      %jit3A_94 = arith.constant 0 : i32
      %select_n3A_95 = arith.select %jit3A_92, %jit3A_93, %jit3A_94 : i32
      %mul3A_96 = arith.constant 40 : i32
      %mul3A_97 = arith.muli %select_n3A_95, %mul3A_96 : i32
      %sub3A_98 = arith.constant 0 : i32
      %sub3A_99 = arith.subi %sub3A_98, %mul3A_97 : i32
      %mul3A_100 = arith.constant 32 : i32
      %mul3A_101 = arith.muli %sub3A_99, %mul3A_100 : i32
      %add3A_102 = arith.addi %mul3A_101, %add3A : i32
      %ge3A_103 = arith.constant 0 : i32
      %ge3A_104 = arith.cmpi sge, %add3A_102, %ge3A_103 : i32
      %lt3A_105 = arith.constant 1250 : i32
      %lt3A_106 = arith.cmpi slt, %add3A_102, %lt3A_105 : i32
      %and3A_107 = arith.andi %ge3A_104, %lt3A_106 : i1
      %mul3A_108 = arith.constant 1250 : i32
      %mul3A_109 = arith.muli %select_n3A_95, %mul3A_108 : i32
      %add3A_110 = arith.addi %mul3A_109, %add3A_102 : i32
      %mul3A_111 = arith.constant 320 : i32
      %mul3A_112 = arith.muli %add3A_110, %mul3A_111 : i32
      %dma_start3A = tpu.memref_slice %arg3[%mul3A_112] : memref<800000xi32, #tpu.memory_space<hbm>> -> memref<320xi32, #tpu.memory_space<hbm>>
      %dma_start3A_113 = tpu.memref_slice %arg3[%mul3A_112] : memref<800000xi32, #tpu.memory_space<hbm>> -> memref<320xi32, #tpu.memory_space<hbm>>
      tpu.enqueue_dma source(%dma_start3A_113 : memref<320xi32, #tpu.memory_space<hbm>>) target(%arg5 : memref<320xi32, #tpu.memory_space<vmem>>) target_semaphore(%arg15 : memref<!tpu.dma_semaphore, #tpu.memory_space<semaphore_mem>>)
    } else {
    }
    %jit3A_12 = arith.constant false
    %jit3A_13 = arith.constant 1 : i32
    %jit3A_14 = arith.constant 0 : i32
    %select_n3A_15 = arith.select %jit3A_12, %jit3A_13, %jit3A_14 : i32
    %mul3A_16 = arith.constant 40 : i32
    %mul3A_17 = arith.muli %select_n3A_15, %mul3A_16 : i32
    %sub3A_18 = arith.constant 0 : i32
    %sub3A_19 = arith.subi %sub3A_18, %mul3A_17 : i32
    %mul3A_20 = arith.constant 32 : i32
    %mul3A_21 = arith.muli %sub3A_19, %mul3A_20 : i32
    %add3A_22 = arith.addi %mul3A_21, %add3A : i32
    %ge3A_23 = arith.constant 0 : i32
    %ge3A_24 = arith.cmpi sge, %add3A_22, %ge3A_23 : i32
    %lt3A_25 = arith.constant 1250 : i32
    %lt3A_26 = arith.cmpi slt, %add3A_22, %lt3A_25 : i32
    %and3A_27 = arith.andi %ge3A_24, %lt3A_26 : i1
    %convert_element_type3A_28 = arith.extui %and3A_27 : i1 to i32
    %cond3A_29 = arith.constant 0 : i32
    %cond3A_30 = arith.cmpi ne, %convert_element_type3A_28, %cond3A_29 : i32
    scf.if %cond3A_30 {
      %jit3A_92 = arith.constant false
      %jit3A_93 = arith.constant 1 : i32
      %jit3A_94 = arith.constant 0 : i32
      %select_n3A_95 = arith.select %jit3A_92, %jit3A_93, %jit3A_94 : i32
      %mul3A_96 = arith.constant 40 : i32
      %mul3A_97 = arith.muli %select_n3A_95, %mul3A_96 : i32
      %sub3A_98 = arith.constant 0 : i32
      %sub3A_99 = arith.subi %sub3A_98, %mul3A_97 : i32
      %mul3A_100 = arith.constant 32 : i32
      %mul3A_101 = arith.muli %sub3A_99, %mul3A_100 : i32
      %add3A_102 = arith.addi %mul3A_101, %add3A : i32
      %ge3A_103 = arith.constant 0 : i32
      %ge3A_104 = arith.cmpi sge, %add3A_102, %ge3A_103 : i32
      %lt3A_105 = arith.constant 1250 : i32
      %lt3A_106 = arith.cmpi slt, %add3A_102, %lt3A_105 : i32
      %and3A_107 = arith.andi %ge3A_104, %lt3A_106 : i1
      %mul3A_108 = arith.constant 1250 : i32
      %mul3A_109 = arith.muli %select_n3A_95, %mul3A_108 : i32
      %add3A_110 = arith.addi %mul3A_109, %add3A_102 : i32
      %mul3A_111 = arith.constant 320 : i32
      %mul3A_112 = arith.muli %add3A_110, %mul3A_111 : i32
      %dma_wait3A = tpu.memref_slice %arg3[%mul3A_112] : memref<800000xi32, #tpu.memory_space<hbm>> -> memref<320xi32, #tpu.memory_space<hbm>>
      %dma_wait3A_113 = tpu.memref_slice %arg3[%mul3A_112] : memref<800000xi32, #tpu.memory_space<hbm>> -> memref<320xi32, #tpu.memory_space<hbm>>
      tpu.wait_dma2 semaphore(%arg15 : memref<!tpu.dma_semaphore, #tpu.memory_space<semaphore_mem>>) src(%dma_wait3A_113 : memref<320xi32, #tpu.memory_space<hbm>>) dst(%arg5 : memref<320xi32, #tpu.memory_space<vmem>>)
      %dma_start3A = arith.constant 0 : i32
      %dma_start3A_114 = arith.constant 0 : i32
      %dma_start3A_115 = tpu.memref_slice %arg9[%dma_start3A, %dma_start3A_114] : memref<320x128xf32, #tpu.memory_space<vmem>> -> memref<80x128xf32, #tpu.memory_space<vmem>>
      %dma_start3A_116 = arith.constant 0 : i32
      %dma_start3A_117 = tpu.memref_slice %arg5[%dma_start3A_116] : memref<320xi32, #tpu.memory_space<vmem>> -> memref<80xi32, #tpu.memory_space<vmem>>
      %dma_start3A_118 = arith.constant 0 : i32
      %dma_start3A_119 = arith.constant 0 : i32
      %dma_start3A_120 = tpu.memref_slice %arg2[%dma_start3A_118, %dma_start3A_119] : memref<200000x128xf32, #tpu.memory_space<hbm>> -> memref<200000x128xf32, #tpu.memory_space<hbm>>
      tpu.enqueue_indirect_dma source(%dma_start3A_120 : memref<200000x128xf32, #tpu.memory_space<hbm>>) target(%dma_start3A_115 : memref<80x128xf32, #tpu.memory_space<vmem>>) offsets(%dma_start3A_117 : memref<80xi32, #tpu.memory_space<vmem>>) semaphore(%arg13 : memref<!tpu.dma_semaphore, #tpu.memory_space<semaphore_mem>>)
      %dma_start3A_121 = arith.constant 80 : i32
      %dma_start3A_122 = arith.constant 0 : i32
      %dma_start3A_123 = tpu.memref_slice %arg9[%dma_start3A_121, %dma_start3A_122] : memref<320x128xf32, #tpu.memory_space<vmem>> -> memref<80x128xf32, #tpu.memory_space<vmem>>
      %dma_start3A_124 = arith.constant 80 : i32
      %dma_start3A_125 = tpu.memref_slice %arg5[%dma_start3A_124] : memref<320xi32, #tpu.memory_space<vmem>> -> memref<80xi32, #tpu.memory_space<vmem>>
      %dma_start3A_126 = arith.constant 0 : i32
      %dma_start3A_127 = arith.constant 0 : i32
      %dma_start3A_128 = tpu.memref_slice %arg2[%dma_start3A_126, %dma_start3A_127] : memref<200000x128xf32, #tpu.memory_space<hbm>> -> memref<200000x128xf32, #tpu.memory_space<hbm>>
      tpu.enqueue_indirect_dma source(%dma_start3A_128 : memref<200000x128xf32, #tpu.memory_space<hbm>>) target(%dma_start3A_123 : memref<80x128xf32, #tpu.memory_space<vmem>>) offsets(%dma_start3A_125 : memref<80xi32, #tpu.memory_space<vmem>>) semaphore(%arg13 : memref<!tpu.dma_semaphore, #tpu.memory_space<semaphore_mem>>)
      %dma_start3A_129 = arith.constant 160 : i32
      %dma_start3A_130 = arith.constant 0 : i32
      %dma_start3A_131 = tpu.memref_slice %arg9[%dma_start3A_129, %dma_start3A_130] : memref<320x128xf32, #tpu.memory_space<vmem>> -> memref<80x128xf32, #tpu.memory_space<vmem>>
      %dma_start3A_132 = arith.constant 160 : i32
      %dma_start3A_133 = tpu.memref_slice %arg5[%dma_start3A_132] : memref<320xi32, #tpu.memory_space<vmem>> -> memref<80xi32, #tpu.memory_space<vmem>>
      %dma_start3A_134 = arith.constant 0 : i32
      %dma_start3A_135 = arith.constant 0 : i32
      %dma_start3A_136 = tpu.memref_slice %arg2[%dma_start3A_134, %dma_start3A_135] : memref<200000x128xf32, #tpu.memory_space<hbm>> -> memref<200000x128xf32, #tpu.memory_space<hbm>>
      tpu.enqueue_indirect_dma source(%dma_start3A_136 : memref<200000x128xf32, #tpu.memory_space<hbm>>) target(%dma_start3A_131 : memref<80x128xf32, #tpu.memory_space<vmem>>) offsets(%dma_start3A_133 : memref<80xi32, #tpu.memory_space<vmem>>) semaphore(%arg13 : memref<!tpu.dma_semaphore, #tpu.memory_space<semaphore_mem>>)
      %dma_start3A_137 = arith.constant 240 : i32
      %dma_start3A_138 = arith.constant 0 : i32
      %dma_start3A_139 = tpu.memref_slice %arg9[%dma_start3A_137, %dma_start3A_138] : memref<320x128xf32, #tpu.memory_space<vmem>> -> memref<80x128xf32, #tpu.memory_space<vmem>>
      %dma_start3A_140 = arith.constant 240 : i32
      %dma_start3A_141 = tpu.memref_slice %arg5[%dma_start3A_140] : memref<320xi32, #tpu.memory_space<vmem>> -> memref<80xi32, #tpu.memory_space<vmem>>
      %dma_start3A_142 = arith.constant 0 : i32
      %dma_start3A_143 = arith.constant 0 : i32
      %dma_start3A_144 = tpu.memref_slice %arg2[%dma_start3A_142, %dma_start3A_143] : memref<200000x128xf32, #tpu.memory_space<hbm>> -> memref<200000x128xf32, #tpu.memory_space<hbm>>
      tpu.enqueue_indirect_dma source(%dma_start3A_144 : memref<200000x128xf32, #tpu.memory_space<hbm>>) target(%dma_start3A_139 : memref<80x128xf32, #tpu.memory_space<vmem>>) offsets(%dma_start3A_141 : memref<80xi32, #tpu.memory_space<vmem>>) semaphore(%arg13 : memref<!tpu.dma_semaphore, #tpu.memory_space<semaphore_mem>>)
    } else {
    }
    %jit3A_31 = arith.constant false
    %jit3A_32 = arith.constant 1 : i32
    %jit3A_33 = arith.constant 0 : i32
    %select_n3A_34 = arith.select %jit3A_31, %jit3A_32, %jit3A_33 : i32
    %mul3A_35 = arith.constant 40 : i32
    %mul3A_36 = arith.muli %select_n3A_34, %mul3A_35 : i32
    %sub3A_37 = arith.constant 1 : i32
    %sub3A_38 = arith.subi %sub3A_37, %mul3A_36 : i32
    %mul3A_39 = arith.constant 32 : i32
    %mul3A_40 = arith.muli %sub3A_38, %mul3A_39 : i32
    %add3A_41 = arith.addi %mul3A_40, %add3A : i32
    %ge3A_42 = arith.constant 0 : i32
    %ge3A_43 = arith.cmpi sge, %add3A_41, %ge3A_42 : i32
    %lt3A_44 = arith.constant 1250 : i32
    %lt3A_45 = arith.cmpi slt, %add3A_41, %lt3A_44 : i32
    %and3A_46 = arith.andi %ge3A_43, %lt3A_45 : i1
    %convert_element_type3A_47 = arith.extui %and3A_46 : i1 to i32
    %cond3A_48 = arith.constant 0 : i32
    %cond3A_49 = arith.cmpi ne, %convert_element_type3A_47, %cond3A_48 : i32
    scf.if %cond3A_49 {
      %jit3A_92 = arith.constant false
      %jit3A_93 = arith.constant 1 : i32
      %jit3A_94 = arith.constant 0 : i32
      %select_n3A_95 = arith.select %jit3A_92, %jit3A_93, %jit3A_94 : i32
      %mul3A_96 = arith.constant 40 : i32
      %mul3A_97 = arith.muli %select_n3A_95, %mul3A_96 : i32
      %sub3A_98 = arith.constant 1 : i32
      %sub3A_99 = arith.subi %sub3A_98, %mul3A_97 : i32
      %mul3A_100 = arith.constant 32 : i32
      %mul3A_101 = arith.muli %sub3A_99, %mul3A_100 : i32
      %add3A_102 = arith.addi %mul3A_101, %add3A : i32
      %ge3A_103 = arith.constant 0 : i32
      %ge3A_104 = arith.cmpi sge, %add3A_102, %ge3A_103 : i32
      %lt3A_105 = arith.constant 1250 : i32
      %lt3A_106 = arith.cmpi slt, %add3A_102, %lt3A_105 : i32
      %and3A_107 = arith.andi %ge3A_104, %lt3A_106 : i1
      %mul3A_108 = arith.constant 1250 : i32
      %mul3A_109 = arith.muli %select_n3A_95, %mul3A_108 : i32
      %add3A_110 = arith.addi %mul3A_109, %add3A_102 : i32
      %mul3A_111 = arith.constant 320 : i32
      %mul3A_112 = arith.muli %add3A_110, %mul3A_111 : i32
      %dma_start3A = tpu.memref_slice %arg3[%mul3A_112] : memref<800000xi32, #tpu.memory_space<hbm>> -> memref<320xi32, #tpu.memory_space<hbm>>
      %dma_start3A_113 = tpu.memref_slice %arg3[%mul3A_112] : memref<800000xi32, #tpu.memory_space<hbm>> -> memref<320xi32, #tpu.memory_space<hbm>>
      tpu.enqueue_dma source(%dma_start3A_113 : memref<320xi32, #tpu.memory_space<hbm>>) target(%arg6 : memref<320xi32, #tpu.memory_space<vmem>>) target_semaphore(%arg16 : memref<!tpu.dma_semaphore, #tpu.memory_space<semaphore_mem>>)
    } else {
    }
    %scan3A = arith.constant 0 : i32
    %scan3A_50 = arith.constant 20 : i32
    %scan3A_51 = arith.addi %scan3A, %scan3A_50 : i32
    %scan3A_52 = arith.constant 1 : i32
    scf.for %scan3A_92 = %scan3A to %scan3A_51 step %scan3A_52  : i32 {
      %mul3A_93 = arith.constant 4 : i32
      %mul3A_94 = arith.muli %scan3A_92, %mul3A_93 : i32
      %add3A_95 = arith.constant 0 : i32
      %add3A_96 = arith.addi %add3A_95, %mul3A_94 : i32
      %add3A_97 = arith.constant 1 : i32
      %add3A_98 = arith.addi %add3A_96, %add3A_97 : i32
      %ge3A_99 = arith.constant 40 : i32
      %ge3A_100 = arith.cmpi sge, %add3A_98, %ge3A_99 : i32
      %jit3A_101 = arith.constant 1 : i32
      %jit3A_102 = arith.constant 0 : i32
      %select_n3A_103 = arith.select %ge3A_100, %jit3A_101, %jit3A_102 : i32
      %mul3A_104 = arith.constant 40 : i32
      %mul3A_105 = arith.muli %select_n3A_103, %mul3A_104 : i32
      %sub3A_106 = arith.subi %add3A_98, %mul3A_105 : i32
      %mul3A_107 = arith.constant 32 : i32
      %mul3A_108 = arith.muli %sub3A_106, %mul3A_107 : i32
      %add3A_109 = arith.addi %mul3A_108, %add3A : i32
      %ge3A_110 = arith.constant 0 : i32
      %ge3A_111 = arith.cmpi sge, %add3A_109, %ge3A_110 : i32
      %lt3A_112 = arith.constant 1250 : i32
      %lt3A_113 = arith.cmpi slt, %add3A_109, %lt3A_112 : i32
      %and3A_114 = arith.andi %ge3A_111, %lt3A_113 : i1
      %convert_element_type3A_115 = arith.extui %and3A_114 : i1 to i32
      %cond3A_116 = arith.constant 0 : i32
      %cond3A_117 = arith.cmpi ne, %convert_element_type3A_115, %cond3A_116 : i32
      scf.if %cond3A_117 {
        %ge3A_429 = arith.constant 40 : i32
        %ge3A_430 = arith.cmpi sge, %add3A_98, %ge3A_429 : i32
        %jit3A_431 = arith.constant 1 : i32
        %jit3A_432 = arith.constant 0 : i32
        %select_n3A_433 = arith.select %ge3A_430, %jit3A_431, %jit3A_432 : i32
        %mul3A_434 = arith.constant 40 : i32
        %mul3A_435 = arith.muli %select_n3A_433, %mul3A_434 : i32
        %sub3A_436 = arith.subi %add3A_98, %mul3A_435 : i32
        %mul3A_437 = arith.constant 32 : i32
        %mul3A_438 = arith.muli %sub3A_436, %mul3A_437 : i32
        %add3A_439 = arith.addi %mul3A_438, %add3A : i32
        %ge3A_440 = arith.constant 0 : i32
        %ge3A_441 = arith.cmpi sge, %add3A_439, %ge3A_440 : i32
        %lt3A_442 = arith.constant 1250 : i32
        %lt3A_443 = arith.cmpi slt, %add3A_439, %lt3A_442 : i32
        %and3A_444 = arith.andi %ge3A_441, %lt3A_443 : i1
        %mul3A_445 = arith.constant 1250 : i32
        %mul3A_446 = arith.muli %select_n3A_433, %mul3A_445 : i32
        %add3A_447 = arith.addi %mul3A_446, %add3A_439 : i32
        %mul3A_448 = arith.constant 320 : i32
        %mul3A_449 = arith.muli %add3A_447, %mul3A_448 : i32
        %dma_wait3A = tpu.memref_slice %arg3[%mul3A_449] : memref<800000xi32, #tpu.memory_space<hbm>> -> memref<320xi32, #tpu.memory_space<hbm>>
        %dma_wait3A_450 = tpu.memref_slice %arg3[%mul3A_449] : memref<800000xi32, #tpu.memory_space<hbm>> -> memref<320xi32, #tpu.memory_space<hbm>>
        tpu.wait_dma2 semaphore(%arg16 : memref<!tpu.dma_semaphore, #tpu.memory_space<semaphore_mem>>) src(%dma_wait3A_450 : memref<320xi32, #tpu.memory_space<hbm>>) dst(%arg6 : memref<320xi32, #tpu.memory_space<vmem>>)
        %dma_start3A = arith.constant 0 : i32
        %dma_start3A_451 = arith.constant 0 : i32
        %dma_start3A_452 = tpu.memref_slice %arg10[%dma_start3A, %dma_start3A_451] : memref<320x128xf32, #tpu.memory_space<vmem>> -> memref<80x128xf32, #tpu.memory_space<vmem>>
        %dma_start3A_453 = arith.constant 0 : i32
        %dma_start3A_454 = tpu.memref_slice %arg6[%dma_start3A_453] : memref<320xi32, #tpu.memory_space<vmem>> -> memref<80xi32, #tpu.memory_space<vmem>>
        %dma_start3A_455 = arith.constant 0 : i32
        %dma_start3A_456 = arith.constant 0 : i32
        %dma_start3A_457 = tpu.memref_slice %arg2[%dma_start3A_455, %dma_start3A_456] : memref<200000x128xf32, #tpu.memory_space<hbm>> -> memref<200000x128xf32, #tpu.memory_space<hbm>>
        tpu.enqueue_indirect_dma source(%dma_start3A_457 : memref<200000x128xf32, #tpu.memory_space<hbm>>) target(%dma_start3A_452 : memref<80x128xf32, #tpu.memory_space<vmem>>) offsets(%dma_start3A_454 : memref<80xi32, #tpu.memory_space<vmem>>) semaphore(%arg14 : memref<!tpu.dma_semaphore, #tpu.memory_space<semaphore_mem>>)
        %dma_start3A_458 = arith.constant 80 : i32
        %dma_start3A_459 = arith.constant 0 : i32
        %dma_start3A_460 = tpu.memref_slice %arg10[%dma_start3A_458, %dma_start3A_459] : memref<320x128xf32, #tpu.memory_space<vmem>> -> memref<80x128xf32, #tpu.memory_space<vmem>>
        %dma_start3A_461 = arith.constant 80 : i32
        %dma_start3A_462 = tpu.memref_slice %arg6[%dma_start3A_461] : memref<320xi32, #tpu.memory_space<vmem>> -> memref<80xi32, #tpu.memory_space<vmem>>
        %dma_start3A_463 = arith.constant 0 : i32
        %dma_start3A_464 = arith.constant 0 : i32
        %dma_start3A_465 = tpu.memref_slice %arg2[%dma_start3A_463, %dma_start3A_464] : memref<200000x128xf32, #tpu.memory_space<hbm>> -> memref<200000x128xf32, #tpu.memory_space<hbm>>
        tpu.enqueue_indirect_dma source(%dma_start3A_465 : memref<200000x128xf32, #tpu.memory_space<hbm>>) target(%dma_start3A_460 : memref<80x128xf32, #tpu.memory_space<vmem>>) offsets(%dma_start3A_462 : memref<80xi32, #tpu.memory_space<vmem>>) semaphore(%arg14 : memref<!tpu.dma_semaphore, #tpu.memory_space<semaphore_mem>>)
        %dma_start3A_466 = arith.constant 160 : i32
        %dma_start3A_467 = arith.constant 0 : i32
        %dma_start3A_468 = tpu.memref_slice %arg10[%dma_start3A_466, %dma_start3A_467] : memref<320x128xf32, #tpu.memory_space<vmem>> -> memref<80x128xf32, #tpu.memory_space<vmem>>
        %dma_start3A_469 = arith.constant 160 : i32
        %dma_start3A_470 = tpu.memref_slice %arg6[%dma_start3A_469] : memref<320xi32, #tpu.memory_space<vmem>> -> memref<80xi32, #tpu.memory_space<vmem>>
        %dma_start3A_471 = arith.constant 0 : i32
        %dma_start3A_472 = arith.constant 0 : i32
        %dma_start3A_473 = tpu.memref_slice %arg2[%dma_start3A_471, %dma_start3A_472] : memref<200000x128xf32, #tpu.memory_space<hbm>> -> memref<200000x128xf32, #tpu.memory_space<hbm>>
        tpu.enqueue_indirect_dma source(%dma_start3A_473 : memref<200000x128xf32, #tpu.memory_space<hbm>>) target(%dma_start3A_468 : memref<80x128xf32, #tpu.memory_space<vmem>>) offsets(%dma_start3A_470 : memref<80xi32, #tpu.memory_space<vmem>>) semaphore(%arg14 : memref<!tpu.dma_semaphore, #tpu.memory_space<semaphore_mem>>)
        %dma_start3A_474 = arith.constant 240 : i32
        %dma_start3A_475 = arith.constant 0 : i32
        %dma_start3A_476 = tpu.memref_slice %arg10[%dma_start3A_474, %dma_start3A_475] : memref<320x128xf32, #tpu.memory_space<vmem>> -> memref<80x128xf32, #tpu.memory_space<vmem>>
        %dma_start3A_477 = arith.constant 240 : i32
        %dma_start3A_478 = tpu.memref_slice %arg6[%dma_start3A_477] : memref<320xi32, #tpu.memory_space<vmem>> -> memref<80xi32, #tpu.memory_space<vmem>>
        %dma_start3A_479 = arith.constant 0 : i32
        %dma_start3A_480 = arith.constant 0 : i32
        %dma_start3A_481 = tpu.memref_slice %arg2[%dma_start3A_479, %dma_start3A_480] : memref<200000x128xf32, #tpu.memory_space<hbm>> -> memref<200000x128xf32, #tpu.memory_space<hbm>>
        tpu.enqueue_indirect_dma source(%dma_start3A_481 : memref<200000x128xf32, #tpu.memory_space<hbm>>) target(%dma_start3A_476 : memref<80x128xf32, #tpu.memory_space<vmem>>) offsets(%dma_start3A_478 : memref<80xi32, #tpu.memory_space<vmem>>) semaphore(%arg14 : memref<!tpu.dma_semaphore, #tpu.memory_space<semaphore_mem>>)
      } else {
      }
      %add3A_118 = arith.constant 2 : i32
      %add3A_119 = arith.addi %add3A_96, %add3A_118 : i32
      %ge3A_120 = arith.constant 40 : i32
      %ge3A_121 = arith.cmpi sge, %add3A_119, %ge3A_120 : i32
      %jit3A_122 = arith.constant 1 : i32
      %jit3A_123 = arith.constant 0 : i32
      %select_n3A_124 = arith.select %ge3A_121, %jit3A_122, %jit3A_123 : i32
      %mul3A_125 = arith.constant 40 : i32
      %mul3A_126 = arith.muli %select_n3A_124, %mul3A_125 : i32
      %sub3A_127 = arith.subi %add3A_119, %mul3A_126 : i32
      %mul3A_128 = arith.constant 32 : i32
      %mul3A_129 = arith.muli %sub3A_127, %mul3A_128 : i32
      %add3A_130 = arith.addi %mul3A_129, %add3A : i32
      %ge3A_131 = arith.constant 0 : i32
      %ge3A_132 = arith.cmpi sge, %add3A_130, %ge3A_131 : i32
      %lt3A_133 = arith.constant 1250 : i32
      %lt3A_134 = arith.cmpi slt, %add3A_130, %lt3A_133 : i32
      %and3A_135 = arith.andi %ge3A_132, %lt3A_134 : i1
      %convert_element_type3A_136 = arith.extui %and3A_135 : i1 to i32
      %cond3A_137 = arith.constant 0 : i32
      %cond3A_138 = arith.cmpi ne, %convert_element_type3A_136, %cond3A_137 : i32
      scf.if %cond3A_138 {
        %ge3A_429 = arith.constant 40 : i32
        %ge3A_430 = arith.cmpi sge, %add3A_119, %ge3A_429 : i32
        %jit3A_431 = arith.constant 1 : i32
        %jit3A_432 = arith.constant 0 : i32
        %select_n3A_433 = arith.select %ge3A_430, %jit3A_431, %jit3A_432 : i32
        %mul3A_434 = arith.constant 40 : i32
        %mul3A_435 = arith.muli %select_n3A_433, %mul3A_434 : i32
        %sub3A_436 = arith.subi %add3A_119, %mul3A_435 : i32
        %mul3A_437 = arith.constant 32 : i32
        %mul3A_438 = arith.muli %sub3A_436, %mul3A_437 : i32
        %add3A_439 = arith.addi %mul3A_438, %add3A : i32
        %ge3A_440 = arith.constant 0 : i32
        %ge3A_441 = arith.cmpi sge, %add3A_439, %ge3A_440 : i32
        %lt3A_442 = arith.constant 1250 : i32
        %lt3A_443 = arith.cmpi slt, %add3A_439, %lt3A_442 : i32
        %and3A_444 = arith.andi %ge3A_441, %lt3A_443 : i1
        %mul3A_445 = arith.constant 1250 : i32
        %mul3A_446 = arith.muli %select_n3A_433, %mul3A_445 : i32
        %add3A_447 = arith.addi %mul3A_446, %add3A_439 : i32
        %mul3A_448 = arith.constant 320 : i32
        %mul3A_449 = arith.muli %add3A_447, %mul3A_448 : i32
        %dma_start3A = tpu.memref_slice %arg3[%mul3A_449] : memref<800000xi32, #tpu.memory_space<hbm>> -> memref<320xi32, #tpu.memory_space<hbm>>
        %dma_start3A_450 = tpu.memref_slice %arg3[%mul3A_449] : memref<800000xi32, #tpu.memory_space<hbm>> -> memref<320xi32, #tpu.memory_space<hbm>>
        tpu.enqueue_dma source(%dma_start3A_450 : memref<320xi32, #tpu.memory_space<hbm>>) target(%arg7 : memref<320xi32, #tpu.memory_space<vmem>>) target_semaphore(%arg15 : memref<!tpu.dma_semaphore, #tpu.memory_space<semaphore_mem>>)
      } else {
      }
      %sub3A_139 = arith.constant 2 : i32
      %sub3A_140 = arith.subi %add3A_96, %sub3A_139 : i32
      %ge3A_141 = arith.constant 40 : i32
      %ge3A_142 = arith.cmpi sge, %sub3A_140, %ge3A_141 : i32
      %jit3A_143 = arith.constant 1 : i32
      %jit3A_144 = arith.constant 0 : i32
      %select_n3A_145 = arith.select %ge3A_142, %jit3A_143, %jit3A_144 : i32
      %mul3A_146 = arith.constant 40 : i32
      %mul3A_147 = arith.muli %select_n3A_145, %mul3A_146 : i32
      %sub3A_148 = arith.subi %sub3A_140, %mul3A_147 : i32
      %mul3A_149 = arith.constant 32 : i32
      %mul3A_150 = arith.muli %sub3A_148, %mul3A_149 : i32
      %add3A_151 = arith.addi %mul3A_150, %add3A : i32
      %ge3A_152 = arith.constant 0 : i32
      %ge3A_153 = arith.cmpi sge, %add3A_151, %ge3A_152 : i32
      %lt3A_154 = arith.constant 1250 : i32
      %lt3A_155 = arith.cmpi slt, %add3A_151, %lt3A_154 : i32
      %and3A_156 = arith.andi %ge3A_153, %lt3A_155 : i1
      %convert_element_type3A_157 = arith.extui %and3A_156 : i1 to i32
      %cond3A_158 = arith.constant 0 : i32
      %cond3A_159 = arith.cmpi ne, %convert_element_type3A_157, %cond3A_158 : i32
      scf.if %cond3A_159 {
        %mul3A_429 = arith.constant 100000 : i32
        %mul3A_430 = arith.muli %select_n3A_145, %mul3A_429 : i32
        %mul3A_431 = arith.constant 80 : i32
        %mul3A_432 = arith.muli %add3A_151, %mul3A_431 : i32
        %add3A_433 = arith.addi %mul3A_430, %mul3A_432 : i32
        %dma_wait3A = arith.constant 0 : i32
        %dma_wait3A_434 = tpu.memref_slice %arg4[%add3A_433, %dma_wait3A] : memref<200000x128xf32, #tpu.memory_space<hbm>> -> memref<80x128xf32, #tpu.memory_space<hbm>>
        %dma_wait3A_435 = arith.constant 0 : i32
        %dma_wait3A_436 = tpu.memref_slice %arg4[%add3A_433, %dma_wait3A_435] : memref<200000x128xf32, #tpu.memory_space<hbm>> -> memref<80x128xf32, #tpu.memory_space<hbm>>
        tpu.wait_dma2 semaphore(%arg17 : memref<!tpu.dma_semaphore, #tpu.memory_space<semaphore_mem>>) src(%arg11 : memref<80x128xf32, #tpu.memory_space<vmem>>) dst(%dma_wait3A_436 : memref<80x128xf32, #tpu.memory_space<hbm>>)
      } else {
      }
      %ge3A_160 = arith.constant 40 : i32
      %ge3A_161 = arith.cmpi sge, %add3A_96, %ge3A_160 : i32
      %jit3A_162 = arith.constant 1 : i32
      %jit3A_163 = arith.constant 0 : i32
      %select_n3A_164 = arith.select %ge3A_161, %jit3A_162, %jit3A_163 : i32
      %mul3A_165 = arith.constant 40 : i32
      %mul3A_166 = arith.muli %select_n3A_164, %mul3A_165 : i32
      %sub3A_167 = arith.subi %add3A_96, %mul3A_166 : i32
      %mul3A_168 = arith.constant 32 : i32
      %mul3A_169 = arith.muli %sub3A_167, %mul3A_168 : i32
      %add3A_170 = arith.addi %mul3A_169, %add3A : i32
      %ge3A_171 = arith.constant 0 : i32
      %ge3A_172 = arith.cmpi sge, %add3A_170, %ge3A_171 : i32
      %lt3A_173 = arith.constant 1250 : i32
      %lt3A_174 = arith.cmpi slt, %add3A_170, %lt3A_173 : i32
      %and3A_175 = arith.andi %ge3A_172, %lt3A_174 : i1
      %convert_element_type3A_176 = arith.extui %and3A_175 : i1 to i32
      %cond3A_177 = arith.constant 0 : i32
      %cond3A_178 = arith.cmpi ne, %convert_element_type3A_176, %cond3A_177 : i32
      scf.if %cond3A_178 {
        %dma_wait3A = arith.constant 0 : i32
        %dma_wait3A_429 = arith.constant 0 : i32
        %dma_wait3A_430 = tpu.memref_slice %arg9[%dma_wait3A, %dma_wait3A_429] : memref<320x128xf32, #tpu.memory_space<vmem>> -> memref<80x128xf32, #tpu.memory_space<vmem>>
        %dma_wait3A_431 = arith.constant 0 : i32
        %dma_wait3A_432 = tpu.memref_slice %arg5[%dma_wait3A_431] : memref<320xi32, #tpu.memory_space<vmem>> -> memref<80xi32, #tpu.memory_space<vmem>>
        %dma_wait3A_433 = arith.constant 0 : i32
        %dma_wait3A_434 = arith.constant 0 : i32
        %dma_wait3A_435 = tpu.memref_slice %arg2[%dma_wait3A_433, %dma_wait3A_434] : memref<200000x128xf32, #tpu.memory_space<hbm>> -> memref<200000x128xf32, #tpu.memory_space<hbm>>
        tpu.wait_indirect_dma semaphore(%arg13 : memref<!tpu.dma_semaphore, #tpu.memory_space<semaphore_mem>>) src(%dma_wait3A_435 : memref<200000x128xf32, #tpu.memory_space<hbm>>) dst(%dma_wait3A_430 : memref<80x128xf32, #tpu.memory_space<vmem>>)
        %dma_wait3A_436 = arith.constant 80 : i32
        %dma_wait3A_437 = arith.constant 0 : i32
        %dma_wait3A_438 = tpu.memref_slice %arg9[%dma_wait3A_436, %dma_wait3A_437] : memref<320x128xf32, #tpu.memory_space<vmem>> -> memref<80x128xf32, #tpu.memory_space<vmem>>
        %dma_wait3A_439 = arith.constant 80 : i32
        %dma_wait3A_440 = tpu.memref_slice %arg5[%dma_wait3A_439] : memref<320xi32, #tpu.memory_space<vmem>> -> memref<80xi32, #tpu.memory_space<vmem>>
        %dma_wait3A_441 = arith.constant 0 : i32
        %dma_wait3A_442 = arith.constant 0 : i32
        %dma_wait3A_443 = tpu.memref_slice %arg2[%dma_wait3A_441, %dma_wait3A_442] : memref<200000x128xf32, #tpu.memory_space<hbm>> -> memref<200000x128xf32, #tpu.memory_space<hbm>>
        tpu.wait_indirect_dma semaphore(%arg13 : memref<!tpu.dma_semaphore, #tpu.memory_space<semaphore_mem>>) src(%dma_wait3A_443 : memref<200000x128xf32, #tpu.memory_space<hbm>>) dst(%dma_wait3A_438 : memref<80x128xf32, #tpu.memory_space<vmem>>)
        %dma_wait3A_444 = arith.constant 160 : i32
        %dma_wait3A_445 = arith.constant 0 : i32
        %dma_wait3A_446 = tpu.memref_slice %arg9[%dma_wait3A_444, %dma_wait3A_445] : memref<320x128xf32, #tpu.memory_space<vmem>> -> memref<80x128xf32, #tpu.memory_space<vmem>>
        %dma_wait3A_447 = arith.constant 160 : i32
        %dma_wait3A_448 = tpu.memref_slice %arg5[%dma_wait3A_447] : memref<320xi32, #tpu.memory_space<vmem>> -> memref<80xi32, #tpu.memory_space<vmem>>
        %dma_wait3A_449 = arith.constant 0 : i32
        %dma_wait3A_450 = arith.constant 0 : i32
        %dma_wait3A_451 = tpu.memref_slice %arg2[%dma_wait3A_449, %dma_wait3A_450] : memref<200000x128xf32, #tpu.memory_space<hbm>> -> memref<200000x128xf32, #tpu.memory_space<hbm>>
        tpu.wait_indirect_dma semaphore(%arg13 : memref<!tpu.dma_semaphore, #tpu.memory_space<semaphore_mem>>) src(%dma_wait3A_451 : memref<200000x128xf32, #tpu.memory_space<hbm>>) dst(%dma_wait3A_446 : memref<80x128xf32, #tpu.memory_space<vmem>>)
        %dma_wait3A_452 = arith.constant 240 : i32
        %dma_wait3A_453 = arith.constant 0 : i32
        %dma_wait3A_454 = tpu.memref_slice %arg9[%dma_wait3A_452, %dma_wait3A_453] : memref<320x128xf32, #tpu.memory_space<vmem>> -> memref<80x128xf32, #tpu.memory_space<vmem>>
        %dma_wait3A_455 = arith.constant 240 : i32
        %dma_wait3A_456 = tpu.memref_slice %arg5[%dma_wait3A_455] : memref<320xi32, #tpu.memory_space<vmem>> -> memref<80xi32, #tpu.memory_space<vmem>>
        %dma_wait3A_457 = arith.constant 0 : i32
        %dma_wait3A_458 = arith.constant 0 : i32
        %dma_wait3A_459 = tpu.memref_slice %arg2[%dma_wait3A_457, %dma_wait3A_458] : memref<200000x128xf32, #tpu.memory_space<hbm>> -> memref<200000x128xf32, #tpu.memory_space<hbm>>
        tpu.wait_indirect_dma semaphore(%arg13 : memref<!tpu.dma_semaphore, #tpu.memory_space<semaphore_mem>>) src(%dma_wait3A_459 : memref<200000x128xf32, #tpu.memory_space<hbm>>) dst(%dma_wait3A_454 : memref<80x128xf32, #tpu.memory_space<vmem>>)
        %mul3A_460 = arith.constant 80 : i32
        %mul3A_461 = arith.muli %add3A_170, %mul3A_460 : i32
        %scan3A_462 = arith.constant 0 : i32
        %scan3A_463 = arith.constant 80 : i32
        %scan3A_464 = arith.addi %scan3A_462, %scan3A_463 : i32
        %scan3A_465 = arith.constant 1 : i32
        scf.for %scan3A_473 = %scan3A_462 to %scan3A_464 step %scan3A_465  : i32 {
          %mul3A_474 = arith.constant 1 : i32
          %mul3A_475 = arith.muli %scan3A_473, %mul3A_474 : i32
          %add3A_476 = arith.constant 0 : i32
          %add3A_477 = arith.addi %add3A_476, %mul3A_475 : i32
          %add3A_478 = arith.addi %mul3A_461, %add3A_477 : i32
          %jit3A_479 = arith.constant 400 : i32
          %eq3A = arith.constant 0 : i32
          %eq3A_480 = arith.cmpi eq, %jit3A_479, %eq3A : i32
          %jit3A_481 = arith.constant 1 : i32
          %select_n3A_482 = arith.select %eq3A_480, %jit3A_481, %jit3A_479 : i32
          %rem3A = arith.remsi %add3A_478, %select_n3A_482 : i32
          %ne3A = arith.constant 0 : i32
          %ne3A_483 = arith.cmpi ne, %rem3A, %ne3A : i32
          %lt3A_484 = arith.constant 0 : i32
          %lt3A_485 = arith.cmpi slt, %rem3A, %lt3A_484 : i32
          %lt3A_486 = arith.constant 0 : i32
          %lt3A_487 = arith.cmpi slt, %select_n3A_482, %lt3A_486 : i32
          %ne3A_488 = arith.xori %lt3A_485, %lt3A_487 : i1
          %and3A_489 = arith.andi %ne3A_488, %ne3A_483 : i1
          %add3A_490 = arith.addi %rem3A, %select_n3A_482 : i32
          %select_n3A_491 = arith.select %and3A_489, %add3A_490, %rem3A : i32
          %ge3A_492 = arith.constant 400 : i32
          %ge3A_493 = arith.cmpi sge, %add3A_478, %ge3A_492 : i32
          %jit3A_494 = arith.constant 1.000000e+00 : f32
          %jit3A_495 = arith.constant 0.000000e+00 : f32
          %select_n3A_496 = arith.select %ge3A_493, %jit3A_494, %jit3A_495 : f32
          %lt3A_497 = arith.constant 99600 : i32
          %lt3A_498 = arith.cmpi slt, %add3A_478, %lt3A_497 : i32
          %jit3A_499 = arith.constant 1.000000e+00 : f32
          %jit3A_500 = arith.constant 0.000000e+00 : f32
          %select_n3A_501 = arith.select %lt3A_498, %jit3A_499, %jit3A_500 : f32
          %gt3A = arith.constant 0 : i32
          %gt3A_502 = arith.cmpi sgt, %select_n3A_491, %gt3A : i32
          %jit3A_503 = arith.constant 1.000000e+00 : f32
          %jit3A_504 = arith.constant 0.000000e+00 : f32
          %select_n3A_505 = arith.select %gt3A_502, %jit3A_503, %jit3A_504 : f32
          %lt3A_506 = arith.constant 399 : i32
          %lt3A_507 = arith.cmpi slt, %select_n3A_491, %lt3A_506 : i32
          %jit3A_508 = arith.constant 1.000000e+00 : f32
          %jit3A_509 = arith.constant 0.000000e+00 : f32
          %select_n3A_510 = arith.select %lt3A_507, %jit3A_508, %jit3A_509 : f32
          %get3A = arith.index_cast %add3A_477 : i32 to index
          %get3A_511 = arith.constant 0 : index
          %get3A_512 = tpu.vector_load %arg9[%get3A, %get3A_511] {strides = array<i32>} : memref<320x128xf32, #tpu.memory_space<vmem>>, vector<1x16xf32>,
          %get3A_513 = vector.shape_cast %get3A_512 : vector<1x16xf32> to vector<16xf32>
          %mul3A_514 = vector.broadcast %select_n3A_496 : f32 to vector<16xf32>
          %mul3A_515 = arith.mulf %get3A_513, %mul3A_514 : vector<16xf32>
          %add3A_516 = arith.constant 80 : i32
          %add3A_517 = arith.addi %add3A_516, %add3A_477 : i32
          %get3A_518 = arith.index_cast %add3A_517 : i32 to index
          %get3A_519 = arith.constant 0 : index
          %get3A_520 = tpu.vector_load %arg9[%get3A_518, %get3A_519] {strides = array<i32>} : memref<320x128xf32, #tpu.memory_space<vmem>>, vector<1x16xf32>,
          %get3A_521 = vector.shape_cast %get3A_520 : vector<1x16xf32> to vector<16xf32>
          %mul3A_522 = vector.broadcast %select_n3A_501 : f32 to vector<16xf32>
          %mul3A_523 = arith.mulf %get3A_521, %mul3A_522 : vector<16xf32>
          %add3A_524 = arith.addf %mul3A_515, %mul3A_523 : vector<16xf32>
          %add3A_525 = arith.constant 160 : i32
          %add3A_526 = arith.addi %add3A_525, %add3A_477 : i32
          %get3A_527 = arith.index_cast %add3A_526 : i32 to index
          %get3A_528 = arith.constant 0 : index
          %get3A_529 = tpu.vector_load %arg9[%get3A_527, %get3A_528] {strides = array<i32>} : memref<320x128xf32, #tpu.memory_space<vmem>>, vector<1x16xf32>,
          %get3A_530 = vector.shape_cast %get3A_529 : vector<1x16xf32> to vector<16xf32>
          %mul3A_531 = vector.broadcast %select_n3A_505 : f32 to vector<16xf32>
          %mul3A_532 = arith.mulf %get3A_530, %mul3A_531 : vector<16xf32>
          %add3A_533 = arith.addf %add3A_524, %mul3A_532 : vector<16xf32>
          %add3A_534 = arith.constant 240 : i32
          %add3A_535 = arith.addi %add3A_534, %add3A_477 : i32
          %get3A_536 = arith.index_cast %add3A_535 : i32 to index
          %get3A_537 = arith.constant 0 : index
          %get3A_538 = tpu.vector_load %arg9[%get3A_536, %get3A_537] {strides = array<i32>} : memref<320x128xf32, #tpu.memory_space<vmem>>, vector<1x16xf32>,
          %get3A_539 = vector.shape_cast %get3A_538 : vector<1x16xf32> to vector<16xf32>
          %mul3A_540 = vector.broadcast %select_n3A_510 : f32 to vector<16xf32>
          %mul3A_541 = arith.mulf %get3A_539, %mul3A_540 : vector<16xf32>
          %add3A_542 = arith.addf %add3A_533, %mul3A_541 : vector<16xf32>
          %swap3A = arith.index_cast %add3A_477 : i32 to index
          %swap3A_543 = arith.constant 0 : index
          %swap3A_544 = tpu.vector_load %arg11[%swap3A, %swap3A_543] {strides = array<i32>} : memref<80x128xf32, #tpu.memory_space<vmem>>, vector<1x16xf32>,
          %swap3A_545 = vector.shape_cast %swap3A_544 : vector<1x16xf32> to vector<16xf32>
          %swap3A_546 = vector.shape_cast %add3A_542 : vector<16xf32> to vector<1x16xf32>
          tpu.vector_store %arg11[%swap3A, %swap3A_543], %swap3A_546 {strides = array<i32>} : memref<80x128xf32, #tpu.memory_space<vmem>>, vector<1x16xf32>,
          %get3A_547 = arith.index_cast %add3A_477 : i32 to index
          %get3A_548 = arith.constant 16 : index
          %get3A_549 = tpu.vector_load %arg9[%get3A_547, %get3A_548] {strides = array<i32>} : memref<320x128xf32, #tpu.memory_space<vmem>>, vector<1x16xf32>,
          %get3A_550 = vector.shape_cast %get3A_549 : vector<1x16xf32> to vector<16xf32>
          %mul3A_551 = vector.broadcast %select_n3A_496 : f32 to vector<16xf32>
          %mul3A_552 = arith.mulf %get3A_550, %mul3A_551 : vector<16xf32>
          %add3A_553 = arith.constant 80 : i32
          %add3A_554 = arith.addi %add3A_553, %add3A_477 : i32
          %get3A_555 = arith.index_cast %add3A_554 : i32 to index
          %get3A_556 = arith.constant 16 : index
          %get3A_557 = tpu.vector_load %arg9[%get3A_555, %get3A_556] {strides = array<i32>} : memref<320x128xf32, #tpu.memory_space<vmem>>, vector<1x16xf32>,
          %get3A_558 = vector.shape_cast %get3A_557 : vector<1x16xf32> to vector<16xf32>
          %mul3A_559 = vector.broadcast %select_n3A_501 : f32 to vector<16xf32>
          %mul3A_560 = arith.mulf %get3A_558, %mul3A_559 : vector<16xf32>
          %add3A_561 = arith.addf %mul3A_552, %mul3A_560 : vector<16xf32>
          %add3A_562 = arith.constant 160 : i32
          %add3A_563 = arith.addi %add3A_562, %add3A_477 : i32
          %get3A_564 = arith.index_cast %add3A_563 : i32 to index
          %get3A_565 = arith.constant 16 : index
          %get3A_566 = tpu.vector_load %arg9[%get3A_564, %get3A_565] {strides = array<i32>} : memref<320x128xf32, #tpu.memory_space<vmem>>, vector<1x16xf32>,
          %get3A_567 = vector.shape_cast %get3A_566 : vector<1x16xf32> to vector<16xf32>
          %mul3A_568 = vector.broadcast %select_n3A_505 : f32 to vector<16xf32>
          %mul3A_569 = arith.mulf %get3A_567, %mul3A_568 : vector<16xf32>
          %add3A_570 = arith.addf %add3A_561, %mul3A_569 : vector<16xf32>
          %add3A_571 = arith.constant 240 : i32
          %add3A_572 = arith.addi %add3A_571, %add3A_477 : i32
          %get3A_573 = arith.index_cast %add3A_572 : i32 to index
          %get3A_574 = arith.constant 16 : index
          %get3A_575 = tpu.vector_load %arg9[%get3A_573, %get3A_574] {strides = array<i32>} : memref<320x128xf32, #tpu.memory_space<vmem>>, vector<1x16xf32>,
          %get3A_576 = vector.shape_cast %get3A_575 : vector<1x16xf32> to vector<16xf32>
          %mul3A_577 = vector.broadcast %select_n3A_510 : f32 to vector<16xf32>
          %mul3A_578 = arith.mulf %get3A_576, %mul3A_577 : vector<16xf32>
          %add3A_579 = arith.addf %add3A_570, %mul3A_578 : vector<16xf32>
          %swap3A_580 = arith.index_cast %add3A_477 : i32 to index
          %swap3A_581 = arith.constant 16 : index
          %swap3A_582 = tpu.vector_load %arg11[%swap3A_580, %swap3A_581] {strides = array<i32>} : memref<80x128xf32, #tpu.memory_space<vmem>>, vector<1x16xf32>,
          %swap3A_583 = vector.shape_cast %swap3A_582 : vector<1x16xf32> to vector<16xf32>
          %swap3A_584 = vector.shape_cast %add3A_579 : vector<16xf32> to vector<1x16xf32>
          tpu.vector_store %arg11[%swap3A_580, %swap3A_581], %swap3A_584 {strides = array<i32>} : memref<80x128xf32, #tpu.memory_space<vmem>>, vector<1x16xf32>,
          %get3A_585 = arith.index_cast %add3A_477 : i32 to index
          %get3A_586 = arith.constant 32 : index
          %get3A_587 = tpu.vector_load %arg9[%get3A_585, %get3A_586] {strides = array<i32>} : memref<320x128xf32, #tpu.memory_space<vmem>>, vector<1x16xf32>,
          %get3A_588 = vector.shape_cast %get3A_587 : vector<1x16xf32> to vector<16xf32>
          %mul3A_589 = vector.broadcast %select_n3A_496 : f32 to vector<16xf32>
          %mul3A_590 = arith.mulf %get3A_588, %mul3A_589 : vector<16xf32>
          %add3A_591 = arith.constant 80 : i32
          %add3A_592 = arith.addi %add3A_591, %add3A_477 : i32
          %get3A_593 = arith.index_cast %add3A_592 : i32 to index
          %get3A_594 = arith.constant 32 : index
          %get3A_595 = tpu.vector_load %arg9[%get3A_593, %get3A_594] {strides = array<i32>} : memref<320x128xf32, #tpu.memory_space<vmem>>, vector<1x16xf32>,
          %get3A_596 = vector.shape_cast %get3A_595 : vector<1x16xf32> to vector<16xf32>
          %mul3A_597 = vector.broadcast %select_n3A_501 : f32 to vector<16xf32>
          %mul3A_598 = arith.mulf %get3A_596, %mul3A_597 : vector<16xf32>
          %add3A_599 = arith.addf %mul3A_590, %mul3A_598 : vector<16xf32>
          %add3A_600 = arith.constant 160 : i32
          %add3A_601 = arith.addi %add3A_600, %add3A_477 : i32
          %get3A_602 = arith.index_cast %add3A_601 : i32 to index
          %get3A_603 = arith.constant 32 : index
          %get3A_604 = tpu.vector_load %arg9[%get3A_602, %get3A_603] {strides = array<i32>} : memref<320x128xf32, #tpu.memory_space<vmem>>, vector<1x16xf32>,
          %get3A_605 = vector.shape_cast %get3A_604 : vector<1x16xf32> to vector<16xf32>
          %mul3A_606 = vector.broadcast %select_n3A_505 : f32 to vector<16xf32>
          %mul3A_607 = arith.mulf %get3A_605, %mul3A_606 : vector<16xf32>
          %add3A_608 = arith.addf %add3A_599, %mul3A_607 : vector<16xf32>
          %add3A_609 = arith.constant 240 : i32
          %add3A_610 = arith.addi %add3A_609, %add3A_477 : i32
          %get3A_611 = arith.index_cast %add3A_610 : i32 to index
          %get3A_612 = arith.constant 32 : index
          %get3A_613 = tpu.vector_load %arg9[%get3A_611, %get3A_612] {strides = array<i32>} : memref<320x128xf32, #tpu.memory_space<vmem>>, vector<1x16xf32>,
          %get3A_614 = vector.shape_cast %get3A_613 : vector<1x16xf32> to vector<16xf32>
          %mul3A_615 = vector.broadcast %select_n3A_510 : f32 to vector<16xf32>
          %mul3A_616 = arith.mulf %get3A_614, %mul3A_615 : vector<16xf32>
          %add3A_617 = arith.addf %add3A_608, %mul3A_616 : vector<16xf32>
          %swap3A_618 = arith.index_cast %add3A_477 : i32 to index
          %swap3A_619 = arith.constant 32 : index
          %swap3A_620 = tpu.vector_load %arg11[%swap3A_618, %swap3A_619] {strides = array<i32>} : memref<80x128xf32, #tpu.memory_space<vmem>>, vector<1x16xf32>,
          %swap3A_621 = vector.shape_cast %swap3A_620 : vector<1x16xf32> to vector<16xf32>
          %swap3A_622 = vector.shape_cast %add3A_617 : vector<16xf32> to vector<1x16xf32>
          tpu.vector_store %arg11[%swap3A_618, %swap3A_619], %swap3A_622 {strides = array<i32>} : memref<80x128xf32, #tpu.memory_space<vmem>>, vector<1x16xf32>,
          %get3A_623 = arith.index_cast %add3A_477 : i32 to index
          %get3A_624 = arith.constant 48 : index
          %get3A_625 = tpu.vector_load %arg9[%get3A_623, %get3A_624] {strides = array<i32>} : memref<320x128xf32, #tpu.memory_space<vmem>>, vector<1x16xf32>,
          %get3A_626 = vector.shape_cast %get3A_625 : vector<1x16xf32> to vector<16xf32>
          %mul3A_627 = vector.broadcast %select_n3A_496 : f32 to vector<16xf32>
          %mul3A_628 = arith.mulf %get3A_626, %mul3A_627 : vector<16xf32>
          %add3A_629 = arith.constant 80 : i32
          %add3A_630 = arith.addi %add3A_629, %add3A_477 : i32
          %get3A_631 = arith.index_cast %add3A_630 : i32 to index
          %get3A_632 = arith.constant 48 : index
          %get3A_633 = tpu.vector_load %arg9[%get3A_631, %get3A_632] {strides = array<i32>} : memref<320x128xf32, #tpu.memory_space<vmem>>, vector<1x16xf32>,
          %get3A_634 = vector.shape_cast %get3A_633 : vector<1x16xf32> to vector<16xf32>
          %mul3A_635 = vector.broadcast %select_n3A_501 : f32 to vector<16xf32>
          %mul3A_636 = arith.mulf %get3A_634, %mul3A_635 : vector<16xf32>
          %add3A_637 = arith.addf %mul3A_628, %mul3A_636 : vector<16xf32>
          %add3A_638 = arith.constant 160 : i32
          %add3A_639 = arith.addi %add3A_638, %add3A_477 : i32
          %get3A_640 = arith.index_cast %add3A_639 : i32 to index
          %get3A_641 = arith.constant 48 : index
          %get3A_642 = tpu.vector_load %arg9[%get3A_640, %get3A_641] {strides = array<i32>} : memref<320x128xf32, #tpu.memory_space<vmem>>, vector<1x16xf32>,
          %get3A_643 = vector.shape_cast %get3A_642 : vector<1x16xf32> to vector<16xf32>
          %mul3A_644 = vector.broadcast %select_n3A_505 : f32 to vector<16xf32>
          %mul3A_645 = arith.mulf %get3A_643, %mul3A_644 : vector<16xf32>
          %add3A_646 = arith.addf %add3A_637, %mul3A_645 : vector<16xf32>
          %add3A_647 = arith.constant 240 : i32
          %add3A_648 = arith.addi %add3A_647, %add3A_477 : i32
          %get3A_649 = arith.index_cast %add3A_648 : i32 to index
          %get3A_650 = arith.constant 48 : index
          %get3A_651 = tpu.vector_load %arg9[%get3A_649, %get3A_650] {strides = array<i32>} : memref<320x128xf32, #tpu.memory_space<vmem>>, vector<1x16xf32>,
          %get3A_652 = vector.shape_cast %get3A_651 : vector<1x16xf32> to vector<16xf32>
          %mul3A_653 = vector.broadcast %select_n3A_510 : f32 to vector<16xf32>
          %mul3A_654 = arith.mulf %get3A_652, %mul3A_653 : vector<16xf32>
          %add3A_655 = arith.addf %add3A_646, %mul3A_654 : vector<16xf32>
          %swap3A_656 = arith.index_cast %add3A_477 : i32 to index
          %swap3A_657 = arith.constant 48 : index
          %swap3A_658 = tpu.vector_load %arg11[%swap3A_656, %swap3A_657] {strides = array<i32>} : memref<80x128xf32, #tpu.memory_space<vmem>>, vector<1x16xf32>,
          %swap3A_659 = vector.shape_cast %swap3A_658 : vector<1x16xf32> to vector<16xf32>
          %swap3A_660 = vector.shape_cast %add3A_655 : vector<16xf32> to vector<1x16xf32>
          tpu.vector_store %arg11[%swap3A_656, %swap3A_657], %swap3A_660 {strides = array<i32>} : memref<80x128xf32, #tpu.memory_space<vmem>>, vector<1x16xf32>,
          %get3A_661 = arith.index_cast %add3A_477 : i32 to index
          %get3A_662 = arith.constant 64 : index
          %get3A_663 = tpu.vector_load %arg9[%get3A_661, %get3A_662] {strides = array<i32>} : memref<320x128xf32, #tpu.memory_space<vmem>>, vector<1x16xf32>,
          %get3A_664 = vector.shape_cast %get3A_663 : vector<1x16xf32> to vector<16xf32>
          %mul3A_665 = vector.broadcast %select_n3A_496 : f32 to vector<16xf32>
          %mul3A_666 = arith.mulf %get3A_664, %mul3A_665 : vector<16xf32>
          %add3A_667 = arith.constant 80 : i32
          %add3A_668 = arith.addi %add3A_667, %add3A_477 : i32
          %get3A_669 = arith.index_cast %add3A_668 : i32 to index
          %get3A_670 = arith.constant 64 : index
          %get3A_671 = tpu.vector_load %arg9[%get3A_669, %get3A_670] {strides = array<i32>} : memref<320x128xf32, #tpu.memory_space<vmem>>, vector<1x16xf32>,
          %get3A_672 = vector.shape_cast %get3A_671 : vector<1x16xf32> to vector<16xf32>
          %mul3A_673 = vector.broadcast %select_n3A_501 : f32 to vector<16xf32>
          %mul3A_674 = arith.mulf %get3A_672, %mul3A_673 : vector<16xf32>
          %add3A_675 = arith.addf %mul3A_666, %mul3A_674 : vector<16xf32>
          %add3A_676 = arith.constant 160 : i32
          %add3A_677 = arith.addi %add3A_676, %add3A_477 : i32
          %get3A_678 = arith.index_cast %add3A_677 : i32 to index
          %get3A_679 = arith.constant 64 : index
          %get3A_680 = tpu.vector_load %arg9[%get3A_678, %get3A_679] {strides = array<i32>} : memref<320x128xf32, #tpu.memory_space<vmem>>, vector<1x16xf32>,
          %get3A_681 = vector.shape_cast %get3A_680 : vector<1x16xf32> to vector<16xf32>
          %mul3A_682 = vector.broadcast %select_n3A_505 : f32 to vector<16xf32>
          %mul3A_683 = arith.mulf %get3A_681, %mul3A_682 : vector<16xf32>
          %add3A_684 = arith.addf %add3A_675, %mul3A_683 : vector<16xf32>
          %add3A_685 = arith.constant 240 : i32
          %add3A_686 = arith.addi %add3A_685, %add3A_477 : i32
          %get3A_687 = arith.index_cast %add3A_686 : i32 to index
          %get3A_688 = arith.constant 64 : index
          %get3A_689 = tpu.vector_load %arg9[%get3A_687, %get3A_688] {strides = array<i32>} : memref<320x128xf32, #tpu.memory_space<vmem>>, vector<1x16xf32>,
          %get3A_690 = vector.shape_cast %get3A_689 : vector<1x16xf32> to vector<16xf32>
          %mul3A_691 = vector.broadcast %select_n3A_510 : f32 to vector<16xf32>
          %mul3A_692 = arith.mulf %get3A_690, %mul3A_691 : vector<16xf32>
          %add3A_693 = arith.addf %add3A_684, %mul3A_692 : vector<16xf32>
          %swap3A_694 = arith.index_cast %add3A_477 : i32 to index
          %swap3A_695 = arith.constant 64 : index
          %swap3A_696 = tpu.vector_load %arg11[%swap3A_694, %swap3A_695] {strides = array<i32>} : memref<80x128xf32, #tpu.memory_space<vmem>>, vector<1x16xf32>,
          %swap3A_697 = vector.shape_cast %swap3A_696 : vector<1x16xf32> to vector<16xf32>
          %swap3A_698 = vector.shape_cast %add3A_693 : vector<16xf32> to vector<1x16xf32>
          tpu.vector_store %arg11[%swap3A_694, %swap3A_695], %swap3A_698 {strides = array<i32>} : memref<80x128xf32, #tpu.memory_space<vmem>>, vector<1x16xf32>,
          %get3A_699 = arith.index_cast %add3A_477 : i32 to index
          %get3A_700 = arith.constant 80 : index
          %get3A_701 = tpu.vector_load %arg9[%get3A_699, %get3A_700] {strides = array<i32>} : memref<320x128xf32, #tpu.memory_space<vmem>>, vector<1x16xf32>,
          %get3A_702 = vector.shape_cast %get3A_701 : vector<1x16xf32> to vector<16xf32>
          %mul3A_703 = vector.broadcast %select_n3A_496 : f32 to vector<16xf32>
          %mul3A_704 = arith.mulf %get3A_702, %mul3A_703 : vector<16xf32>
          %add3A_705 = arith.constant 80 : i32
          %add3A_706 = arith.addi %add3A_705, %add3A_477 : i32
          %get3A_707 = arith.index_cast %add3A_706 : i32 to index
          %get3A_708 = arith.constant 80 : index
          %get3A_709 = tpu.vector_load %arg9[%get3A_707, %get3A_708] {strides = array<i32>} : memref<320x128xf32, #tpu.memory_space<vmem>>, vector<1x16xf32>,
          %get3A_710 = vector.shape_cast %get3A_709 : vector<1x16xf32> to vector<16xf32>
          %mul3A_711 = vector.broadcast %select_n3A_501 : f32 to vector<16xf32>
          %mul3A_712 = arith.mulf %get3A_710, %mul3A_711 : vector<16xf32>
          %add3A_713 = arith.addf %mul3A_704, %mul3A_712 : vector<16xf32>
          %add3A_714 = arith.constant 160 : i32
          %add3A_715 = arith.addi %add3A_714, %add3A_477 : i32
          %get3A_716 = arith.index_cast %add3A_715 : i32 to index
          %get3A_717 = arith.constant 80 : index
          %get3A_718 = tpu.vector_load %arg9[%get3A_716, %get3A_717] {strides = array<i32>} : memref<320x128xf32, #tpu.memory_space<vmem>>, vector<1x16xf32>,
          %get3A_719 = vector.shape_cast %get3A_718 : vector<1x16xf32> to vector<16xf32>
          %mul3A_720 = vector.broadcast %select_n3A_505 : f32 to vector<16xf32>
          %mul3A_721 = arith.mulf %get3A_719, %mul3A_720 : vector<16xf32>
          %add3A_722 = arith.addf %add3A_713, %mul3A_721 : vector<16xf32>
          %add3A_723 = arith.constant 240 : i32
          %add3A_724 = arith.addi %add3A_723, %add3A_477 : i32
          %get3A_725 = arith.index_cast %add3A_724 : i32 to index
          %get3A_726 = arith.constant 80 : index
          %get3A_727 = tpu.vector_load %arg9[%get3A_725, %get3A_726] {strides = array<i32>} : memref<320x128xf32, #tpu.memory_space<vmem>>, vector<1x16xf32>,
          %get3A_728 = vector.shape_cast %get3A_727 : vector<1x16xf32> to vector<16xf32>
          %mul3A_729 = vector.broadcast %select_n3A_510 : f32 to vector<16xf32>
          %mul3A_730 = arith.mulf %get3A_728, %mul3A_729 : vector<16xf32>
          %add3A_731 = arith.addf %add3A_722, %mul3A_730 : vector<16xf32>
          %swap3A_732 = arith.index_cast %add3A_477 : i32 to index
          %swap3A_733 = arith.constant 80 : index
          %swap3A_734 = tpu.vector_load %arg11[%swap3A_732, %swap3A_733] {strides = array<i32>} : memref<80x128xf32, #tpu.memory_space<vmem>>, vector<1x16xf32>,
          %swap3A_735 = vector.shape_cast %swap3A_734 : vector<1x16xf32> to vector<16xf32>
          %swap3A_736 = vector.shape_cast %add3A_731 : vector<16xf32> to vector<1x16xf32>
          tpu.vector_store %arg11[%swap3A_732, %swap3A_733], %swap3A_736 {strides = array<i32>} : memref<80x128xf32, #tpu.memory_space<vmem>>, vector<1x16xf32>,
          %get3A_737 = arith.index_cast %add3A_477 : i32 to index
          %get3A_738 = arith.constant 96 : index
          %get3A_739 = tpu.vector_load %arg9[%get3A_737, %get3A_738] {strides = array<i32>} : memref<320x128xf32, #tpu.memory_space<vmem>>, vector<1x16xf32>,
          %get3A_740 = vector.shape_cast %get3A_739 : vector<1x16xf32> to vector<16xf32>
          %mul3A_741 = vector.broadcast %select_n3A_496 : f32 to vector<16xf32>
          %mul3A_742 = arith.mulf %get3A_740, %mul3A_741 : vector<16xf32>
          %add3A_743 = arith.constant 80 : i32
          %add3A_744 = arith.addi %add3A_743, %add3A_477 : i32
          %get3A_745 = arith.index_cast %add3A_744 : i32 to index
          %get3A_746 = arith.constant 96 : index
          %get3A_747 = tpu.vector_load %arg9[%get3A_745, %get3A_746] {strides = array<i32>} : memref<320x128xf32, #tpu.memory_space<vmem>>, vector<1x16xf32>,
          %get3A_748 = vector.shape_cast %get3A_747 : vector<1x16xf32> to vector<16xf32>
          %mul3A_749 = vector.broadcast %select_n3A_501 : f32 to vector<16xf32>
          %mul3A_750 = arith.mulf %get3A_748, %mul3A_749 : vector<16xf32>
          %add3A_751 = arith.addf %mul3A_742, %mul3A_750 : vector<16xf32>
          %add3A_752 = arith.constant 160 : i32
          %add3A_753 = arith.addi %add3A_752, %add3A_477 : i32
          %get3A_754 = arith.index_cast %add3A_753 : i32 to index
          %get3A_755 = arith.constant 96 : index
          %get3A_756 = tpu.vector_load %arg9[%get3A_754, %get3A_755] {strides = array<i32>} : memref<320x128xf32, #tpu.memory_space<vmem>>, vector<1x16xf32>,
          %get3A_757 = vector.shape_cast %get3A_756 : vector<1x16xf32> to vector<16xf32>
          %mul3A_758 = vector.broadcast %select_n3A_505 : f32 to vector<16xf32>
          %mul3A_759 = arith.mulf %get3A_757, %mul3A_758 : vector<16xf32>
          %add3A_760 = arith.addf %add3A_751, %mul3A_759 : vector<16xf32>
          %add3A_761 = arith.constant 240 : i32
          %add3A_762 = arith.addi %add3A_761, %add3A_477 : i32
          %get3A_763 = arith.index_cast %add3A_762 : i32 to index
          %get3A_764 = arith.constant 96 : index
          %get3A_765 = tpu.vector_load %arg9[%get3A_763, %get3A_764] {strides = array<i32>} : memref<320x128xf32, #tpu.memory_space<vmem>>, vector<1x16xf32>,
          %get3A_766 = vector.shape_cast %get3A_765 : vector<1x16xf32> to vector<16xf32>
          %mul3A_767 = vector.broadcast %select_n3A_510 : f32 to vector<16xf32>
          %mul3A_768 = arith.mulf %get3A_766, %mul3A_767 : vector<16xf32>
          %add3A_769 = arith.addf %add3A_760, %mul3A_768 : vector<16xf32>
          %swap3A_770 = arith.index_cast %add3A_477 : i32 to index
          %swap3A_771 = arith.constant 96 : index
          %swap3A_772 = tpu.vector_load %arg11[%swap3A_770, %swap3A_771] {strides = array<i32>} : memref<80x128xf32, #tpu.memory_space<vmem>>, vector<1x16xf32>,
          %swap3A_773 = vector.shape_cast %swap3A_772 : vector<1x16xf32> to vector<16xf32>
          %swap3A_774 = vector.shape_cast %add3A_769 : vector<16xf32> to vector<1x16xf32>
          tpu.vector_store %arg11[%swap3A_770, %swap3A_771], %swap3A_774 {strides = array<i32>} : memref<80x128xf32, #tpu.memory_space<vmem>>, vector<1x16xf32>,
          %get3A_775 = arith.index_cast %add3A_477 : i32 to index
          %get3A_776 = arith.constant 112 : index
          %get3A_777 = tpu.vector_load %arg9[%get3A_775, %get3A_776] {strides = array<i32>} : memref<320x128xf32, #tpu.memory_space<vmem>>, vector<1x16xf32>,
          %get3A_778 = vector.shape_cast %get3A_777 : vector<1x16xf32> to vector<16xf32>
          %mul3A_779 = vector.broadcast %select_n3A_496 : f32 to vector<16xf32>
          %mul3A_780 = arith.mulf %get3A_778, %mul3A_779 : vector<16xf32>
          %add3A_781 = arith.constant 80 : i32
          %add3A_782 = arith.addi %add3A_781, %add3A_477 : i32
          %get3A_783 = arith.index_cast %add3A_782 : i32 to index
          %get3A_784 = arith.constant 112 : index
          %get3A_785 = tpu.vector_load %arg9[%get3A_783, %get3A_784] {strides = array<i32>} : memref<320x128xf32, #tpu.memory_space<vmem>>, vector<1x16xf32>,
          %get3A_786 = vector.shape_cast %get3A_785 : vector<1x16xf32> to vector<16xf32>
          %mul3A_787 = vector.broadcast %select_n3A_501 : f32 to vector<16xf32>
          %mul3A_788 = arith.mulf %get3A_786, %mul3A_787 : vector<16xf32>
          %add3A_789 = arith.addf %mul3A_780, %mul3A_788 : vector<16xf32>
          %add3A_790 = arith.constant 160 : i32
          %add3A_791 = arith.addi %add3A_790, %add3A_477 : i32
          %get3A_792 = arith.index_cast %add3A_791 : i32 to index
          %get3A_793 = arith.constant 112 : index
          %get3A_794 = tpu.vector_load %arg9[%get3A_792, %get3A_793] {strides = array<i32>} : memref<320x128xf32, #tpu.memory_space<vmem>>, vector<1x16xf32>,
          %get3A_795 = vector.shape_cast %get3A_794 : vector<1x16xf32> to vector<16xf32>
          %mul3A_796 = vector.broadcast %select_n3A_505 : f32 to vector<16xf32>
          %mul3A_797 = arith.mulf %get3A_795, %mul3A_796 : vector<16xf32>
          %add3A_798 = arith.addf %add3A_789, %mul3A_797 : vector<16xf32>
          %add3A_799 = arith.constant 240 : i32
          %add3A_800 = arith.addi %add3A_799, %add3A_477 : i32
          %get3A_801 = arith.index_cast %add3A_800 : i32 to index
          %get3A_802 = arith.constant 112 : index
          %get3A_803 = tpu.vector_load %arg9[%get3A_801, %get3A_802] {strides = array<i32>} : memref<320x128xf32, #tpu.memory_space<vmem>>, vector<1x16xf32>,
          %get3A_804 = vector.shape_cast %get3A_803 : vector<1x16xf32> to vector<16xf32>
          %mul3A_805 = vector.broadcast %select_n3A_510 : f32 to vector<16xf32>
          %mul3A_806 = arith.mulf %get3A_804, %mul3A_805 : vector<16xf32>
          %add3A_807 = arith.addf %add3A_798, %mul3A_806 : vector<16xf32>
          %swap3A_808 = arith.index_cast %add3A_477 : i32 to index
          %swap3A_809 = arith.constant 112 : index
          %swap3A_810 = tpu.vector_load %arg11[%swap3A_808, %swap3A_809] {strides = array<i32>} : memref<80x128xf32, #tpu.memory_space<vmem>>, vector<1x16xf32>,
          %swap3A_811 = vector.shape_cast %swap3A_810 : vector<1x16xf32> to vector<16xf32>
          %swap3A_812 = vector.shape_cast %add3A_807 : vector<16xf32> to vector<1x16xf32>
          tpu.vector_store %arg11[%swap3A_808, %swap3A_809], %swap3A_812 {strides = array<i32>} : memref<80x128xf32, #tpu.memory_space<vmem>>, vector<1x16xf32>,
        }
        %scan3A_466 = arith.constant 80 : i32
        %mul3A_467 = arith.constant 100000 : i32
        %mul3A_468 = arith.muli %select_n3A_164, %mul3A_467 : i32
        %add3A_469 = arith.addi %mul3A_468, %mul3A_461 : i32
        %dma_start3A = arith.constant 0 : i32
        %dma_start3A_470 = tpu.memref_slice %arg4[%add3A_469, %dma_start3A] : memref<200000x128xf32, #tpu.memory_space<hbm>> -> memref<80x128xf32, #tpu.memory_space<hbm>>
        %dma_start3A_471 = arith.constant 0 : i32
        %dma_start3A_472 = tpu.memref_slice %arg4[%add3A_469, %dma_start3A_471] : memref<200000x128xf32, #tpu.memory_space<hbm>> -> memref<80x128xf32, #tpu.memory_space<hbm>>
        tpu.enqueue_dma source(%arg11 : memref<80x128xf32, #tpu.memory_space<vmem>>) target(%dma_start3A_472 : memref<80x128xf32, #tpu.memory_space<hbm>>) target_semaphore(%arg17 : memref<!tpu.dma_semaphore, #tpu.memory_space<semaphore_mem>>)
      } else {
      }
      %add3A_179 = arith.constant 2 : i32
      %add3A_180 = arith.addi %add3A_96, %add3A_179 : i32
      %ge3A_181 = arith.constant 40 : i32
      %ge3A_182 = arith.cmpi sge, %add3A_180, %ge3A_181 : i32
      %jit3A_183 = arith.constant 1 : i32
      %jit3A_184 = arith.constant 0 : i32
      %select_n3A_185 = arith.select %ge3A_182, %jit3A_183, %jit3A_184 : i32
      %mul3A_186 = arith.constant 40 : i32
      %mul3A_187 = arith.muli %select_n3A_185, %mul3A_186 : i32
      %sub3A_188 = arith.subi %add3A_180, %mul3A_187 : i32
      %mul3A_189 = arith.constant 32 : i32
      %mul3A_190 = arith.muli %sub3A_188, %mul3A_189 : i32
      %add3A_191 = arith.addi %mul3A_190, %add3A : i32
      %ge3A_192 = arith.constant 0 : i32
      %ge3A_193 = arith.cmpi sge, %add3A_191, %ge3A_192 : i32
      %lt3A_194 = arith.constant 1250 : i32
      %lt3A_195 = arith.cmpi slt, %add3A_191, %lt3A_194 : i32
      %and3A_196 = arith.andi %ge3A_193, %lt3A_195 : i1
      %convert_element_type3A_197 = arith.extui %and3A_196 : i1 to i32
      %cond3A_198 = arith.constant 0 : i32
      %cond3A_199 = arith.cmpi ne, %convert_element_type3A_197, %cond3A_198 : i32
      scf.if %cond3A_199 {
        %ge3A_429 = arith.constant 40 : i32
        %ge3A_430 = arith.cmpi sge, %add3A_180, %ge3A_429 : i32
        %jit3A_431 = arith.constant 1 : i32
        %jit3A_432 = arith.constant 0 : i32
        %select_n3A_433 = arith.select %ge3A_430, %jit3A_431, %jit3A_432 : i32
        %mul3A_434 = arith.constant 40 : i32
        %mul3A_435 = arith.muli %select_n3A_433, %mul3A_434 : i32
        %sub3A_436 = arith.subi %add3A_180, %mul3A_435 : i32
        %mul3A_437 = arith.constant 32 : i32
        %mul3A_438 = arith.muli %sub3A_436, %mul3A_437 : i32
        %add3A_439 = arith.addi %mul3A_438, %add3A : i32
        %ge3A_440 = arith.constant 0 : i32
        %ge3A_441 = arith.cmpi sge, %add3A_439, %ge3A_440 : i32
        %lt3A_442 = arith.constant 1250 : i32
        %lt3A_443 = arith.cmpi slt, %add3A_439, %lt3A_442 : i32
        %and3A_444 = arith.andi %ge3A_441, %lt3A_443 : i1
        %mul3A_445 = arith.constant 1250 : i32
        %mul3A_446 = arith.muli %select_n3A_433, %mul3A_445 : i32
        %add3A_447 = arith.addi %mul3A_446, %add3A_439 : i32
        %mul3A_448 = arith.constant 320 : i32
        %mul3A_449 = arith.muli %add3A_447, %mul3A_448 : i32
        %dma_wait3A = tpu.memref_slice %arg3[%mul3A_449] : memref<800000xi32, #tpu.memory_space<hbm>> -> memref<320xi32, #tpu.memory_space<hbm>>
        %dma_wait3A_450 = tpu.memref_slice %arg3[%mul3A_449] : memref<800000xi32, #tpu.memory_space<hbm>> -> memref<320xi32, #tpu.memory_space<hbm>>
        tpu.wait_dma2 semaphore(%arg15 : memref<!tpu.dma_semaphore, #tpu.memory_space<semaphore_mem>>) src(%dma_wait3A_450 : memref<320xi32, #tpu.memory_space<hbm>>) dst(%arg7 : memref<320xi32, #tpu.memory_space<vmem>>)
        %dma_start3A = arith.constant 0 : i32
        %dma_start3A_451 = arith.constant 0 : i32
        %dma_start3A_452 = tpu.memref_slice %arg9[%dma_start3A, %dma_start3A_451] : memref<320x128xf32, #tpu.memory_space<vmem>> -> memref<80x128xf32, #tpu.memory_space<vmem>>
        %dma_start3A_453 = arith.constant 0 : i32
        %dma_start3A_454 = tpu.memref_slice %arg7[%dma_start3A_453] : memref<320xi32, #tpu.memory_space<vmem>> -> memref<80xi32, #tpu.memory_space<vmem>>
        %dma_start3A_455 = arith.constant 0 : i32
        %dma_start3A_456 = arith.constant 0 : i32
        %dma_start3A_457 = tpu.memref_slice %arg2[%dma_start3A_455, %dma_start3A_456] : memref<200000x128xf32, #tpu.memory_space<hbm>> -> memref<200000x128xf32, #tpu.memory_space<hbm>>
        tpu.enqueue_indirect_dma source(%dma_start3A_457 : memref<200000x128xf32, #tpu.memory_space<hbm>>) target(%dma_start3A_452 : memref<80x128xf32, #tpu.memory_space<vmem>>) offsets(%dma_start3A_454 : memref<80xi32, #tpu.memory_space<vmem>>) semaphore(%arg13 : memref<!tpu.dma_semaphore, #tpu.memory_space<semaphore_mem>>)
        %dma_start3A_458 = arith.constant 80 : i32
        %dma_start3A_459 = arith.constant 0 : i32
        %dma_start3A_460 = tpu.memref_slice %arg9[%dma_start3A_458, %dma_start3A_459] : memref<320x128xf32, #tpu.memory_space<vmem>> -> memref<80x128xf32, #tpu.memory_space<vmem>>
        %dma_start3A_461 = arith.constant 80 : i32
        %dma_start3A_462 = tpu.memref_slice %arg7[%dma_start3A_461] : memref<320xi32, #tpu.memory_space<vmem>> -> memref<80xi32, #tpu.memory_space<vmem>>
        %dma_start3A_463 = arith.constant 0 : i32
        %dma_start3A_464 = arith.constant 0 : i32
        %dma_start3A_465 = tpu.memref_slice %arg2[%dma_start3A_463, %dma_start3A_464] : memref<200000x128xf32, #tpu.memory_space<hbm>> -> memref<200000x128xf32, #tpu.memory_space<hbm>>
        tpu.enqueue_indirect_dma source(%dma_start3A_465 : memref<200000x128xf32, #tpu.memory_space<hbm>>) target(%dma_start3A_460 : memref<80x128xf32, #tpu.memory_space<vmem>>) offsets(%dma_start3A_462 : memref<80xi32, #tpu.memory_space<vmem>>) semaphore(%arg13 : memref<!tpu.dma_semaphore, #tpu.memory_space<semaphore_mem>>)
        %dma_start3A_466 = arith.constant 160 : i32
        %dma_start3A_467 = arith.constant 0 : i32
        %dma_start3A_468 = tpu.memref_slice %arg9[%dma_start3A_466, %dma_start3A_467] : memref<320x128xf32, #tpu.memory_space<vmem>> -> memref<80x128xf32, #tpu.memory_space<vmem>>
        %dma_start3A_469 = arith.constant 160 : i32
        %dma_start3A_470 = tpu.memref_slice %arg7[%dma_start3A_469] : memref<320xi32, #tpu.memory_space<vmem>> -> memref<80xi32, #tpu.memory_space<vmem>>
        %dma_start3A_471 = arith.constant 0 : i32
        %dma_start3A_472 = arith.constant 0 : i32
        %dma_start3A_473 = tpu.memref_slice %arg2[%dma_start3A_471, %dma_start3A_472] : memref<200000x128xf32, #tpu.memory_space<hbm>> -> memref<200000x128xf32, #tpu.memory_space<hbm>>
        tpu.enqueue_indirect_dma source(%dma_start3A_473 : memref<200000x128xf32, #tpu.memory_space<hbm>>) target(%dma_start3A_468 : memref<80x128xf32, #tpu.memory_space<vmem>>) offsets(%dma_start3A_470 : memref<80xi32, #tpu.memory_space<vmem>>) semaphore(%arg13 : memref<!tpu.dma_semaphore, #tpu.memory_space<semaphore_mem>>)
        %dma_start3A_474 = arith.constant 240 : i32
        %dma_start3A_475 = arith.constant 0 : i32
        %dma_start3A_476 = tpu.memref_slice %arg9[%dma_start3A_474, %dma_start3A_475] : memref<320x128xf32, #tpu.memory_space<vmem>> -> memref<80x128xf32, #tpu.memory_space<vmem>>
        %dma_start3A_477 = arith.constant 240 : i32
        %dma_start3A_478 = tpu.memref_slice %arg7[%dma_start3A_477] : memref<320xi32, #tpu.memory_space<vmem>> -> memref<80xi32, #tpu.memory_space<vmem>>
        %dma_start3A_479 = arith.constant 0 : i32
        %dma_start3A_480 = arith.constant 0 : i32
        %dma_start3A_481 = tpu.memref_slice %arg2[%dma_start3A_479, %dma_start3A_480] : memref<200000x128xf32, #tpu.memory_space<hbm>> -> memref<200000x128xf32, #tpu.memory_space<hbm>>
        tpu.enqueue_indirect_dma source(%dma_start3A_481 : memref<200000x128xf32, #tpu.memory_space<hbm>>) target(%dma_start3A_476 : memref<80x128xf32, #tpu.memory_space<vmem>>) offsets(%dma_start3A_478 : memref<80xi32, #tpu.memory_space<vmem>>) semaphore(%arg13 : memref<!tpu.dma_semaphore, #tpu.memory_space<semaphore_mem>>)
      } else {
      }
      %add3A_200 = arith.constant 3 : i32
      %add3A_201 = arith.addi %add3A_96, %add3A_200 : i32
      %ge3A_202 = arith.constant 40 : i32
      %ge3A_203 = arith.cmpi sge, %add3A_201, %ge3A_202 : i32
      %jit3A_204 = arith.constant 1 : i32
      %jit3A_205 = arith.constant 0 : i32
      %select_n3A_206 = arith.select %ge3A_203, %jit3A_204, %jit3A_205 : i32
      %mul3A_207 = arith.constant 40 : i32
      %mul3A_208 = arith.muli %select_n3A_206, %mul3A_207 : i32
      %sub3A_209 = arith.subi %add3A_201, %mul3A_208 : i32
      %mul3A_210 = arith.constant 32 : i32
      %mul3A_211 = arith.muli %sub3A_209, %mul3A_210 : i32
      %add3A_212 = arith.addi %mul3A_211, %add3A : i32
      %ge3A_213 = arith.constant 0 : i32
      %ge3A_214 = arith.cmpi sge, %add3A_212, %ge3A_213 : i32
      %lt3A_215 = arith.constant 1250 : i32
      %lt3A_216 = arith.cmpi slt, %add3A_212, %lt3A_215 : i32
      %and3A_217 = arith.andi %ge3A_214, %lt3A_216 : i1
      %convert_element_type3A_218 = arith.extui %and3A_217 : i1 to i32
      %cond3A_219 = arith.constant 0 : i32
      %cond3A_220 = arith.cmpi ne, %convert_element_type3A_218, %cond3A_219 : i32
      scf.if %cond3A_220 {
        %ge3A_429 = arith.constant 40 : i32
        %ge3A_430 = arith.cmpi sge, %add3A_201, %ge3A_429 : i32
        %jit3A_431 = arith.constant 1 : i32
        %jit3A_432 = arith.constant 0 : i32
        %select_n3A_433 = arith.select %ge3A_430, %jit3A_431, %jit3A_432 : i32
        %mul3A_434 = arith.constant 40 : i32
        %mul3A_435 = arith.muli %select_n3A_433, %mul3A_434 : i32
        %sub3A_436 = arith.subi %add3A_201, %mul3A_435 : i32
        %mul3A_437 = arith.constant 32 : i32
        %mul3A_438 = arith.muli %sub3A_436, %mul3A_437 : i32
        %add3A_439 = arith.addi %mul3A_438, %add3A : i32
        %ge3A_440 = arith.constant 0 : i32
        %ge3A_441 = arith.cmpi sge, %add3A_439, %ge3A_440 : i32
        %lt3A_442 = arith.constant 1250 : i32
        %lt3A_443 = arith.cmpi slt, %add3A_439, %lt3A_442 : i32
        %and3A_444 = arith.andi %ge3A_441, %lt3A_443 : i1
        %mul3A_445 = arith.constant 1250 : i32
        %mul3A_446 = arith.muli %select_n3A_433, %mul3A_445 : i32
        %add3A_447 = arith.addi %mul3A_446, %add3A_439 : i32
        %mul3A_448 = arith.constant 320 : i32
        %mul3A_449 = arith.muli %add3A_447, %mul3A_448 : i32
        %dma_start3A = tpu.memref_slice %arg3[%mul3A_449] : memref<800000xi32, #tpu.memory_space<hbm>> -> memref<320xi32, #tpu.memory_space<hbm>>
        %dma_start3A_450 = tpu.memref_slice %arg3[%mul3A_449] : memref<800000xi32, #tpu.memory_space<hbm>> -> memref<320xi32, #tpu.memory_space<hbm>>
        tpu.enqueue_dma source(%dma_start3A_450 : memref<320xi32, #tpu.memory_space<hbm>>) target(%arg8 : memref<320xi32, #tpu.memory_space<vmem>>) target_semaphore(%arg16 : memref<!tpu.dma_semaphore, #tpu.memory_space<semaphore_mem>>)
      } else {
      }
      %sub3A_221 = arith.constant 1 : i32
      %sub3A_222 = arith.subi %add3A_96, %sub3A_221 : i32
      %ge3A_223 = arith.constant 40 : i32
      %ge3A_224 = arith.cmpi sge, %sub3A_222, %ge3A_223 : i32
      %jit3A_225 = arith.constant 1 : i32
      %jit3A_226 = arith.constant 0 : i32
      %select_n3A_227 = arith.select %ge3A_224, %jit3A_225, %jit3A_226 : i32
      %mul3A_228 = arith.constant 40 : i32
      %mul3A_229 = arith.muli %select_n3A_227, %mul3A_228 : i32
      %sub3A_230 = arith.subi %sub3A_222, %mul3A_229 : i32
      %mul3A_231 = arith.constant 32 : i32
      %mul3A_232 = arith.muli %sub3A_230, %mul3A_231 : i32
      %add3A_233 = arith.addi %mul3A_232, %add3A : i32
      %ge3A_234 = arith.constant 0 : i32
      %ge3A_235 = arith.cmpi sge, %add3A_233, %ge3A_234 : i32
      %lt3A_236 = arith.constant 1250 : i32
      %lt3A_237 = arith.cmpi slt, %add3A_233, %lt3A_236 : i32
      %and3A_238 = arith.andi %ge3A_235, %lt3A_237 : i1
      %convert_element_type3A_239 = arith.extui %and3A_238 : i1 to i32
      %cond3A_240 = arith.constant 0 : i32
      %cond3A_241 = arith.cmpi ne, %convert_element_type3A_239, %cond3A_240 : i32
      scf.if %cond3A_241 {
        %mul3A_429 = arith.constant 100000 : i32
        %mul3A_430 = arith.muli %select_n3A_227, %mul3A_429 : i32
        %mul3A_431 = arith.constant 80 : i32
        %mul3A_432 = arith.muli %add3A_233, %mul3A_431 : i32
        %add3A_433 = arith.addi %mul3A_430, %mul3A_432 : i32
        %dma_wait3A = arith.constant 0 : i32
        %dma_wait3A_434 = tpu.memref_slice %arg4[%add3A_433, %dma_wait3A] : memref<200000x128xf32, #tpu.memory_space<hbm>> -> memref<80x128xf32, #tpu.memory_space<hbm>>
        %dma_wait3A_435 = arith.constant 0 : i32
        %dma_wait3A_436 = tpu.memref_slice %arg4[%add3A_433, %dma_wait3A_435] : memref<200000x128xf32, #tpu.memory_space<hbm>> -> memref<80x128xf32, #tpu.memory_space<hbm>>
        tpu.wait_dma2 semaphore(%arg18 : memref<!tpu.dma_semaphore, #tpu.memory_space<semaphore_mem>>) src(%arg12 : memref<80x128xf32, #tpu.memory_space<vmem>>) dst(%dma_wait3A_436 : memref<80x128xf32, #tpu.memory_space<hbm>>)
      } else {
      }
      %add3A_242 = arith.constant 1 : i32
      %add3A_243 = arith.addi %add3A_96, %add3A_242 : i32
      %ge3A_244 = arith.constant 40 : i32
      %ge3A_245 = arith.cmpi sge, %add3A_243, %ge3A_244 : i32
      %jit3A_246 = arith.constant 1 : i32
      %jit3A_247 = arith.constant 0 : i32
      %select_n3A_248 = arith.select %ge3A_245, %jit3A_246, %jit3A_247 : i32
      %mul3A_249 = arith.constant 40 : i32
      %mul3A_250 = arith.muli %select_n3A_248, %mul3A_249 : i32
      %sub3A_251 = arith.subi %add3A_243, %mul3A_250 : i32
      %mul3A_252 = arith.constant 32 : i32
      %mul3A_253 = arith.muli %sub3A_251, %mul3A_252 : i32
      %add3A_254 = arith.addi %mul3A_253, %add3A : i32
      %ge3A_255 = arith.constant 0 : i32
      %ge3A_256 = arith.cmpi sge, %add3A_254, %ge3A_255 : i32
      %lt3A_257 = arith.constant 1250 : i32
      %lt3A_258 = arith.cmpi slt, %add3A_254, %lt3A_257 : i32
      %and3A_259 = arith.andi %ge3A_256, %lt3A_258 : i1
      %convert_element_type3A_260 = arith.extui %and3A_259 : i1 to i32
      %cond3A_261 = arith.constant 0 : i32
      %cond3A_262 = arith.cmpi ne, %convert_element_type3A_260, %cond3A_261 : i32
      scf.if %cond3A_262 {
        %dma_wait3A = arith.constant 0 : i32
        %dma_wait3A_429 = arith.constant 0 : i32
        %dma_wait3A_430 = tpu.memref_slice %arg10[%dma_wait3A, %dma_wait3A_429] : memref<320x128xf32, #tpu.memory_space<vmem>> -> memref<80x128xf32, #tpu.memory_space<vmem>>
        %dma_wait3A_431 = arith.constant 0 : i32
        %dma_wait3A_432 = tpu.memref_slice %arg6[%dma_wait3A_431] : memref<320xi32, #tpu.memory_space<vmem>> -> memref<80xi32, #tpu.memory_space<vmem>>
        %dma_wait3A_433 = arith.constant 0 : i32
        %dma_wait3A_434 = arith.constant 0 : i32
        %dma_wait3A_435 = tpu.memref_slice %arg2[%dma_wait3A_433, %dma_wait3A_434] : memref<200000x128xf32, #tpu.memory_space<hbm>> -> memref<200000x128xf32, #tpu.memory_space<hbm>>
        tpu.wait_indirect_dma semaphore(%arg14 : memref<!tpu.dma_semaphore, #tpu.memory_space<semaphore_mem>>) src(%dma_wait3A_435 : memref<200000x128xf32, #tpu.memory_space<hbm>>) dst(%dma_wait3A_430 : memref<80x128xf32, #tpu.memory_space<vmem>>)
        %dma_wait3A_436 = arith.constant 80 : i32
        %dma_wait3A_437 = arith.constant 0 : i32
        %dma_wait3A_438 = tpu.memref_slice %arg10[%dma_wait3A_436, %dma_wait3A_437] : memref<320x128xf32, #tpu.memory_space<vmem>> -> memref<80x128xf32, #tpu.memory_space<vmem>>
        %dma_wait3A_439 = arith.constant 80 : i32
        %dma_wait3A_440 = tpu.memref_slice %arg6[%dma_wait3A_439] : memref<320xi32, #tpu.memory_space<vmem>> -> memref<80xi32, #tpu.memory_space<vmem>>
        %dma_wait3A_441 = arith.constant 0 : i32
        %dma_wait3A_442 = arith.constant 0 : i32
        %dma_wait3A_443 = tpu.memref_slice %arg2[%dma_wait3A_441, %dma_wait3A_442] : memref<200000x128xf32, #tpu.memory_space<hbm>> -> memref<200000x128xf32, #tpu.memory_space<hbm>>
        tpu.wait_indirect_dma semaphore(%arg14 : memref<!tpu.dma_semaphore, #tpu.memory_space<semaphore_mem>>) src(%dma_wait3A_443 : memref<200000x128xf32, #tpu.memory_space<hbm>>) dst(%dma_wait3A_438 : memref<80x128xf32, #tpu.memory_space<vmem>>)
        %dma_wait3A_444 = arith.constant 160 : i32
        %dma_wait3A_445 = arith.constant 0 : i32
        %dma_wait3A_446 = tpu.memref_slice %arg10[%dma_wait3A_444, %dma_wait3A_445] : memref<320x128xf32, #tpu.memory_space<vmem>> -> memref<80x128xf32, #tpu.memory_space<vmem>>
        %dma_wait3A_447 = arith.constant 160 : i32
        %dma_wait3A_448 = tpu.memref_slice %arg6[%dma_wait3A_447] : memref<320xi32, #tpu.memory_space<vmem>> -> memref<80xi32, #tpu.memory_space<vmem>>
        %dma_wait3A_449 = arith.constant 0 : i32
        %dma_wait3A_450 = arith.constant 0 : i32
        %dma_wait3A_451 = tpu.memref_slice %arg2[%dma_wait3A_449, %dma_wait3A_450] : memref<200000x128xf32, #tpu.memory_space<hbm>> -> memref<200000x128xf32, #tpu.memory_space<hbm>>
        tpu.wait_indirect_dma semaphore(%arg14 : memref<!tpu.dma_semaphore, #tpu.memory_space<semaphore_mem>>) src(%dma_wait3A_451 : memref<200000x128xf32, #tpu.memory_space<hbm>>) dst(%dma_wait3A_446 : memref<80x128xf32, #tpu.memory_space<vmem>>)
        %dma_wait3A_452 = arith.constant 240 : i32
        %dma_wait3A_453 = arith.constant 0 : i32
        %dma_wait3A_454 = tpu.memref_slice %arg10[%dma_wait3A_452, %dma_wait3A_453] : memref<320x128xf32, #tpu.memory_space<vmem>> -> memref<80x128xf32, #tpu.memory_space<vmem>>
        %dma_wait3A_455 = arith.constant 240 : i32
        %dma_wait3A_456 = tpu.memref_slice %arg6[%dma_wait3A_455] : memref<320xi32, #tpu.memory_space<vmem>> -> memref<80xi32, #tpu.memory_space<vmem>>
        %dma_wait3A_457 = arith.constant 0 : i32
        %dma_wait3A_458 = arith.constant 0 : i32
        %dma_wait3A_459 = tpu.memref_slice %arg2[%dma_wait3A_457, %dma_wait3A_458] : memref<200000x128xf32, #tpu.memory_space<hbm>> -> memref<200000x128xf32, #tpu.memory_space<hbm>>
        tpu.wait_indirect_dma semaphore(%arg14 : memref<!tpu.dma_semaphore, #tpu.memory_space<semaphore_mem>>) src(%dma_wait3A_459 : memref<200000x128xf32, #tpu.memory_space<hbm>>) dst(%dma_wait3A_454 : memref<80x128xf32, #tpu.memory_space<vmem>>)
        %mul3A_460 = arith.constant 80 : i32
        %mul3A_461 = arith.muli %add3A_254, %mul3A_460 : i32
        %scan3A_462 = arith.constant 0 : i32
        %scan3A_463 = arith.constant 80 : i32
        %scan3A_464 = arith.addi %scan3A_462, %scan3A_463 : i32
        %scan3A_465 = arith.constant 1 : i32
        scf.for %scan3A_473 = %scan3A_462 to %scan3A_464 step %scan3A_465  : i32 {
          %mul3A_474 = arith.constant 1 : i32
          %mul3A_475 = arith.muli %scan3A_473, %mul3A_474 : i32
          %add3A_476 = arith.constant 0 : i32
          %add3A_477 = arith.addi %add3A_476, %mul3A_475 : i32
          %add3A_478 = arith.addi %mul3A_461, %add3A_477 : i32
          %jit3A_479 = arith.constant 400 : i32
          %eq3A = arith.constant 0 : i32
          %eq3A_480 = arith.cmpi eq, %jit3A_479, %eq3A : i32
          %jit3A_481 = arith.constant 1 : i32
          %select_n3A_482 = arith.select %eq3A_480, %jit3A_481, %jit3A_479 : i32
          %rem3A = arith.remsi %add3A_478, %select_n3A_482 : i32
          %ne3A = arith.constant 0 : i32
          %ne3A_483 = arith.cmpi ne, %rem3A, %ne3A : i32
          %lt3A_484 = arith.constant 0 : i32
          %lt3A_485 = arith.cmpi slt, %rem3A, %lt3A_484 : i32
          %lt3A_486 = arith.constant 0 : i32
          %lt3A_487 = arith.cmpi slt, %select_n3A_482, %lt3A_486 : i32
          %ne3A_488 = arith.xori %lt3A_485, %lt3A_487 : i1
          %and3A_489 = arith.andi %ne3A_488, %ne3A_483 : i1
          %add3A_490 = arith.addi %rem3A, %select_n3A_482 : i32
          %select_n3A_491 = arith.select %and3A_489, %add3A_490, %rem3A : i32
          %ge3A_492 = arith.constant 400 : i32
          %ge3A_493 = arith.cmpi sge, %add3A_478, %ge3A_492 : i32
          %jit3A_494 = arith.constant 1.000000e+00 : f32
          %jit3A_495 = arith.constant 0.000000e+00 : f32
          %select_n3A_496 = arith.select %ge3A_493, %jit3A_494, %jit3A_495 : f32
          %lt3A_497 = arith.constant 99600 : i32
          %lt3A_498 = arith.cmpi slt, %add3A_478, %lt3A_497 : i32
          %jit3A_499 = arith.constant 1.000000e+00 : f32
          %jit3A_500 = arith.constant 0.000000e+00 : f32
          %select_n3A_501 = arith.select %lt3A_498, %jit3A_499, %jit3A_500 : f32
          %gt3A = arith.constant 0 : i32
          %gt3A_502 = arith.cmpi sgt, %select_n3A_491, %gt3A : i32
          %jit3A_503 = arith.constant 1.000000e+00 : f32
          %jit3A_504 = arith.constant 0.000000e+00 : f32
          %select_n3A_505 = arith.select %gt3A_502, %jit3A_503, %jit3A_504 : f32
          %lt3A_506 = arith.constant 399 : i32
          %lt3A_507 = arith.cmpi slt, %select_n3A_491, %lt3A_506 : i32
          %jit3A_508 = arith.constant 1.000000e+00 : f32
          %jit3A_509 = arith.constant 0.000000e+00 : f32
          %select_n3A_510 = arith.select %lt3A_507, %jit3A_508, %jit3A_509 : f32
          %get3A = arith.index_cast %add3A_477 : i32 to index
          %get3A_511 = arith.constant 0 : index
          %get3A_512 = tpu.vector_load %arg10[%get3A, %get3A_511] {strides = array<i32>} : memref<320x128xf32, #tpu.memory_space<vmem>>, vector<1x16xf32>,
          %get3A_513 = vector.shape_cast %get3A_512 : vector<1x16xf32> to vector<16xf32>
          %mul3A_514 = vector.broadcast %select_n3A_496 : f32 to vector<16xf32>
          %mul3A_515 = arith.mulf %get3A_513, %mul3A_514 : vector<16xf32>
          %add3A_516 = arith.constant 80 : i32
          %add3A_517 = arith.addi %add3A_516, %add3A_477 : i32
          %get3A_518 = arith.index_cast %add3A_517 : i32 to index
          %get3A_519 = arith.constant 0 : index
          %get3A_520 = tpu.vector_load %arg10[%get3A_518, %get3A_519] {strides = array<i32>} : memref<320x128xf32, #tpu.memory_space<vmem>>, vector<1x16xf32>,
          %get3A_521 = vector.shape_cast %get3A_520 : vector<1x16xf32> to vector<16xf32>
          %mul3A_522 = vector.broadcast %select_n3A_501 : f32 to vector<16xf32>
          %mul3A_523 = arith.mulf %get3A_521, %mul3A_522 : vector<16xf32>
          %add3A_524 = arith.addf %mul3A_515, %mul3A_523 : vector<16xf32>
          %add3A_525 = arith.constant 160 : i32
          %add3A_526 = arith.addi %add3A_525, %add3A_477 : i32
          %get3A_527 = arith.index_cast %add3A_526 : i32 to index
          %get3A_528 = arith.constant 0 : index
          %get3A_529 = tpu.vector_load %arg10[%get3A_527, %get3A_528] {strides = array<i32>} : memref<320x128xf32, #tpu.memory_space<vmem>>, vector<1x16xf32>,
          %get3A_530 = vector.shape_cast %get3A_529 : vector<1x16xf32> to vector<16xf32>
          %mul3A_531 = vector.broadcast %select_n3A_505 : f32 to vector<16xf32>
          %mul3A_532 = arith.mulf %get3A_530, %mul3A_531 : vector<16xf32>
          %add3A_533 = arith.addf %add3A_524, %mul3A_532 : vector<16xf32>
          %add3A_534 = arith.constant 240 : i32
          %add3A_535 = arith.addi %add3A_534, %add3A_477 : i32
          %get3A_536 = arith.index_cast %add3A_535 : i32 to index
          %get3A_537 = arith.constant 0 : index
          %get3A_538 = tpu.vector_load %arg10[%get3A_536, %get3A_537] {strides = array<i32>} : memref<320x128xf32, #tpu.memory_space<vmem>>, vector<1x16xf32>,
          %get3A_539 = vector.shape_cast %get3A_538 : vector<1x16xf32> to vector<16xf32>
          %mul3A_540 = vector.broadcast %select_n3A_510 : f32 to vector<16xf32>
          %mul3A_541 = arith.mulf %get3A_539, %mul3A_540 : vector<16xf32>
          %add3A_542 = arith.addf %add3A_533, %mul3A_541 : vector<16xf32>
          %swap3A = arith.index_cast %add3A_477 : i32 to index
          %swap3A_543 = arith.constant 0 : index
          %swap3A_544 = tpu.vector_load %arg12[%swap3A, %swap3A_543] {strides = array<i32>} : memref<80x128xf32, #tpu.memory_space<vmem>>, vector<1x16xf32>,
          %swap3A_545 = vector.shape_cast %swap3A_544 : vector<1x16xf32> to vector<16xf32>
          %swap3A_546 = vector.shape_cast %add3A_542 : vector<16xf32> to vector<1x16xf32>
          tpu.vector_store %arg12[%swap3A, %swap3A_543], %swap3A_546 {strides = array<i32>} : memref<80x128xf32, #tpu.memory_space<vmem>>, vector<1x16xf32>,
          %get3A_547 = arith.index_cast %add3A_477 : i32 to index
          %get3A_548 = arith.constant 16 : index
          %get3A_549 = tpu.vector_load %arg10[%get3A_547, %get3A_548] {strides = array<i32>} : memref<320x128xf32, #tpu.memory_space<vmem>>, vector<1x16xf32>,
          %get3A_550 = vector.shape_cast %get3A_549 : vector<1x16xf32> to vector<16xf32>
          %mul3A_551 = vector.broadcast %select_n3A_496 : f32 to vector<16xf32>
          %mul3A_552 = arith.mulf %get3A_550, %mul3A_551 : vector<16xf32>
          %add3A_553 = arith.constant 80 : i32
          %add3A_554 = arith.addi %add3A_553, %add3A_477 : i32
          %get3A_555 = arith.index_cast %add3A_554 : i32 to index
          %get3A_556 = arith.constant 16 : index
          %get3A_557 = tpu.vector_load %arg10[%get3A_555, %get3A_556] {strides = array<i32>} : memref<320x128xf32, #tpu.memory_space<vmem>>, vector<1x16xf32>,
          %get3A_558 = vector.shape_cast %get3A_557 : vector<1x16xf32> to vector<16xf32>
          %mul3A_559 = vector.broadcast %select_n3A_501 : f32 to vector<16xf32>
          %mul3A_560 = arith.mulf %get3A_558, %mul3A_559 : vector<16xf32>
          %add3A_561 = arith.addf %mul3A_552, %mul3A_560 : vector<16xf32>
          %add3A_562 = arith.constant 160 : i32
          %add3A_563 = arith.addi %add3A_562, %add3A_477 : i32
          %get3A_564 = arith.index_cast %add3A_563 : i32 to index
          %get3A_565 = arith.constant 16 : index
          %get3A_566 = tpu.vector_load %arg10[%get3A_564, %get3A_565] {strides = array<i32>} : memref<320x128xf32, #tpu.memory_space<vmem>>, vector<1x16xf32>,
          %get3A_567 = vector.shape_cast %get3A_566 : vector<1x16xf32> to vector<16xf32>
          %mul3A_568 = vector.broadcast %select_n3A_505 : f32 to vector<16xf32>
          %mul3A_569 = arith.mulf %get3A_567, %mul3A_568 : vector<16xf32>
          %add3A_570 = arith.addf %add3A_561, %mul3A_569 : vector<16xf32>
          %add3A_571 = arith.constant 240 : i32
          %add3A_572 = arith.addi %add3A_571, %add3A_477 : i32
          %get3A_573 = arith.index_cast %add3A_572 : i32 to index
          %get3A_574 = arith.constant 16 : index
          %get3A_575 = tpu.vector_load %arg10[%get3A_573, %get3A_574] {strides = array<i32>} : memref<320x128xf32, #tpu.memory_space<vmem>>, vector<1x16xf32>,
          %get3A_576 = vector.shape_cast %get3A_575 : vector<1x16xf32> to vector<16xf32>
          %mul3A_577 = vector.broadcast %select_n3A_510 : f32 to vector<16xf32>
          %mul3A_578 = arith.mulf %get3A_576, %mul3A_577 : vector<16xf32>
          %add3A_579 = arith.addf %add3A_570, %mul3A_578 : vector<16xf32>
          %swap3A_580 = arith.index_cast %add3A_477 : i32 to index
          %swap3A_581 = arith.constant 16 : index
          %swap3A_582 = tpu.vector_load %arg12[%swap3A_580, %swap3A_581] {strides = array<i32>} : memref<80x128xf32, #tpu.memory_space<vmem>>, vector<1x16xf32>,
          %swap3A_583 = vector.shape_cast %swap3A_582 : vector<1x16xf32> to vector<16xf32>
          %swap3A_584 = vector.shape_cast %add3A_579 : vector<16xf32> to vector<1x16xf32>
          tpu.vector_store %arg12[%swap3A_580, %swap3A_581], %swap3A_584 {strides = array<i32>} : memref<80x128xf32, #tpu.memory_space<vmem>>, vector<1x16xf32>,
          %get3A_585 = arith.index_cast %add3A_477 : i32 to index
          %get3A_586 = arith.constant 32 : index
          %get3A_587 = tpu.vector_load %arg10[%get3A_585, %get3A_586] {strides = array<i32>} : memref<320x128xf32, #tpu.memory_space<vmem>>, vector<1x16xf32>,
          %get3A_588 = vector.shape_cast %get3A_587 : vector<1x16xf32> to vector<16xf32>
          %mul3A_589 = vector.broadcast %select_n3A_496 : f32 to vector<16xf32>
          %mul3A_590 = arith.mulf %get3A_588, %mul3A_589 : vector<16xf32>
          %add3A_591 = arith.constant 80 : i32
          %add3A_592 = arith.addi %add3A_591, %add3A_477 : i32
          %get3A_593 = arith.index_cast %add3A_592 : i32 to index
          %get3A_594 = arith.constant 32 : index
          %get3A_595 = tpu.vector_load %arg10[%get3A_593, %get3A_594] {strides = array<i32>} : memref<320x128xf32, #tpu.memory_space<vmem>>, vector<1x16xf32>,
          %get3A_596 = vector.shape_cast %get3A_595 : vector<1x16xf32> to vector<16xf32>
          %mul3A_597 = vector.broadcast %select_n3A_501 : f32 to vector<16xf32>
          %mul3A_598 = arith.mulf %get3A_596, %mul3A_597 : vector<16xf32>
          %add3A_599 = arith.addf %mul3A_590, %mul3A_598 : vector<16xf32>
          %add3A_600 = arith.constant 160 : i32
          %add3A_601 = arith.addi %add3A_600, %add3A_477 : i32
          %get3A_602 = arith.index_cast %add3A_601 : i32 to index
          %get3A_603 = arith.constant 32 : index
          %get3A_604 = tpu.vector_load %arg10[%get3A_602, %get3A_603] {strides = array<i32>} : memref<320x128xf32, #tpu.memory_space<vmem>>, vector<1x16xf32>,
          %get3A_605 = vector.shape_cast %get3A_604 : vector<1x16xf32> to vector<16xf32>
          %mul3A_606 = vector.broadcast %select_n3A_505 : f32 to vector<16xf32>
          %mul3A_607 = arith.mulf %get3A_605, %mul3A_606 : vector<16xf32>
          %add3A_608 = arith.addf %add3A_599, %mul3A_607 : vector<16xf32>
          %add3A_609 = arith.constant 240 : i32
          %add3A_610 = arith.addi %add3A_609, %add3A_477 : i32
          %get3A_611 = arith.index_cast %add3A_610 : i32 to index
          %get3A_612 = arith.constant 32 : index
          %get3A_613 = tpu.vector_load %arg10[%get3A_611, %get3A_612] {strides = array<i32>} : memref<320x128xf32, #tpu.memory_space<vmem>>, vector<1x16xf32>,
          %get3A_614 = vector.shape_cast %get3A_613 : vector<1x16xf32> to vector<16xf32>
          %mul3A_615 = vector.broadcast %select_n3A_510 : f32 to vector<16xf32>
          %mul3A_616 = arith.mulf %get3A_614, %mul3A_615 : vector<16xf32>
          %add3A_617 = arith.addf %add3A_608, %mul3A_616 : vector<16xf32>
          %swap3A_618 = arith.index_cast %add3A_477 : i32 to index
          %swap3A_619 = arith.constant 32 : index
          %swap3A_620 = tpu.vector_load %arg12[%swap3A_618, %swap3A_619] {strides = array<i32>} : memref<80x128xf32, #tpu.memory_space<vmem>>, vector<1x16xf32>,
          %swap3A_621 = vector.shape_cast %swap3A_620 : vector<1x16xf32> to vector<16xf32>
          %swap3A_622 = vector.shape_cast %add3A_617 : vector<16xf32> to vector<1x16xf32>
          tpu.vector_store %arg12[%swap3A_618, %swap3A_619], %swap3A_622 {strides = array<i32>} : memref<80x128xf32, #tpu.memory_space<vmem>>, vector<1x16xf32>,
          %get3A_623 = arith.index_cast %add3A_477 : i32 to index
          %get3A_624 = arith.constant 48 : index
          %get3A_625 = tpu.vector_load %arg10[%get3A_623, %get3A_624] {strides = array<i32>} : memref<320x128xf32, #tpu.memory_space<vmem>>, vector<1x16xf32>,
          %get3A_626 = vector.shape_cast %get3A_625 : vector<1x16xf32> to vector<16xf32>
          %mul3A_627 = vector.broadcast %select_n3A_496 : f32 to vector<16xf32>
          %mul3A_628 = arith.mulf %get3A_626, %mul3A_627 : vector<16xf32>
          %add3A_629 = arith.constant 80 : i32
          %add3A_630 = arith.addi %add3A_629, %add3A_477 : i32
          %get3A_631 = arith.index_cast %add3A_630 : i32 to index
          %get3A_632 = arith.constant 48 : index
          %get3A_633 = tpu.vector_load %arg10[%get3A_631, %get3A_632] {strides = array<i32>} : memref<320x128xf32, #tpu.memory_space<vmem>>, vector<1x16xf32>,
          %get3A_634 = vector.shape_cast %get3A_633 : vector<1x16xf32> to vector<16xf32>
          %mul3A_635 = vector.broadcast %select_n3A_501 : f32 to vector<16xf32>
          %mul3A_636 = arith.mulf %get3A_634, %mul3A_635 : vector<16xf32>
          %add3A_637 = arith.addf %mul3A_628, %mul3A_636 : vector<16xf32>
          %add3A_638 = arith.constant 160 : i32
          %add3A_639 = arith.addi %add3A_638, %add3A_477 : i32
          %get3A_640 = arith.index_cast %add3A_639 : i32 to index
          %get3A_641 = arith.constant 48 : index
          %get3A_642 = tpu.vector_load %arg10[%get3A_640, %get3A_641] {strides = array<i32>} : memref<320x128xf32, #tpu.memory_space<vmem>>, vector<1x16xf32>,
          %get3A_643 = vector.shape_cast %get3A_642 : vector<1x16xf32> to vector<16xf32>
          %mul3A_644 = vector.broadcast %select_n3A_505 : f32 to vector<16xf32>
          %mul3A_645 = arith.mulf %get3A_643, %mul3A_644 : vector<16xf32>
          %add3A_646 = arith.addf %add3A_637, %mul3A_645 : vector<16xf32>
          %add3A_647 = arith.constant 240 : i32
          %add3A_648 = arith.addi %add3A_647, %add3A_477 : i32
          %get3A_649 = arith.index_cast %add3A_648 : i32 to index
          %get3A_650 = arith.constant 48 : index
          %get3A_651 = tpu.vector_load %arg10[%get3A_649, %get3A_650] {strides = array<i32>} : memref<320x128xf32, #tpu.memory_space<vmem>>, vector<1x16xf32>,
          %get3A_652 = vector.shape_cast %get3A_651 : vector<1x16xf32> to vector<16xf32>
          %mul3A_653 = vector.broadcast %select_n3A_510 : f32 to vector<16xf32>
          %mul3A_654 = arith.mulf %get3A_652, %mul3A_653 : vector<16xf32>
          %add3A_655 = arith.addf %add3A_646, %mul3A_654 : vector<16xf32>
          %swap3A_656 = arith.index_cast %add3A_477 : i32 to index
          %swap3A_657 = arith.constant 48 : index
          %swap3A_658 = tpu.vector_load %arg12[%swap3A_656, %swap3A_657] {strides = array<i32>} : memref<80x128xf32, #tpu.memory_space<vmem>>, vector<1x16xf32>,
          %swap3A_659 = vector.shape_cast %swap3A_658 : vector<1x16xf32> to vector<16xf32>
          %swap3A_660 = vector.shape_cast %add3A_655 : vector<16xf32> to vector<1x16xf32>
          tpu.vector_store %arg12[%swap3A_656, %swap3A_657], %swap3A_660 {strides = array<i32>} : memref<80x128xf32, #tpu.memory_space<vmem>>, vector<1x16xf32>,
          %get3A_661 = arith.index_cast %add3A_477 : i32 to index
          %get3A_662 = arith.constant 64 : index
          %get3A_663 = tpu.vector_load %arg10[%get3A_661, %get3A_662] {strides = array<i32>} : memref<320x128xf32, #tpu.memory_space<vmem>>, vector<1x16xf32>,
          %get3A_664 = vector.shape_cast %get3A_663 : vector<1x16xf32> to vector<16xf32>
          %mul3A_665 = vector.broadcast %select_n3A_496 : f32 to vector<16xf32>
          %mul3A_666 = arith.mulf %get3A_664, %mul3A_665 : vector<16xf32>
          %add3A_667 = arith.constant 80 : i32
          %add3A_668 = arith.addi %add3A_667, %add3A_477 : i32
          %get3A_669 = arith.index_cast %add3A_668 : i32 to index
          %get3A_670 = arith.constant 64 : index
          %get3A_671 = tpu.vector_load %arg10[%get3A_669, %get3A_670] {strides = array<i32>} : memref<320x128xf32, #tpu.memory_space<vmem>>, vector<1x16xf32>,
          %get3A_672 = vector.shape_cast %get3A_671 : vector<1x16xf32> to vector<16xf32>
          %mul3A_673 = vector.broadcast %select_n3A_501 : f32 to vector<16xf32>
          %mul3A_674 = arith.mulf %get3A_672, %mul3A_673 : vector<16xf32>
          %add3A_675 = arith.addf %mul3A_666, %mul3A_674 : vector<16xf32>
          %add3A_676 = arith.constant 160 : i32
          %add3A_677 = arith.addi %add3A_676, %add3A_477 : i32
          %get3A_678 = arith.index_cast %add3A_677 : i32 to index
          %get3A_679 = arith.constant 64 : index
          %get3A_680 = tpu.vector_load %arg10[%get3A_678, %get3A_679] {strides = array<i32>} : memref<320x128xf32, #tpu.memory_space<vmem>>, vector<1x16xf32>,
          %get3A_681 = vector.shape_cast %get3A_680 : vector<1x16xf32> to vector<16xf32>
          %mul3A_682 = vector.broadcast %select_n3A_505 : f32 to vector<16xf32>
          %mul3A_683 = arith.mulf %get3A_681, %mul3A_682 : vector<16xf32>
          %add3A_684 = arith.addf %add3A_675, %mul3A_683 : vector<16xf32>
          %add3A_685 = arith.constant 240 : i32
          %add3A_686 = arith.addi %add3A_685, %add3A_477 : i32
          %get3A_687 = arith.index_cast %add3A_686 : i32 to index
          %get3A_688 = arith.constant 64 : index
          %get3A_689 = tpu.vector_load %arg10[%get3A_687, %get3A_688] {strides = array<i32>} : memref<320x128xf32, #tpu.memory_space<vmem>>, vector<1x16xf32>,
          %get3A_690 = vector.shape_cast %get3A_689 : vector<1x16xf32> to vector<16xf32>
          %mul3A_691 = vector.broadcast %select_n3A_510 : f32 to vector<16xf32>
          %mul3A_692 = arith.mulf %get3A_690, %mul3A_691 : vector<16xf32>
          %add3A_693 = arith.addf %add3A_684, %mul3A_692 : vector<16xf32>
          %swap3A_694 = arith.index_cast %add3A_477 : i32 to index
          %swap3A_695 = arith.constant 64 : index
          %swap3A_696 = tpu.vector_load %arg12[%swap3A_694, %swap3A_695] {strides = array<i32>} : memref<80x128xf32, #tpu.memory_space<vmem>>, vector<1x16xf32>,
          %swap3A_697 = vector.shape_cast %swap3A_696 : vector<1x16xf32> to vector<16xf32>
          %swap3A_698 = vector.shape_cast %add3A_693 : vector<16xf32> to vector<1x16xf32>
          tpu.vector_store %arg12[%swap3A_694, %swap3A_695], %swap3A_698 {strides = array<i32>} : memref<80x128xf32, #tpu.memory_space<vmem>>, vector<1x16xf32>,
          %get3A_699 = arith.index_cast %add3A_477 : i32 to index
          %get3A_700 = arith.constant 80 : index
          %get3A_701 = tpu.vector_load %arg10[%get3A_699, %get3A_700] {strides = array<i32>} : memref<320x128xf32, #tpu.memory_space<vmem>>, vector<1x16xf32>,
          %get3A_702 = vector.shape_cast %get3A_701 : vector<1x16xf32> to vector<16xf32>
          %mul3A_703 = vector.broadcast %select_n3A_496 : f32 to vector<16xf32>
          %mul3A_704 = arith.mulf %get3A_702, %mul3A_703 : vector<16xf32>
          %add3A_705 = arith.constant 80 : i32
          %add3A_706 = arith.addi %add3A_705, %add3A_477 : i32
          %get3A_707 = arith.index_cast %add3A_706 : i32 to index
          %get3A_708 = arith.constant 80 : index
          %get3A_709 = tpu.vector_load %arg10[%get3A_707, %get3A_708] {strides = array<i32>} : memref<320x128xf32, #tpu.memory_space<vmem>>, vector<1x16xf32>,
          %get3A_710 = vector.shape_cast %get3A_709 : vector<1x16xf32> to vector<16xf32>
          %mul3A_711 = vector.broadcast %select_n3A_501 : f32 to vector<16xf32>
          %mul3A_712 = arith.mulf %get3A_710, %mul3A_711 : vector<16xf32>
          %add3A_713 = arith.addf %mul3A_704, %mul3A_712 : vector<16xf32>
          %add3A_714 = arith.constant 160 : i32
          %add3A_715 = arith.addi %add3A_714, %add3A_477 : i32
          %get3A_716 = arith.index_cast %add3A_715 : i32 to index
          %get3A_717 = arith.constant 80 : index
          %get3A_718 = tpu.vector_load %arg10[%get3A_716, %get3A_717] {strides = array<i32>} : memref<320x128xf32, #tpu.memory_space<vmem>>, vector<1x16xf32>,
          %get3A_719 = vector.shape_cast %get3A_718 : vector<1x16xf32> to vector<16xf32>
          %mul3A_720 = vector.broadcast %select_n3A_505 : f32 to vector<16xf32>
          %mul3A_721 = arith.mulf %get3A_719, %mul3A_720 : vector<16xf32>
          %add3A_722 = arith.addf %add3A_713, %mul3A_721 : vector<16xf32>
          %add3A_723 = arith.constant 240 : i32
          %add3A_724 = arith.addi %add3A_723, %add3A_477 : i32
          %get3A_725 = arith.index_cast %add3A_724 : i32 to index
          %get3A_726 = arith.constant 80 : index
          %get3A_727 = tpu.vector_load %arg10[%get3A_725, %get3A_726] {strides = array<i32>} : memref<320x128xf32, #tpu.memory_space<vmem>>, vector<1x16xf32>,
          %get3A_728 = vector.shape_cast %get3A_727 : vector<1x16xf32> to vector<16xf32>
          %mul3A_729 = vector.broadcast %select_n3A_510 : f32 to vector<16xf32>
          %mul3A_730 = arith.mulf %get3A_728, %mul3A_729 : vector<16xf32>
          %add3A_731 = arith.addf %add3A_722, %mul3A_730 : vector<16xf32>
          %swap3A_732 = arith.index_cast %add3A_477 : i32 to index
          %swap3A_733 = arith.constant 80 : index
          %swap3A_734 = tpu.vector_load %arg12[%swap3A_732, %swap3A_733] {strides = array<i32>} : memref<80x128xf32, #tpu.memory_space<vmem>>, vector<1x16xf32>,
          %swap3A_735 = vector.shape_cast %swap3A_734 : vector<1x16xf32> to vector<16xf32>
          %swap3A_736 = vector.shape_cast %add3A_731 : vector<16xf32> to vector<1x16xf32>
          tpu.vector_store %arg12[%swap3A_732, %swap3A_733], %swap3A_736 {strides = array<i32>} : memref<80x128xf32, #tpu.memory_space<vmem>>, vector<1x16xf32>,
          %get3A_737 = arith.index_cast %add3A_477 : i32 to index
          %get3A_738 = arith.constant 96 : index
          %get3A_739 = tpu.vector_load %arg10[%get3A_737, %get3A_738] {strides = array<i32>} : memref<320x128xf32, #tpu.memory_space<vmem>>, vector<1x16xf32>,
          %get3A_740 = vector.shape_cast %get3A_739 : vector<1x16xf32> to vector<16xf32>
          %mul3A_741 = vector.broadcast %select_n3A_496 : f32 to vector<16xf32>
          %mul3A_742 = arith.mulf %get3A_740, %mul3A_741 : vector<16xf32>
          %add3A_743 = arith.constant 80 : i32
          %add3A_744 = arith.addi %add3A_743, %add3A_477 : i32
          %get3A_745 = arith.index_cast %add3A_744 : i32 to index
          %get3A_746 = arith.constant 96 : index
          %get3A_747 = tpu.vector_load %arg10[%get3A_745, %get3A_746] {strides = array<i32>} : memref<320x128xf32, #tpu.memory_space<vmem>>, vector<1x16xf32>,
          %get3A_748 = vector.shape_cast %get3A_747 : vector<1x16xf32> to vector<16xf32>
          %mul3A_749 = vector.broadcast %select_n3A_501 : f32 to vector<16xf32>
          %mul3A_750 = arith.mulf %get3A_748, %mul3A_749 : vector<16xf32>
          %add3A_751 = arith.addf %mul3A_742, %mul3A_750 : vector<16xf32>
          %add3A_752 = arith.constant 160 : i32
          %add3A_753 = arith.addi %add3A_752, %add3A_477 : i32
          %get3A_754 = arith.index_cast %add3A_753 : i32 to index
          %get3A_755 = arith.constant 96 : index
          %get3A_756 = tpu.vector_load %arg10[%get3A_754, %get3A_755] {strides = array<i32>} : memref<320x128xf32, #tpu.memory_space<vmem>>, vector<1x16xf32>,
          %get3A_757 = vector.shape_cast %get3A_756 : vector<1x16xf32> to vector<16xf32>
          %mul3A_758 = vector.broadcast %select_n3A_505 : f32 to vector<16xf32>
          %mul3A_759 = arith.mulf %get3A_757, %mul3A_758 : vector<16xf32>
          %add3A_760 = arith.addf %add3A_751, %mul3A_759 : vector<16xf32>
          %add3A_761 = arith.constant 240 : i32
          %add3A_762 = arith.addi %add3A_761, %add3A_477 : i32
          %get3A_763 = arith.index_cast %add3A_762 : i32 to index
          %get3A_764 = arith.constant 96 : index
          %get3A_765 = tpu.vector_load %arg10[%get3A_763, %get3A_764] {strides = array<i32>} : memref<320x128xf32, #tpu.memory_space<vmem>>, vector<1x16xf32>,
          %get3A_766 = vector.shape_cast %get3A_765 : vector<1x16xf32> to vector<16xf32>
          %mul3A_767 = vector.broadcast %select_n3A_510 : f32 to vector<16xf32>
          %mul3A_768 = arith.mulf %get3A_766, %mul3A_767 : vector<16xf32>
          %add3A_769 = arith.addf %add3A_760, %mul3A_768 : vector<16xf32>
          %swap3A_770 = arith.index_cast %add3A_477 : i32 to index
          %swap3A_771 = arith.constant 96 : index
          %swap3A_772 = tpu.vector_load %arg12[%swap3A_770, %swap3A_771] {strides = array<i32>} : memref<80x128xf32, #tpu.memory_space<vmem>>, vector<1x16xf32>,
          %swap3A_773 = vector.shape_cast %swap3A_772 : vector<1x16xf32> to vector<16xf32>
          %swap3A_774 = vector.shape_cast %add3A_769 : vector<16xf32> to vector<1x16xf32>
          tpu.vector_store %arg12[%swap3A_770, %swap3A_771], %swap3A_774 {strides = array<i32>} : memref<80x128xf32, #tpu.memory_space<vmem>>, vector<1x16xf32>,
          %get3A_775 = arith.index_cast %add3A_477 : i32 to index
          %get3A_776 = arith.constant 112 : index
          %get3A_777 = tpu.vector_load %arg10[%get3A_775, %get3A_776] {strides = array<i32>} : memref<320x128xf32, #tpu.memory_space<vmem>>, vector<1x16xf32>,
          %get3A_778 = vector.shape_cast %get3A_777 : vector<1x16xf32> to vector<16xf32>
          %mul3A_779 = vector.broadcast %select_n3A_496 : f32 to vector<16xf32>
          %mul3A_780 = arith.mulf %get3A_778, %mul3A_779 : vector<16xf32>
          %add3A_781 = arith.constant 80 : i32
          %add3A_782 = arith.addi %add3A_781, %add3A_477 : i32
          %get3A_783 = arith.index_cast %add3A_782 : i32 to index
          %get3A_784 = arith.constant 112 : index
          %get3A_785 = tpu.vector_load %arg10[%get3A_783, %get3A_784] {strides = array<i32>} : memref<320x128xf32, #tpu.memory_space<vmem>>, vector<1x16xf32>,
          %get3A_786 = vector.shape_cast %get3A_785 : vector<1x16xf32> to vector<16xf32>
          %mul3A_787 = vector.broadcast %select_n3A_501 : f32 to vector<16xf32>
          %mul3A_788 = arith.mulf %get3A_786, %mul3A_787 : vector<16xf32>
          %add3A_789 = arith.addf %mul3A_780, %mul3A_788 : vector<16xf32>
          %add3A_790 = arith.constant 160 : i32
          %add3A_791 = arith.addi %add3A_790, %add3A_477 : i32
          %get3A_792 = arith.index_cast %add3A_791 : i32 to index
          %get3A_793 = arith.constant 112 : index
          %get3A_794 = tpu.vector_load %arg10[%get3A_792, %get3A_793] {strides = array<i32>} : memref<320x128xf32, #tpu.memory_space<vmem>>, vector<1x16xf32>,
          %get3A_795 = vector.shape_cast %get3A_794 : vector<1x16xf32> to vector<16xf32>
          %mul3A_796 = vector.broadcast %select_n3A_505 : f32 to vector<16xf32>
          %mul3A_797 = arith.mulf %get3A_795, %mul3A_796 : vector<16xf32>
          %add3A_798 = arith.addf %add3A_789, %mul3A_797 : vector<16xf32>
          %add3A_799 = arith.constant 240 : i32
          %add3A_800 = arith.addi %add3A_799, %add3A_477 : i32
          %get3A_801 = arith.index_cast %add3A_800 : i32 to index
          %get3A_802 = arith.constant 112 : index
          %get3A_803 = tpu.vector_load %arg10[%get3A_801, %get3A_802] {strides = array<i32>} : memref<320x128xf32, #tpu.memory_space<vmem>>, vector<1x16xf32>,
          %get3A_804 = vector.shape_cast %get3A_803 : vector<1x16xf32> to vector<16xf32>
          %mul3A_805 = vector.broadcast %select_n3A_510 : f32 to vector<16xf32>
          %mul3A_806 = arith.mulf %get3A_804, %mul3A_805 : vector<16xf32>
          %add3A_807 = arith.addf %add3A_798, %mul3A_806 : vector<16xf32>
          %swap3A_808 = arith.index_cast %add3A_477 : i32 to index
          %swap3A_809 = arith.constant 112 : index
          %swap3A_810 = tpu.vector_load %arg12[%swap3A_808, %swap3A_809] {strides = array<i32>} : memref<80x128xf32, #tpu.memory_space<vmem>>, vector<1x16xf32>,
          %swap3A_811 = vector.shape_cast %swap3A_810 : vector<1x16xf32> to vector<16xf32>
          %swap3A_812 = vector.shape_cast %add3A_807 : vector<16xf32> to vector<1x16xf32>
          tpu.vector_store %arg12[%swap3A_808, %swap3A_809], %swap3A_812 {strides = array<i32>} : memref<80x128xf32, #tpu.memory_space<vmem>>, vector<1x16xf32>,
        }
        %scan3A_466 = arith.constant 80 : i32
        %mul3A_467 = arith.constant 100000 : i32
        %mul3A_468 = arith.muli %select_n3A_248, %mul3A_467 : i32
        %add3A_469 = arith.addi %mul3A_468, %mul3A_461 : i32
        %dma_start3A = arith.constant 0 : i32
        %dma_start3A_470 = tpu.memref_slice %arg4[%add3A_469, %dma_start3A] : memref<200000x128xf32, #tpu.memory_space<hbm>> -> memref<80x128xf32, #tpu.memory_space<hbm>>
        %dma_start3A_471 = arith.constant 0 : i32
        %dma_start3A_472 = tpu.memref_slice %arg4[%add3A_469, %dma_start3A_471] : memref<200000x128xf32, #tpu.memory_space<hbm>> -> memref<80x128xf32, #tpu.memory_space<hbm>>
        tpu.enqueue_dma source(%arg12 : memref<80x128xf32, #tpu.memory_space<vmem>>) target(%dma_start3A_472 : memref<80x128xf32, #tpu.memory_space<hbm>>) target_semaphore(%arg18 : memref<!tpu.dma_semaphore, #tpu.memory_space<semaphore_mem>>)
      } else {
      }
      %add3A_263 = arith.constant 3 : i32
      %add3A_264 = arith.addi %add3A_96, %add3A_263 : i32
      %ge3A_265 = arith.constant 40 : i32
      %ge3A_266 = arith.cmpi sge, %add3A_264, %ge3A_265 : i32
      %jit3A_267 = arith.constant 1 : i32
      %jit3A_268 = arith.constant 0 : i32
      %select_n3A_269 = arith.select %ge3A_266, %jit3A_267, %jit3A_268 : i32
      %mul3A_270 = arith.constant 40 : i32
      %mul3A_271 = arith.muli %select_n3A_269, %mul3A_270 : i32
      %sub3A_272 = arith.subi %add3A_264, %mul3A_271 : i32
      %mul3A_273 = arith.constant 32 : i32
      %mul3A_274 = arith.muli %sub3A_272, %mul3A_273 : i32
      %add3A_275 = arith.addi %mul3A_274, %add3A : i32
      %ge3A_276 = arith.constant 0 : i32
      %ge3A_277 = arith.cmpi sge, %add3A_275, %ge3A_276 : i32
      %lt3A_278 = arith.constant 1250 : i32
      %lt3A_279 = arith.cmpi slt, %add3A_275, %lt3A_278 : i32
      %and3A_280 = arith.andi %ge3A_277, %lt3A_279 : i1
      %convert_element_type3A_281 = arith.extui %and3A_280 : i1 to i32
      %cond3A_282 = arith.constant 0 : i32
      %cond3A_283 = arith.cmpi ne, %convert_element_type3A_281, %cond3A_282 : i32
      scf.if %cond3A_283 {
        %ge3A_429 = arith.constant 40 : i32
        %ge3A_430 = arith.cmpi sge, %add3A_264, %ge3A_429 : i32
        %jit3A_431 = arith.constant 1 : i32
        %jit3A_432 = arith.constant 0 : i32
        %select_n3A_433 = arith.select %ge3A_430, %jit3A_431, %jit3A_432 : i32
        %mul3A_434 = arith.constant 40 : i32
        %mul3A_435 = arith.muli %select_n3A_433, %mul3A_434 : i32
        %sub3A_436 = arith.subi %add3A_264, %mul3A_435 : i32
        %mul3A_437 = arith.constant 32 : i32
        %mul3A_438 = arith.muli %sub3A_436, %mul3A_437 : i32
        %add3A_439 = arith.addi %mul3A_438, %add3A : i32
        %ge3A_440 = arith.constant 0 : i32
        %ge3A_441 = arith.cmpi sge, %add3A_439, %ge3A_440 : i32
        %lt3A_442 = arith.constant 1250 : i32
        %lt3A_443 = arith.cmpi slt, %add3A_439, %lt3A_442 : i32
        %and3A_444 = arith.andi %ge3A_441, %lt3A_443 : i1
        %mul3A_445 = arith.constant 1250 : i32
        %mul3A_446 = arith.muli %select_n3A_433, %mul3A_445 : i32
        %add3A_447 = arith.addi %mul3A_446, %add3A_439 : i32
        %mul3A_448 = arith.constant 320 : i32
        %mul3A_449 = arith.muli %add3A_447, %mul3A_448 : i32
        %dma_wait3A = tpu.memref_slice %arg3[%mul3A_449] : memref<800000xi32, #tpu.memory_space<hbm>> -> memref<320xi32, #tpu.memory_space<hbm>>
        %dma_wait3A_450 = tpu.memref_slice %arg3[%mul3A_449] : memref<800000xi32, #tpu.memory_space<hbm>> -> memref<320xi32, #tpu.memory_space<hbm>>
        tpu.wait_dma2 semaphore(%arg16 : memref<!tpu.dma_semaphore, #tpu.memory_space<semaphore_mem>>) src(%dma_wait3A_450 : memref<320xi32, #tpu.memory_space<hbm>>) dst(%arg8 : memref<320xi32, #tpu.memory_space<vmem>>)
        %dma_start3A = arith.constant 0 : i32
        %dma_start3A_451 = arith.constant 0 : i32
        %dma_start3A_452 = tpu.memref_slice %arg10[%dma_start3A, %dma_start3A_451] : memref<320x128xf32, #tpu.memory_space<vmem>> -> memref<80x128xf32, #tpu.memory_space<vmem>>
        %dma_start3A_453 = arith.constant 0 : i32
        %dma_start3A_454 = tpu.memref_slice %arg8[%dma_start3A_453] : memref<320xi32, #tpu.memory_space<vmem>> -> memref<80xi32, #tpu.memory_space<vmem>>
        %dma_start3A_455 = arith.constant 0 : i32
        %dma_start3A_456 = arith.constant 0 : i32
        %dma_start3A_457 = tpu.memref_slice %arg2[%dma_start3A_455, %dma_start3A_456] : memref<200000x128xf32, #tpu.memory_space<hbm>> -> memref<200000x128xf32, #tpu.memory_space<hbm>>
        tpu.enqueue_indirect_dma source(%dma_start3A_457 : memref<200000x128xf32, #tpu.memory_space<hbm>>) target(%dma_start3A_452 : memref<80x128xf32, #tpu.memory_space<vmem>>) offsets(%dma_start3A_454 : memref<80xi32, #tpu.memory_space<vmem>>) semaphore(%arg14 : memref<!tpu.dma_semaphore, #tpu.memory_space<semaphore_mem>>)
        %dma_start3A_458 = arith.constant 80 : i32
        %dma_start3A_459 = arith.constant 0 : i32
        %dma_start3A_460 = tpu.memref_slice %arg10[%dma_start3A_458, %dma_start3A_459] : memref<320x128xf32, #tpu.memory_space<vmem>> -> memref<80x128xf32, #tpu.memory_space<vmem>>
        %dma_start3A_461 = arith.constant 80 : i32
        %dma_start3A_462 = tpu.memref_slice %arg8[%dma_start3A_461] : memref<320xi32, #tpu.memory_space<vmem>> -> memref<80xi32, #tpu.memory_space<vmem>>
        %dma_start3A_463 = arith.constant 0 : i32
        %dma_start3A_464 = arith.constant 0 : i32
        %dma_start3A_465 = tpu.memref_slice %arg2[%dma_start3A_463, %dma_start3A_464] : memref<200000x128xf32, #tpu.memory_space<hbm>> -> memref<200000x128xf32, #tpu.memory_space<hbm>>
        tpu.enqueue_indirect_dma source(%dma_start3A_465 : memref<200000x128xf32, #tpu.memory_space<hbm>>) target(%dma_start3A_460 : memref<80x128xf32, #tpu.memory_space<vmem>>) offsets(%dma_start3A_462 : memref<80xi32, #tpu.memory_space<vmem>>) semaphore(%arg14 : memref<!tpu.dma_semaphore, #tpu.memory_space<semaphore_mem>>)
        %dma_start3A_466 = arith.constant 160 : i32
        %dma_start3A_467 = arith.constant 0 : i32
        %dma_start3A_468 = tpu.memref_slice %arg10[%dma_start3A_466, %dma_start3A_467] : memref<320x128xf32, #tpu.memory_space<vmem>> -> memref<80x128xf32, #tpu.memory_space<vmem>>
        %dma_start3A_469 = arith.constant 160 : i32
        %dma_start3A_470 = tpu.memref_slice %arg8[%dma_start3A_469] : memref<320xi32, #tpu.memory_space<vmem>> -> memref<80xi32, #tpu.memory_space<vmem>>
        %dma_start3A_471 = arith.constant 0 : i32
        %dma_start3A_472 = arith.constant 0 : i32
        %dma_start3A_473 = tpu.memref_slice %arg2[%dma_start3A_471, %dma_start3A_472] : memref<200000x128xf32, #tpu.memory_space<hbm>> -> memref<200000x128xf32, #tpu.memory_space<hbm>>
        tpu.enqueue_indirect_dma source(%dma_start3A_473 : memref<200000x128xf32, #tpu.memory_space<hbm>>) target(%dma_start3A_468 : memref<80x128xf32, #tpu.memory_space<vmem>>) offsets(%dma_start3A_470 : memref<80xi32, #tpu.memory_space<vmem>>) semaphore(%arg14 : memref<!tpu.dma_semaphore, #tpu.memory_space<semaphore_mem>>)
        %dma_start3A_474 = arith.constant 240 : i32
        %dma_start3A_475 = arith.constant 0 : i32
        %dma_start3A_476 = tpu.memref_slice %arg10[%dma_start3A_474, %dma_start3A_475] : memref<320x128xf32, #tpu.memory_space<vmem>> -> memref<80x128xf32, #tpu.memory_space<vmem>>
        %dma_start3A_477 = arith.constant 240 : i32
        %dma_start3A_478 = tpu.memref_slice %arg8[%dma_start3A_477] : memref<320xi32, #tpu.memory_space<vmem>> -> memref<80xi32, #tpu.memory_space<vmem>>
        %dma_start3A_479 = arith.constant 0 : i32
        %dma_start3A_480 = arith.constant 0 : i32
        %dma_start3A_481 = tpu.memref_slice %arg2[%dma_start3A_479, %dma_start3A_480] : memref<200000x128xf32, #tpu.memory_space<hbm>> -> memref<200000x128xf32, #tpu.memory_space<hbm>>
        tpu.enqueue_indirect_dma source(%dma_start3A_481 : memref<200000x128xf32, #tpu.memory_space<hbm>>) target(%dma_start3A_476 : memref<80x128xf32, #tpu.memory_space<vmem>>) offsets(%dma_start3A_478 : memref<80xi32, #tpu.memory_space<vmem>>) semaphore(%arg14 : memref<!tpu.dma_semaphore, #tpu.memory_space<semaphore_mem>>)
      } else {
      }
      %add3A_284 = arith.constant 4 : i32
      %add3A_285 = arith.addi %add3A_96, %add3A_284 : i32
      %ge3A_286 = arith.constant 40 : i32
      %ge3A_287 = arith.cmpi sge, %add3A_285, %ge3A_286 : i32
      %jit3A_288 = arith.constant 1 : i32
      %jit3A_289 = arith.constant 0 : i32
      %select_n3A_290 = arith.select %ge3A_287, %jit3A_288, %jit3A_289 : i32
      %mul3A_291 = arith.constant 40 : i32
      %mul3A_292 = arith.muli %select_n3A_290, %mul3A_291 : i32
      %sub3A_293 = arith.subi %add3A_285, %mul3A_292 : i32
      %mul3A_294 = arith.constant 32 : i32
      %mul3A_295 = arith.muli %sub3A_293, %mul3A_294 : i32
      %add3A_296 = arith.addi %mul3A_295, %add3A : i32
      %ge3A_297 = arith.constant 0 : i32
      %ge3A_298 = arith.cmpi sge, %add3A_296, %ge3A_297 : i32
      %lt3A_299 = arith.constant 1250 : i32
      %lt3A_300 = arith.cmpi slt, %add3A_296, %lt3A_299 : i32
      %and3A_301 = arith.andi %ge3A_298, %lt3A_300 : i1
      %convert_element_type3A_302 = arith.extui %and3A_301 : i1 to i32
      %cond3A_303 = arith.constant 0 : i32
      %cond3A_304 = arith.cmpi ne, %convert_element_type3A_302, %cond3A_303 : i32
      scf.if %cond3A_304 {
        %ge3A_429 = arith.constant 40 : i32
        %ge3A_430 = arith.cmpi sge, %add3A_285, %ge3A_429 : i32
        %jit3A_431 = arith.constant 1 : i32
        %jit3A_432 = arith.constant 0 : i32
        %select_n3A_433 = arith.select %ge3A_430, %jit3A_431, %jit3A_432 : i32
        %mul3A_434 = arith.constant 40 : i32
        %mul3A_435 = arith.muli %select_n3A_433, %mul3A_434 : i32
        %sub3A_436 = arith.subi %add3A_285, %mul3A_435 : i32
        %mul3A_437 = arith.constant 32 : i32
        %mul3A_438 = arith.muli %sub3A_436, %mul3A_437 : i32
        %add3A_439 = arith.addi %mul3A_438, %add3A : i32
        %ge3A_440 = arith.constant 0 : i32
        %ge3A_441 = arith.cmpi sge, %add3A_439, %ge3A_440 : i32
        %lt3A_442 = arith.constant 1250 : i32
        %lt3A_443 = arith.cmpi slt, %add3A_439, %lt3A_442 : i32
        %and3A_444 = arith.andi %ge3A_441, %lt3A_443 : i1
        %mul3A_445 = arith.constant 1250 : i32
        %mul3A_446 = arith.muli %select_n3A_433, %mul3A_445 : i32
        %add3A_447 = arith.addi %mul3A_446, %add3A_439 : i32
        %mul3A_448 = arith.constant 320 : i32
        %mul3A_449 = arith.muli %add3A_447, %mul3A_448 : i32
        %dma_start3A = tpu.memref_slice %arg3[%mul3A_449] : memref<800000xi32, #tpu.memory_space<hbm>> -> memref<320xi32, #tpu.memory_space<hbm>>
        %dma_start3A_450 = tpu.memref_slice %arg3[%mul3A_449] : memref<800000xi32, #tpu.memory_space<hbm>> -> memref<320xi32, #tpu.memory_space<hbm>>
        tpu.enqueue_dma source(%dma_start3A_450 : memref<320xi32, #tpu.memory_space<hbm>>) target(%arg5 : memref<320xi32, #tpu.memory_space<vmem>>) target_semaphore(%arg15 : memref<!tpu.dma_semaphore, #tpu.memory_space<semaphore_mem>>)
      } else {
      }
      %ge3A_305 = arith.constant 40 : i32
      %ge3A_306 = arith.cmpi sge, %add3A_96, %ge3A_305 : i32
      %jit3A_307 = arith.constant 1 : i32
      %jit3A_308 = arith.constant 0 : i32
      %select_n3A_309 = arith.select %ge3A_306, %jit3A_307, %jit3A_308 : i32
      %mul3A_310 = arith.constant 40 : i32
      %mul3A_311 = arith.muli %select_n3A_309, %mul3A_310 : i32
      %sub3A_312 = arith.subi %add3A_96, %mul3A_311 : i32
      %mul3A_313 = arith.constant 32 : i32
      %mul3A_314 = arith.muli %sub3A_312, %mul3A_313 : i32
      %add3A_315 = arith.addi %mul3A_314, %add3A : i32
      %ge3A_316 = arith.constant 0 : i32
      %ge3A_317 = arith.cmpi sge, %add3A_315, %ge3A_316 : i32
      %lt3A_318 = arith.constant 1250 : i32
      %lt3A_319 = arith.cmpi slt, %add3A_315, %lt3A_318 : i32
      %and3A_320 = arith.andi %ge3A_317, %lt3A_319 : i1
      %convert_element_type3A_321 = arith.extui %and3A_320 : i1 to i32
      %cond3A_322 = arith.constant 0 : i32
      %cond3A_323 = arith.cmpi ne, %convert_element_type3A_321, %cond3A_322 : i32
      scf.if %cond3A_323 {
        %mul3A_429 = arith.constant 100000 : i32
        %mul3A_430 = arith.muli %select_n3A_309, %mul3A_429 : i32
        %mul3A_431 = arith.constant 80 : i32
        %mul3A_432 = arith.muli %add3A_315, %mul3A_431 : i32
        %add3A_433 = arith.addi %mul3A_430, %mul3A_432 : i32
        %dma_wait3A = arith.constant 0 : i32
        %dma_wait3A_434 = tpu.memref_slice %arg4[%add3A_433, %dma_wait3A] : memref<200000x128xf32, #tpu.memory_space<hbm>> -> memref<80x128xf32, #tpu.memory_space<hbm>>
        %dma_wait3A_435 = arith.constant 0 : i32
        %dma_wait3A_436 = tpu.memref_slice %arg4[%add3A_433, %dma_wait3A_435] : memref<200000x128xf32, #tpu.memory_space<hbm>> -> memref<80x128xf32, #tpu.memory_space<hbm>>
        tpu.wait_dma2 semaphore(%arg17 : memref<!tpu.dma_semaphore, #tpu.memory_space<semaphore_mem>>) src(%arg11 : memref<80x128xf32, #tpu.memory_space<vmem>>) dst(%dma_wait3A_436 : memref<80x128xf32, #tpu.memory_space<hbm>>)
      } else {
      }
      %add3A_324 = arith.constant 2 : i32
      %add3A_325 = arith.addi %add3A_96, %add3A_324 : i32
      %ge3A_326 = arith.constant 40 : i32
      %ge3A_327 = arith.cmpi sge, %add3A_325, %ge3A_326 : i32
      %jit3A_328 = arith.constant 1 : i32
      %jit3A_329 = arith.constant 0 : i32
      %select_n3A_330 = arith.select %ge3A_327, %jit3A_328, %jit3A_329 : i32
      %mul3A_331 = arith.constant 40 : i32
      %mul3A_332 = arith.muli %select_n3A_330, %mul3A_331 : i32
      %sub3A_333 = arith.subi %add3A_325, %mul3A_332 : i32
      %mul3A_334 = arith.constant 32 : i32
      %mul3A_335 = arith.muli %sub3A_333, %mul3A_334 : i32
      %add3A_336 = arith.addi %mul3A_335, %add3A : i32
      %ge3A_337 = arith.constant 0 : i32
      %ge3A_338 = arith.cmpi sge, %add3A_336, %ge3A_337 : i32
      %lt3A_339 = arith.constant 1250 : i32
      %lt3A_340 = arith.cmpi slt, %add3A_336, %lt3A_339 : i32
      %and3A_341 = arith.andi %ge3A_338, %lt3A_340 : i1
      %convert_element_type3A_342 = arith.extui %and3A_341 : i1 to i32
      %cond3A_343 = arith.constant 0 : i32
      %cond3A_344 = arith.cmpi ne, %convert_element_type3A_342, %cond3A_343 : i32
      scf.if %cond3A_344 {
        %dma_wait3A = arith.constant 0 : i32
        %dma_wait3A_429 = arith.constant 0 : i32
        %dma_wait3A_430 = tpu.memref_slice %arg9[%dma_wait3A, %dma_wait3A_429] : memref<320x128xf32, #tpu.memory_space<vmem>> -> memref<80x128xf32, #tpu.memory_space<vmem>>
        %dma_wait3A_431 = arith.constant 0 : i32
        %dma_wait3A_432 = tpu.memref_slice %arg7[%dma_wait3A_431] : memref<320xi32, #tpu.memory_space<vmem>> -> memref<80xi32, #tpu.memory_space<vmem>>
        %dma_wait3A_433 = arith.constant 0 : i32
        %dma_wait3A_434 = arith.constant 0 : i32
        %dma_wait3A_435 = tpu.memref_slice %arg2[%dma_wait3A_433, %dma_wait3A_434] : memref<200000x128xf32, #tpu.memory_space<hbm>> -> memref<200000x128xf32, #tpu.memory_space<hbm>>
        tpu.wait_indirect_dma semaphore(%arg13 : memref<!tpu.dma_semaphore, #tpu.memory_space<semaphore_mem>>) src(%dma_wait3A_435 : memref<200000x128xf32, #tpu.memory_space<hbm>>) dst(%dma_wait3A_430 : memref<80x128xf32, #tpu.memory_space<vmem>>)
        %dma_wait3A_436 = arith.constant 80 : i32
        %dma_wait3A_437 = arith.constant 0 : i32
        %dma_wait3A_438 = tpu.memref_slice %arg9[%dma_wait3A_436, %dma_wait3A_437] : memref<320x128xf32, #tpu.memory_space<vmem>> -> memref<80x128xf32, #tpu.memory_space<vmem>>
        %dma_wait3A_439 = arith.constant 80 : i32
        %dma_wait3A_440 = tpu.memref_slice %arg7[%dma_wait3A_439] : memref<320xi32, #tpu.memory_space<vmem>> -> memref<80xi32, #tpu.memory_space<vmem>>
        %dma_wait3A_441 = arith.constant 0 : i32
        %dma_wait3A_442 = arith.constant 0 : i32
        %dma_wait3A_443 = tpu.memref_slice %arg2[%dma_wait3A_441, %dma_wait3A_442] : memref<200000x128xf32, #tpu.memory_space<hbm>> -> memref<200000x128xf32, #tpu.memory_space<hbm>>
        tpu.wait_indirect_dma semaphore(%arg13 : memref<!tpu.dma_semaphore, #tpu.memory_space<semaphore_mem>>) src(%dma_wait3A_443 : memref<200000x128xf32, #tpu.memory_space<hbm>>) dst(%dma_wait3A_438 : memref<80x128xf32, #tpu.memory_space<vmem>>)
        %dma_wait3A_444 = arith.constant 160 : i32
        %dma_wait3A_445 = arith.constant 0 : i32
        %dma_wait3A_446 = tpu.memref_slice %arg9[%dma_wait3A_444, %dma_wait3A_445] : memref<320x128xf32, #tpu.memory_space<vmem>> -> memref<80x128xf32, #tpu.memory_space<vmem>>
        %dma_wait3A_447 = arith.constant 160 : i32
        %dma_wait3A_448 = tpu.memref_slice %arg7[%dma_wait3A_447] : memref<320xi32, #tpu.memory_space<vmem>> -> memref<80xi32, #tpu.memory_space<vmem>>
        %dma_wait3A_449 = arith.constant 0 : i32
        %dma_wait3A_450 = arith.constant 0 : i32
        %dma_wait3A_451 = tpu.memref_slice %arg2[%dma_wait3A_449, %dma_wait3A_450] : memref<200000x128xf32, #tpu.memory_space<hbm>> -> memref<200000x128xf32, #tpu.memory_space<hbm>>
        tpu.wait_indirect_dma semaphore(%arg13 : memref<!tpu.dma_semaphore, #tpu.memory_space<semaphore_mem>>) src(%dma_wait3A_451 : memref<200000x128xf32, #tpu.memory_space<hbm>>) dst(%dma_wait3A_446 : memref<80x128xf32, #tpu.memory_space<vmem>>)
        %dma_wait3A_452 = arith.constant 240 : i32
        %dma_wait3A_453 = arith.constant 0 : i32
        %dma_wait3A_454 = tpu.memref_slice %arg9[%dma_wait3A_452, %dma_wait3A_453] : memref<320x128xf32, #tpu.memory_space<vmem>> -> memref<80x128xf32, #tpu.memory_space<vmem>>
        %dma_wait3A_455 = arith.constant 240 : i32
        %dma_wait3A_456 = tpu.memref_slice %arg7[%dma_wait3A_455] : memref<320xi32, #tpu.memory_space<vmem>> -> memref<80xi32, #tpu.memory_space<vmem>>
        %dma_wait3A_457 = arith.constant 0 : i32
        %dma_wait3A_458 = arith.constant 0 : i32
        %dma_wait3A_459 = tpu.memref_slice %arg2[%dma_wait3A_457, %dma_wait3A_458] : memref<200000x128xf32, #tpu.memory_space<hbm>> -> memref<200000x128xf32, #tpu.memory_space<hbm>>
        tpu.wait_indirect_dma semaphore(%arg13 : memref<!tpu.dma_semaphore, #tpu.memory_space<semaphore_mem>>) src(%dma_wait3A_459 : memref<200000x128xf32, #tpu.memory_space<hbm>>) dst(%dma_wait3A_454 : memref<80x128xf32, #tpu.memory_space<vmem>>)
        %mul3A_460 = arith.constant 80 : i32
        %mul3A_461 = arith.muli %add3A_336, %mul3A_460 : i32
        %scan3A_462 = arith.constant 0 : i32
        %scan3A_463 = arith.constant 80 : i32
        %scan3A_464 = arith.addi %scan3A_462, %scan3A_463 : i32
        %scan3A_465 = arith.constant 1 : i32
        scf.for %scan3A_473 = %scan3A_462 to %scan3A_464 step %scan3A_465  : i32 {
          %mul3A_474 = arith.constant 1 : i32
          %mul3A_475 = arith.muli %scan3A_473, %mul3A_474 : i32
          %add3A_476 = arith.constant 0 : i32
          %add3A_477 = arith.addi %add3A_476, %mul3A_475 : i32
          %add3A_478 = arith.addi %mul3A_461, %add3A_477 : i32
          %jit3A_479 = arith.constant 400 : i32
          %eq3A = arith.constant 0 : i32
          %eq3A_480 = arith.cmpi eq, %jit3A_479, %eq3A : i32
          %jit3A_481 = arith.constant 1 : i32
          %select_n3A_482 = arith.select %eq3A_480, %jit3A_481, %jit3A_479 : i32
          %rem3A = arith.remsi %add3A_478, %select_n3A_482 : i32
          %ne3A = arith.constant 0 : i32
          %ne3A_483 = arith.cmpi ne, %rem3A, %ne3A : i32
          %lt3A_484 = arith.constant 0 : i32
          %lt3A_485 = arith.cmpi slt, %rem3A, %lt3A_484 : i32
          %lt3A_486 = arith.constant 0 : i32
          %lt3A_487 = arith.cmpi slt, %select_n3A_482, %lt3A_486 : i32
          %ne3A_488 = arith.xori %lt3A_485, %lt3A_487 : i1
          %and3A_489 = arith.andi %ne3A_488, %ne3A_483 : i1
          %add3A_490 = arith.addi %rem3A, %select_n3A_482 : i32
          %select_n3A_491 = arith.select %and3A_489, %add3A_490, %rem3A : i32
          %ge3A_492 = arith.constant 400 : i32
          %ge3A_493 = arith.cmpi sge, %add3A_478, %ge3A_492 : i32
          %jit3A_494 = arith.constant 1.000000e+00 : f32
          %jit3A_495 = arith.constant 0.000000e+00 : f32
          %select_n3A_496 = arith.select %ge3A_493, %jit3A_494, %jit3A_495 : f32
          %lt3A_497 = arith.constant 99600 : i32
          %lt3A_498 = arith.cmpi slt, %add3A_478, %lt3A_497 : i32
          %jit3A_499 = arith.constant 1.000000e+00 : f32
          %jit3A_500 = arith.constant 0.000000e+00 : f32
          %select_n3A_501 = arith.select %lt3A_498, %jit3A_499, %jit3A_500 : f32
          %gt3A = arith.constant 0 : i32
          %gt3A_502 = arith.cmpi sgt, %select_n3A_491, %gt3A : i32
          %jit3A_503 = arith.constant 1.000000e+00 : f32
          %jit3A_504 = arith.constant 0.000000e+00 : f32
          %select_n3A_505 = arith.select %gt3A_502, %jit3A_503, %jit3A_504 : f32
          %lt3A_506 = arith.constant 399 : i32
          %lt3A_507 = arith.cmpi slt, %select_n3A_491, %lt3A_506 : i32
          %jit3A_508 = arith.constant 1.000000e+00 : f32
          %jit3A_509 = arith.constant 0.000000e+00 : f32
          %select_n3A_510 = arith.select %lt3A_507, %jit3A_508, %jit3A_509 : f32
          %get3A = arith.index_cast %add3A_477 : i32 to index
          %get3A_511 = arith.constant 0 : index
          %get3A_512 = tpu.vector_load %arg9[%get3A, %get3A_511] {strides = array<i32>} : memref<320x128xf32, #tpu.memory_space<vmem>>, vector<1x16xf32>,
          %get3A_513 = vector.shape_cast %get3A_512 : vector<1x16xf32> to vector<16xf32>
          %mul3A_514 = vector.broadcast %select_n3A_496 : f32 to vector<16xf32>
          %mul3A_515 = arith.mulf %get3A_513, %mul3A_514 : vector<16xf32>
          %add3A_516 = arith.constant 80 : i32
          %add3A_517 = arith.addi %add3A_516, %add3A_477 : i32
          %get3A_518 = arith.index_cast %add3A_517 : i32 to index
          %get3A_519 = arith.constant 0 : index
          %get3A_520 = tpu.vector_load %arg9[%get3A_518, %get3A_519] {strides = array<i32>} : memref<320x128xf32, #tpu.memory_space<vmem>>, vector<1x16xf32>,
          %get3A_521 = vector.shape_cast %get3A_520 : vector<1x16xf32> to vector<16xf32>
          %mul3A_522 = vector.broadcast %select_n3A_501 : f32 to vector<16xf32>
          %mul3A_523 = arith.mulf %get3A_521, %mul3A_522 : vector<16xf32>
          %add3A_524 = arith.addf %mul3A_515, %mul3A_523 : vector<16xf32>
          %add3A_525 = arith.constant 160 : i32
          %add3A_526 = arith.addi %add3A_525, %add3A_477 : i32
          %get3A_527 = arith.index_cast %add3A_526 : i32 to index
          %get3A_528 = arith.constant 0 : index
          %get3A_529 = tpu.vector_load %arg9[%get3A_527, %get3A_528] {strides = array<i32>} : memref<320x128xf32, #tpu.memory_space<vmem>>, vector<1x16xf32>,
          %get3A_530 = vector.shape_cast %get3A_529 : vector<1x16xf32> to vector<16xf32>
          %mul3A_531 = vector.broadcast %select_n3A_505 : f32 to vector<16xf32>
          %mul3A_532 = arith.mulf %get3A_530, %mul3A_531 : vector<16xf32>
          %add3A_533 = arith.addf %add3A_524, %mul3A_532 : vector<16xf32>
          %add3A_534 = arith.constant 240 : i32
          %add3A_535 = arith.addi %add3A_534, %add3A_477 : i32
          %get3A_536 = arith.index_cast %add3A_535 : i32 to index
          %get3A_537 = arith.constant 0 : index
          %get3A_538 = tpu.vector_load %arg9[%get3A_536, %get3A_537] {strides = array<i32>} : memref<320x128xf32, #tpu.memory_space<vmem>>, vector<1x16xf32>,
          %get3A_539 = vector.shape_cast %get3A_538 : vector<1x16xf32> to vector<16xf32>
          %mul3A_540 = vector.broadcast %select_n3A_510 : f32 to vector<16xf32>
          %mul3A_541 = arith.mulf %get3A_539, %mul3A_540 : vector<16xf32>
          %add3A_542 = arith.addf %add3A_533, %mul3A_541 : vector<16xf32>
          %swap3A = arith.index_cast %add3A_477 : i32 to index
          %swap3A_543 = arith.constant 0 : index
          %swap3A_544 = tpu.vector_load %arg11[%swap3A, %swap3A_543] {strides = array<i32>} : memref<80x128xf32, #tpu.memory_space<vmem>>, vector<1x16xf32>,
          %swap3A_545 = vector.shape_cast %swap3A_544 : vector<1x16xf32> to vector<16xf32>
          %swap3A_546 = vector.shape_cast %add3A_542 : vector<16xf32> to vector<1x16xf32>
          tpu.vector_store %arg11[%swap3A, %swap3A_543], %swap3A_546 {strides = array<i32>} : memref<80x128xf32, #tpu.memory_space<vmem>>, vector<1x16xf32>,
          %get3A_547 = arith.index_cast %add3A_477 : i32 to index
          %get3A_548 = arith.constant 16 : index
          %get3A_549 = tpu.vector_load %arg9[%get3A_547, %get3A_548] {strides = array<i32>} : memref<320x128xf32, #tpu.memory_space<vmem>>, vector<1x16xf32>,
          %get3A_550 = vector.shape_cast %get3A_549 : vector<1x16xf32> to vector<16xf32>
          %mul3A_551 = vector.broadcast %select_n3A_496 : f32 to vector<16xf32>
          %mul3A_552 = arith.mulf %get3A_550, %mul3A_551 : vector<16xf32>
          %add3A_553 = arith.constant 80 : i32
          %add3A_554 = arith.addi %add3A_553, %add3A_477 : i32
          %get3A_555 = arith.index_cast %add3A_554 : i32 to index
          %get3A_556 = arith.constant 16 : index
          %get3A_557 = tpu.vector_load %arg9[%get3A_555, %get3A_556] {strides = array<i32>} : memref<320x128xf32, #tpu.memory_space<vmem>>, vector<1x16xf32>,
          %get3A_558 = vector.shape_cast %get3A_557 : vector<1x16xf32> to vector<16xf32>
          %mul3A_559 = vector.broadcast %select_n3A_501 : f32 to vector<16xf32>
          %mul3A_560 = arith.mulf %get3A_558, %mul3A_559 : vector<16xf32>
          %add3A_561 = arith.addf %mul3A_552, %mul3A_560 : vector<16xf32>
          %add3A_562 = arith.constant 160 : i32
          %add3A_563 = arith.addi %add3A_562, %add3A_477 : i32
          %get3A_564 = arith.index_cast %add3A_563 : i32 to index
          %get3A_565 = arith.constant 16 : index
          %get3A_566 = tpu.vector_load %arg9[%get3A_564, %get3A_565] {strides = array<i32>} : memref<320x128xf32, #tpu.memory_space<vmem>>, vector<1x16xf32>,
          %get3A_567 = vector.shape_cast %get3A_566 : vector<1x16xf32> to vector<16xf32>
          %mul3A_568 = vector.broadcast %select_n3A_505 : f32 to vector<16xf32>
          %mul3A_569 = arith.mulf %get3A_567, %mul3A_568 : vector<16xf32>
          %add3A_570 = arith.addf %add3A_561, %mul3A_569 : vector<16xf32>
          %add3A_571 = arith.constant 240 : i32
          %add3A_572 = arith.addi %add3A_571, %add3A_477 : i32
          %get3A_573 = arith.index_cast %add3A_572 : i32 to index
          %get3A_574 = arith.constant 16 : index
          %get3A_575 = tpu.vector_load %arg9[%get3A_573, %get3A_574] {strides = array<i32>} : memref<320x128xf32, #tpu.memory_space<vmem>>, vector<1x16xf32>,
          %get3A_576 = vector.shape_cast %get3A_575 : vector<1x16xf32> to vector<16xf32>
          %mul3A_577 = vector.broadcast %select_n3A_510 : f32 to vector<16xf32>
          %mul3A_578 = arith.mulf %get3A_576, %mul3A_577 : vector<16xf32>
          %add3A_579 = arith.addf %add3A_570, %mul3A_578 : vector<16xf32>
          %swap3A_580 = arith.index_cast %add3A_477 : i32 to index
          %swap3A_581 = arith.constant 16 : index
          %swap3A_582 = tpu.vector_load %arg11[%swap3A_580, %swap3A_581] {strides = array<i32>} : memref<80x128xf32, #tpu.memory_space<vmem>>, vector<1x16xf32>,
          %swap3A_583 = vector.shape_cast %swap3A_582 : vector<1x16xf32> to vector<16xf32>
          %swap3A_584 = vector.shape_cast %add3A_579 : vector<16xf32> to vector<1x16xf32>
          tpu.vector_store %arg11[%swap3A_580, %swap3A_581], %swap3A_584 {strides = array<i32>} : memref<80x128xf32, #tpu.memory_space<vmem>>, vector<1x16xf32>,
          %get3A_585 = arith.index_cast %add3A_477 : i32 to index
          %get3A_586 = arith.constant 32 : index
          %get3A_587 = tpu.vector_load %arg9[%get3A_585, %get3A_586] {strides = array<i32>} : memref<320x128xf32, #tpu.memory_space<vmem>>, vector<1x16xf32>,
          %get3A_588 = vector.shape_cast %get3A_587 : vector<1x16xf32> to vector<16xf32>
          %mul3A_589 = vector.broadcast %select_n3A_496 : f32 to vector<16xf32>
          %mul3A_590 = arith.mulf %get3A_588, %mul3A_589 : vector<16xf32>
          %add3A_591 = arith.constant 80 : i32
          %add3A_592 = arith.addi %add3A_591, %add3A_477 : i32
          %get3A_593 = arith.index_cast %add3A_592 : i32 to index
          %get3A_594 = arith.constant 32 : index
          %get3A_595 = tpu.vector_load %arg9[%get3A_593, %get3A_594] {strides = array<i32>} : memref<320x128xf32, #tpu.memory_space<vmem>>, vector<1x16xf32>,
          %get3A_596 = vector.shape_cast %get3A_595 : vector<1x16xf32> to vector<16xf32>
          %mul3A_597 = vector.broadcast %select_n3A_501 : f32 to vector<16xf32>
          %mul3A_598 = arith.mulf %get3A_596, %mul3A_597 : vector<16xf32>
          %add3A_599 = arith.addf %mul3A_590, %mul3A_598 : vector<16xf32>
          %add3A_600 = arith.constant 160 : i32
          %add3A_601 = arith.addi %add3A_600, %add3A_477 : i32
          %get3A_602 = arith.index_cast %add3A_601 : i32 to index
          %get3A_603 = arith.constant 32 : index
          %get3A_604 = tpu.vector_load %arg9[%get3A_602, %get3A_603] {strides = array<i32>} : memref<320x128xf32, #tpu.memory_space<vmem>>, vector<1x16xf32>,
          %get3A_605 = vector.shape_cast %get3A_604 : vector<1x16xf32> to vector<16xf32>
          %mul3A_606 = vector.broadcast %select_n3A_505 : f32 to vector<16xf32>
          %mul3A_607 = arith.mulf %get3A_605, %mul3A_606 : vector<16xf32>
          %add3A_608 = arith.addf %add3A_599, %mul3A_607 : vector<16xf32>
          %add3A_609 = arith.constant 240 : i32
          %add3A_610 = arith.addi %add3A_609, %add3A_477 : i32
          %get3A_611 = arith.index_cast %add3A_610 : i32 to index
          %get3A_612 = arith.constant 32 : index
          %get3A_613 = tpu.vector_load %arg9[%get3A_611, %get3A_612] {strides = array<i32>} : memref<320x128xf32, #tpu.memory_space<vmem>>, vector<1x16xf32>,
          %get3A_614 = vector.shape_cast %get3A_613 : vector<1x16xf32> to vector<16xf32>
          %mul3A_615 = vector.broadcast %select_n3A_510 : f32 to vector<16xf32>
          %mul3A_616 = arith.mulf %get3A_614, %mul3A_615 : vector<16xf32>
          %add3A_617 = arith.addf %add3A_608, %mul3A_616 : vector<16xf32>
          %swap3A_618 = arith.index_cast %add3A_477 : i32 to index
          %swap3A_619 = arith.constant 32 : index
          %swap3A_620 = tpu.vector_load %arg11[%swap3A_618, %swap3A_619] {strides = array<i32>} : memref<80x128xf32, #tpu.memory_space<vmem>>, vector<1x16xf32>,
          %swap3A_621 = vector.shape_cast %swap3A_620 : vector<1x16xf32> to vector<16xf32>
          %swap3A_622 = vector.shape_cast %add3A_617 : vector<16xf32> to vector<1x16xf32>
          tpu.vector_store %arg11[%swap3A_618, %swap3A_619], %swap3A_622 {strides = array<i32>} : memref<80x128xf32, #tpu.memory_space<vmem>>, vector<1x16xf32>,
          %get3A_623 = arith.index_cast %add3A_477 : i32 to index
          %get3A_624 = arith.constant 48 : index
          %get3A_625 = tpu.vector_load %arg9[%get3A_623, %get3A_624] {strides = array<i32>} : memref<320x128xf32, #tpu.memory_space<vmem>>, vector<1x16xf32>,
          %get3A_626 = vector.shape_cast %get3A_625 : vector<1x16xf32> to vector<16xf32>
          %mul3A_627 = vector.broadcast %select_n3A_496 : f32 to vector<16xf32>
          %mul3A_628 = arith.mulf %get3A_626, %mul3A_627 : vector<16xf32>
          %add3A_629 = arith.constant 80 : i32
          %add3A_630 = arith.addi %add3A_629, %add3A_477 : i32
          %get3A_631 = arith.index_cast %add3A_630 : i32 to index
          %get3A_632 = arith.constant 48 : index
          %get3A_633 = tpu.vector_load %arg9[%get3A_631, %get3A_632] {strides = array<i32>} : memref<320x128xf32, #tpu.memory_space<vmem>>, vector<1x16xf32>,
          %get3A_634 = vector.shape_cast %get3A_633 : vector<1x16xf32> to vector<16xf32>
          %mul3A_635 = vector.broadcast %select_n3A_501 : f32 to vector<16xf32>
          %mul3A_636 = arith.mulf %get3A_634, %mul3A_635 : vector<16xf32>
          %add3A_637 = arith.addf %mul3A_628, %mul3A_636 : vector<16xf32>
          %add3A_638 = arith.constant 160 : i32
          %add3A_639 = arith.addi %add3A_638, %add3A_477 : i32
          %get3A_640 = arith.index_cast %add3A_639 : i32 to index
          %get3A_641 = arith.constant 48 : index
          %get3A_642 = tpu.vector_load %arg9[%get3A_640, %get3A_641] {strides = array<i32>} : memref<320x128xf32, #tpu.memory_space<vmem>>, vector<1x16xf32>,
          %get3A_643 = vector.shape_cast %get3A_642 : vector<1x16xf32> to vector<16xf32>
          %mul3A_644 = vector.broadcast %select_n3A_505 : f32 to vector<16xf32>
          %mul3A_645 = arith.mulf %get3A_643, %mul3A_644 : vector<16xf32>
          %add3A_646 = arith.addf %add3A_637, %mul3A_645 : vector<16xf32>
          %add3A_647 = arith.constant 240 : i32
          %add3A_648 = arith.addi %add3A_647, %add3A_477 : i32
          %get3A_649 = arith.index_cast %add3A_648 : i32 to index
          %get3A_650 = arith.constant 48 : index
          %get3A_651 = tpu.vector_load %arg9[%get3A_649, %get3A_650] {strides = array<i32>} : memref<320x128xf32, #tpu.memory_space<vmem>>, vector<1x16xf32>,
          %get3A_652 = vector.shape_cast %get3A_651 : vector<1x16xf32> to vector<16xf32>
          %mul3A_653 = vector.broadcast %select_n3A_510 : f32 to vector<16xf32>
          %mul3A_654 = arith.mulf %get3A_652, %mul3A_653 : vector<16xf32>
          %add3A_655 = arith.addf %add3A_646, %mul3A_654 : vector<16xf32>
          %swap3A_656 = arith.index_cast %add3A_477 : i32 to index
          %swap3A_657 = arith.constant 48 : index
          %swap3A_658 = tpu.vector_load %arg11[%swap3A_656, %swap3A_657] {strides = array<i32>} : memref<80x128xf32, #tpu.memory_space<vmem>>, vector<1x16xf32>,
          %swap3A_659 = vector.shape_cast %swap3A_658 : vector<1x16xf32> to vector<16xf32>
          %swap3A_660 = vector.shape_cast %add3A_655 : vector<16xf32> to vector<1x16xf32>
          tpu.vector_store %arg11[%swap3A_656, %swap3A_657], %swap3A_660 {strides = array<i32>} : memref<80x128xf32, #tpu.memory_space<vmem>>, vector<1x16xf32>,
          %get3A_661 = arith.index_cast %add3A_477 : i32 to index
          %get3A_662 = arith.constant 64 : index
          %get3A_663 = tpu.vector_load %arg9[%get3A_661, %get3A_662] {strides = array<i32>} : memref<320x128xf32, #tpu.memory_space<vmem>>, vector<1x16xf32>,
          %get3A_664 = vector.shape_cast %get3A_663 : vector<1x16xf32> to vector<16xf32>
          %mul3A_665 = vector.broadcast %select_n3A_496 : f32 to vector<16xf32>
          %mul3A_666 = arith.mulf %get3A_664, %mul3A_665 : vector<16xf32>
          %add3A_667 = arith.constant 80 : i32
          %add3A_668 = arith.addi %add3A_667, %add3A_477 : i32
          %get3A_669 = arith.index_cast %add3A_668 : i32 to index
          %get3A_670 = arith.constant 64 : index
          %get3A_671 = tpu.vector_load %arg9[%get3A_669, %get3A_670] {strides = array<i32>} : memref<320x128xf32, #tpu.memory_space<vmem>>, vector<1x16xf32>,
          %get3A_672 = vector.shape_cast %get3A_671 : vector<1x16xf32> to vector<16xf32>
          %mul3A_673 = vector.broadcast %select_n3A_501 : f32 to vector<16xf32>
          %mul3A_674 = arith.mulf %get3A_672, %mul3A_673 : vector<16xf32>
          %add3A_675 = arith.addf %mul3A_666, %mul3A_674 : vector<16xf32>
          %add3A_676 = arith.constant 160 : i32
          %add3A_677 = arith.addi %add3A_676, %add3A_477 : i32
          %get3A_678 = arith.index_cast %add3A_677 : i32 to index
          %get3A_679 = arith.constant 64 : index
          %get3A_680 = tpu.vector_load %arg9[%get3A_678, %get3A_679] {strides = array<i32>} : memref<320x128xf32, #tpu.memory_space<vmem>>, vector<1x16xf32>,
          %get3A_681 = vector.shape_cast %get3A_680 : vector<1x16xf32> to vector<16xf32>
          %mul3A_682 = vector.broadcast %select_n3A_505 : f32 to vector<16xf32>
          %mul3A_683 = arith.mulf %get3A_681, %mul3A_682 : vector<16xf32>
          %add3A_684 = arith.addf %add3A_675, %mul3A_683 : vector<16xf32>
          %add3A_685 = arith.constant 240 : i32
          %add3A_686 = arith.addi %add3A_685, %add3A_477 : i32
          %get3A_687 = arith.index_cast %add3A_686 : i32 to index
          %get3A_688 = arith.constant 64 : index
          %get3A_689 = tpu.vector_load %arg9[%get3A_687, %get3A_688] {strides = array<i32>} : memref<320x128xf32, #tpu.memory_space<vmem>>, vector<1x16xf32>,
          %get3A_690 = vector.shape_cast %get3A_689 : vector<1x16xf32> to vector<16xf32>
          %mul3A_691 = vector.broadcast %select_n3A_510 : f32 to vector<16xf32>
          %mul3A_692 = arith.mulf %get3A_690, %mul3A_691 : vector<16xf32>
          %add3A_693 = arith.addf %add3A_684, %mul3A_692 : vector<16xf32>
          %swap3A_694 = arith.index_cast %add3A_477 : i32 to index
          %swap3A_695 = arith.constant 64 : index
          %swap3A_696 = tpu.vector_load %arg11[%swap3A_694, %swap3A_695] {strides = array<i32>} : memref<80x128xf32, #tpu.memory_space<vmem>>, vector<1x16xf32>,
          %swap3A_697 = vector.shape_cast %swap3A_696 : vector<1x16xf32> to vector<16xf32>
          %swap3A_698 = vector.shape_cast %add3A_693 : vector<16xf32> to vector<1x16xf32>
          tpu.vector_store %arg11[%swap3A_694, %swap3A_695], %swap3A_698 {strides = array<i32>} : memref<80x128xf32, #tpu.memory_space<vmem>>, vector<1x16xf32>,
          %get3A_699 = arith.index_cast %add3A_477 : i32 to index
          %get3A_700 = arith.constant 80 : index
          %get3A_701 = tpu.vector_load %arg9[%get3A_699, %get3A_700] {strides = array<i32>} : memref<320x128xf32, #tpu.memory_space<vmem>>, vector<1x16xf32>,
          %get3A_702 = vector.shape_cast %get3A_701 : vector<1x16xf32> to vector<16xf32>
          %mul3A_703 = vector.broadcast %select_n3A_496 : f32 to vector<16xf32>
          %mul3A_704 = arith.mulf %get3A_702, %mul3A_703 : vector<16xf32>
          %add3A_705 = arith.constant 80 : i32
          %add3A_706 = arith.addi %add3A_705, %add3A_477 : i32
          %get3A_707 = arith.index_cast %add3A_706 : i32 to index
          %get3A_708 = arith.constant 80 : index
          %get3A_709 = tpu.vector_load %arg9[%get3A_707, %get3A_708] {strides = array<i32>} : memref<320x128xf32, #tpu.memory_space<vmem>>, vector<1x16xf32>,
          %get3A_710 = vector.shape_cast %get3A_709 : vector<1x16xf32> to vector<16xf32>
          %mul3A_711 = vector.broadcast %select_n3A_501 : f32 to vector<16xf32>
          %mul3A_712 = arith.mulf %get3A_710, %mul3A_711 : vector<16xf32>
          %add3A_713 = arith.addf %mul3A_704, %mul3A_712 : vector<16xf32>
          %add3A_714 = arith.constant 160 : i32
          %add3A_715 = arith.addi %add3A_714, %add3A_477 : i32
          %get3A_716 = arith.index_cast %add3A_715 : i32 to index
          %get3A_717 = arith.constant 80 : index
          %get3A_718 = tpu.vector_load %arg9[%get3A_716, %get3A_717] {strides = array<i32>} : memref<320x128xf32, #tpu.memory_space<vmem>>, vector<1x16xf32>,
          %get3A_719 = vector.shape_cast %get3A_718 : vector<1x16xf32> to vector<16xf32>
          %mul3A_720 = vector.broadcast %select_n3A_505 : f32 to vector<16xf32>
          %mul3A_721 = arith.mulf %get3A_719, %mul3A_720 : vector<16xf32>
          %add3A_722 = arith.addf %add3A_713, %mul3A_721 : vector<16xf32>
          %add3A_723 = arith.constant 240 : i32
          %add3A_724 = arith.addi %add3A_723, %add3A_477 : i32
          %get3A_725 = arith.index_cast %add3A_724 : i32 to index
          %get3A_726 = arith.constant 80 : index
          %get3A_727 = tpu.vector_load %arg9[%get3A_725, %get3A_726] {strides = array<i32>} : memref<320x128xf32, #tpu.memory_space<vmem>>, vector<1x16xf32>,
          %get3A_728 = vector.shape_cast %get3A_727 : vector<1x16xf32> to vector<16xf32>
          %mul3A_729 = vector.broadcast %select_n3A_510 : f32 to vector<16xf32>
          %mul3A_730 = arith.mulf %get3A_728, %mul3A_729 : vector<16xf32>
          %add3A_731 = arith.addf %add3A_722, %mul3A_730 : vector<16xf32>
          %swap3A_732 = arith.index_cast %add3A_477 : i32 to index
          %swap3A_733 = arith.constant 80 : index
          %swap3A_734 = tpu.vector_load %arg11[%swap3A_732, %swap3A_733] {strides = array<i32>} : memref<80x128xf32, #tpu.memory_space<vmem>>, vector<1x16xf32>,
          %swap3A_735 = vector.shape_cast %swap3A_734 : vector<1x16xf32> to vector<16xf32>
          %swap3A_736 = vector.shape_cast %add3A_731 : vector<16xf32> to vector<1x16xf32>
          tpu.vector_store %arg11[%swap3A_732, %swap3A_733], %swap3A_736 {strides = array<i32>} : memref<80x128xf32, #tpu.memory_space<vmem>>, vector<1x16xf32>,
          %get3A_737 = arith.index_cast %add3A_477 : i32 to index
          %get3A_738 = arith.constant 96 : index
          %get3A_739 = tpu.vector_load %arg9[%get3A_737, %get3A_738] {strides = array<i32>} : memref<320x128xf32, #tpu.memory_space<vmem>>, vector<1x16xf32>,
          %get3A_740 = vector.shape_cast %get3A_739 : vector<1x16xf32> to vector<16xf32>
          %mul3A_741 = vector.broadcast %select_n3A_496 : f32 to vector<16xf32>
          %mul3A_742 = arith.mulf %get3A_740, %mul3A_741 : vector<16xf32>
          %add3A_743 = arith.constant 80 : i32
          %add3A_744 = arith.addi %add3A_743, %add3A_477 : i32
          %get3A_745 = arith.index_cast %add3A_744 : i32 to index
          %get3A_746 = arith.constant 96 : index
          %get3A_747 = tpu.vector_load %arg9[%get3A_745, %get3A_746] {strides = array<i32>} : memref<320x128xf32, #tpu.memory_space<vmem>>, vector<1x16xf32>,
          %get3A_748 = vector.shape_cast %get3A_747 : vector<1x16xf32> to vector<16xf32>
          %mul3A_749 = vector.broadcast %select_n3A_501 : f32 to vector<16xf32>
          %mul3A_750 = arith.mulf %get3A_748, %mul3A_749 : vector<16xf32>
          %add3A_751 = arith.addf %mul3A_742, %mul3A_750 : vector<16xf32>
          %add3A_752 = arith.constant 160 : i32
          %add3A_753 = arith.addi %add3A_752, %add3A_477 : i32
          %get3A_754 = arith.index_cast %add3A_753 : i32 to index
          %get3A_755 = arith.constant 96 : index
          %get3A_756 = tpu.vector_load %arg9[%get3A_754, %get3A_755] {strides = array<i32>} : memref<320x128xf32, #tpu.memory_space<vmem>>, vector<1x16xf32>,
          %get3A_757 = vector.shape_cast %get3A_756 : vector<1x16xf32> to vector<16xf32>
          %mul3A_758 = vector.broadcast %select_n3A_505 : f32 to vector<16xf32>
          %mul3A_759 = arith.mulf %get3A_757, %mul3A_758 : vector<16xf32>
          %add3A_760 = arith.addf %add3A_751, %mul3A_759 : vector<16xf32>
          %add3A_761 = arith.constant 240 : i32
          %add3A_762 = arith.addi %add3A_761, %add3A_477 : i32
          %get3A_763 = arith.index_cast %add3A_762 : i32 to index
          %get3A_764 = arith.constant 96 : index
          %get3A_765 = tpu.vector_load %arg9[%get3A_763, %get3A_764] {strides = array<i32>} : memref<320x128xf32, #tpu.memory_space<vmem>>, vector<1x16xf32>,
          %get3A_766 = vector.shape_cast %get3A_765 : vector<1x16xf32> to vector<16xf32>
          %mul3A_767 = vector.broadcast %select_n3A_510 : f32 to vector<16xf32>
          %mul3A_768 = arith.mulf %get3A_766, %mul3A_767 : vector<16xf32>
          %add3A_769 = arith.addf %add3A_760, %mul3A_768 : vector<16xf32>
          %swap3A_770 = arith.index_cast %add3A_477 : i32 to index
          %swap3A_771 = arith.constant 96 : index
          %swap3A_772 = tpu.vector_load %arg11[%swap3A_770, %swap3A_771] {strides = array<i32>} : memref<80x128xf32, #tpu.memory_space<vmem>>, vector<1x16xf32>,
          %swap3A_773 = vector.shape_cast %swap3A_772 : vector<1x16xf32> to vector<16xf32>
          %swap3A_774 = vector.shape_cast %add3A_769 : vector<16xf32> to vector<1x16xf32>
          tpu.vector_store %arg11[%swap3A_770, %swap3A_771], %swap3A_774 {strides = array<i32>} : memref<80x128xf32, #tpu.memory_space<vmem>>, vector<1x16xf32>,
          %get3A_775 = arith.index_cast %add3A_477 : i32 to index
          %get3A_776 = arith.constant 112 : index
          %get3A_777 = tpu.vector_load %arg9[%get3A_775, %get3A_776] {strides = array<i32>} : memref<320x128xf32, #tpu.memory_space<vmem>>, vector<1x16xf32>,
          %get3A_778 = vector.shape_cast %get3A_777 : vector<1x16xf32> to vector<16xf32>
          %mul3A_779 = vector.broadcast %select_n3A_496 : f32 to vector<16xf32>
          %mul3A_780 = arith.mulf %get3A_778, %mul3A_779 : vector<16xf32>
          %add3A_781 = arith.constant 80 : i32
          %add3A_782 = arith.addi %add3A_781, %add3A_477 : i32
          %get3A_783 = arith.index_cast %add3A_782 : i32 to index
          %get3A_784 = arith.constant 112 : index
          %get3A_785 = tpu.vector_load %arg9[%get3A_783, %get3A_784] {strides = array<i32>} : memref<320x128xf32, #tpu.memory_space<vmem>>, vector<1x16xf32>,
          %get3A_786 = vector.shape_cast %get3A_785 : vector<1x16xf32> to vector<16xf32>
          %mul3A_787 = vector.broadcast %select_n3A_501 : f32 to vector<16xf32>
          %mul3A_788 = arith.mulf %get3A_786, %mul3A_787 : vector<16xf32>
          %add3A_789 = arith.addf %mul3A_780, %mul3A_788 : vector<16xf32>
          %add3A_790 = arith.constant 160 : i32
          %add3A_791 = arith.addi %add3A_790, %add3A_477 : i32
          %get3A_792 = arith.index_cast %add3A_791 : i32 to index
          %get3A_793 = arith.constant 112 : index
          %get3A_794 = tpu.vector_load %arg9[%get3A_792, %get3A_793] {strides = array<i32>} : memref<320x128xf32, #tpu.memory_space<vmem>>, vector<1x16xf32>,
          %get3A_795 = vector.shape_cast %get3A_794 : vector<1x16xf32> to vector<16xf32>
          %mul3A_796 = vector.broadcast %select_n3A_505 : f32 to vector<16xf32>
          %mul3A_797 = arith.mulf %get3A_795, %mul3A_796 : vector<16xf32>
          %add3A_798 = arith.addf %add3A_789, %mul3A_797 : vector<16xf32>
          %add3A_799 = arith.constant 240 : i32
          %add3A_800 = arith.addi %add3A_799, %add3A_477 : i32
          %get3A_801 = arith.index_cast %add3A_800 : i32 to index
          %get3A_802 = arith.constant 112 : index
          %get3A_803 = tpu.vector_load %arg9[%get3A_801, %get3A_802] {strides = array<i32>} : memref<320x128xf32, #tpu.memory_space<vmem>>, vector<1x16xf32>,
          %get3A_804 = vector.shape_cast %get3A_803 : vector<1x16xf32> to vector<16xf32>
          %mul3A_805 = vector.broadcast %select_n3A_510 : f32 to vector<16xf32>
          %mul3A_806 = arith.mulf %get3A_804, %mul3A_805 : vector<16xf32>
          %add3A_807 = arith.addf %add3A_798, %mul3A_806 : vector<16xf32>
          %swap3A_808 = arith.index_cast %add3A_477 : i32 to index
          %swap3A_809 = arith.constant 112 : index
          %swap3A_810 = tpu.vector_load %arg11[%swap3A_808, %swap3A_809] {strides = array<i32>} : memref<80x128xf32, #tpu.memory_space<vmem>>, vector<1x16xf32>,
          %swap3A_811 = vector.shape_cast %swap3A_810 : vector<1x16xf32> to vector<16xf32>
          %swap3A_812 = vector.shape_cast %add3A_807 : vector<16xf32> to vector<1x16xf32>
          tpu.vector_store %arg11[%swap3A_808, %swap3A_809], %swap3A_812 {strides = array<i32>} : memref<80x128xf32, #tpu.memory_space<vmem>>, vector<1x16xf32>,
        }
        %scan3A_466 = arith.constant 80 : i32
        %mul3A_467 = arith.constant 100000 : i32
        %mul3A_468 = arith.muli %select_n3A_330, %mul3A_467 : i32
        %add3A_469 = arith.addi %mul3A_468, %mul3A_461 : i32
        %dma_start3A = arith.constant 0 : i32
        %dma_start3A_470 = tpu.memref_slice %arg4[%add3A_469, %dma_start3A] : memref<200000x128xf32, #tpu.memory_space<hbm>> -> memref<80x128xf32, #tpu.memory_space<hbm>>
        %dma_start3A_471 = arith.constant 0 : i32
        %dma_start3A_472 = tpu.memref_slice %arg4[%add3A_469, %dma_start3A_471] : memref<200000x128xf32, #tpu.memory_space<hbm>> -> memref<80x128xf32, #tpu.memory_space<hbm>>
        tpu.enqueue_dma source(%arg11 : memref<80x128xf32, #tpu.memory_space<vmem>>) target(%dma_start3A_472 : memref<80x128xf32, #tpu.memory_space<hbm>>) target_semaphore(%arg17 : memref<!tpu.dma_semaphore, #tpu.memory_space<semaphore_mem>>)
      } else {
      }
      %add3A_345 = arith.constant 4 : i32
      %add3A_346 = arith.addi %add3A_96, %add3A_345 : i32
      %ge3A_347 = arith.constant 40 : i32
      %ge3A_348 = arith.cmpi sge, %add3A_346, %ge3A_347 : i32
      %jit3A_349 = arith.constant 1 : i32
      %jit3A_350 = arith.constant 0 : i32
      %select_n3A_351 = arith.select %ge3A_348, %jit3A_349, %jit3A_350 : i32
      %mul3A_352 = arith.constant 40 : i32
      %mul3A_353 = arith.muli %select_n3A_351, %mul3A_352 : i32
      %sub3A_354 = arith.subi %add3A_346, %mul3A_353 : i32
      %mul3A_355 = arith.constant 32 : i32
      %mul3A_356 = arith.muli %sub3A_354, %mul3A_355 : i32
      %add3A_357 = arith.addi %mul3A_356, %add3A : i32
      %ge3A_358 = arith.constant 0 : i32
      %ge3A_359 = arith.cmpi sge, %add3A_357, %ge3A_358 : i32
      %lt3A_360 = arith.constant 1250 : i32
      %lt3A_361 = arith.cmpi slt, %add3A_357, %lt3A_360 : i32
      %and3A_362 = arith.andi %ge3A_359, %lt3A_361 : i1
      %convert_element_type3A_363 = arith.extui %and3A_362 : i1 to i32
      %cond3A_364 = arith.constant 0 : i32
      %cond3A_365 = arith.cmpi ne, %convert_element_type3A_363, %cond3A_364 : i32
      scf.if %cond3A_365 {
        %ge3A_429 = arith.constant 40 : i32
        %ge3A_430 = arith.cmpi sge, %add3A_346, %ge3A_429 : i32
        %jit3A_431 = arith.constant 1 : i32
        %jit3A_432 = arith.constant 0 : i32
        %select_n3A_433 = arith.select %ge3A_430, %jit3A_431, %jit3A_432 : i32
        %mul3A_434 = arith.constant 40 : i32
        %mul3A_435 = arith.muli %select_n3A_433, %mul3A_434 : i32
        %sub3A_436 = arith.subi %add3A_346, %mul3A_435 : i32
        %mul3A_437 = arith.constant 32 : i32
        %mul3A_438 = arith.muli %sub3A_436, %mul3A_437 : i32
        %add3A_439 = arith.addi %mul3A_438, %add3A : i32
        %ge3A_440 = arith.constant 0 : i32
        %ge3A_441 = arith.cmpi sge, %add3A_439, %ge3A_440 : i32
        %lt3A_442 = arith.constant 1250 : i32
        %lt3A_443 = arith.cmpi slt, %add3A_439, %lt3A_442 : i32
        %and3A_444 = arith.andi %ge3A_441, %lt3A_443 : i1
        %mul3A_445 = arith.constant 1250 : i32
        %mul3A_446 = arith.muli %select_n3A_433, %mul3A_445 : i32
        %add3A_447 = arith.addi %mul3A_446, %add3A_439 : i32
        %mul3A_448 = arith.constant 320 : i32
        %mul3A_449 = arith.muli %add3A_447, %mul3A_448 : i32
        %dma_wait3A = tpu.memref_slice %arg3[%mul3A_449] : memref<800000xi32, #tpu.memory_space<hbm>> -> memref<320xi32, #tpu.memory_space<hbm>>
        %dma_wait3A_450 = tpu.memref_slice %arg3[%mul3A_449] : memref<800000xi32, #tpu.memory_space<hbm>> -> memref<320xi32, #tpu.memory_space<hbm>>
        tpu.wait_dma2 semaphore(%arg15 : memref<!tpu.dma_semaphore, #tpu.memory_space<semaphore_mem>>) src(%dma_wait3A_450 : memref<320xi32, #tpu.memory_space<hbm>>) dst(%arg5 : memref<320xi32, #tpu.memory_space<vmem>>)
        %dma_start3A = arith.constant 0 : i32
        %dma_start3A_451 = arith.constant 0 : i32
        %dma_start3A_452 = tpu.memref_slice %arg9[%dma_start3A, %dma_start3A_451] : memref<320x128xf32, #tpu.memory_space<vmem>> -> memref<80x128xf32, #tpu.memory_space<vmem>>
        %dma_start3A_453 = arith.constant 0 : i32
        %dma_start3A_454 = tpu.memref_slice %arg5[%dma_start3A_453] : memref<320xi32, #tpu.memory_space<vmem>> -> memref<80xi32, #tpu.memory_space<vmem>>
        %dma_start3A_455 = arith.constant 0 : i32
        %dma_start3A_456 = arith.constant 0 : i32
        %dma_start3A_457 = tpu.memref_slice %arg2[%dma_start3A_455, %dma_start3A_456] : memref<200000x128xf32, #tpu.memory_space<hbm>> -> memref<200000x128xf32, #tpu.memory_space<hbm>>
        tpu.enqueue_indirect_dma source(%dma_start3A_457 : memref<200000x128xf32, #tpu.memory_space<hbm>>) target(%dma_start3A_452 : memref<80x128xf32, #tpu.memory_space<vmem>>) offsets(%dma_start3A_454 : memref<80xi32, #tpu.memory_space<vmem>>) semaphore(%arg13 : memref<!tpu.dma_semaphore, #tpu.memory_space<semaphore_mem>>)
        %dma_start3A_458 = arith.constant 80 : i32
        %dma_start3A_459 = arith.constant 0 : i32
        %dma_start3A_460 = tpu.memref_slice %arg9[%dma_start3A_458, %dma_start3A_459] : memref<320x128xf32, #tpu.memory_space<vmem>> -> memref<80x128xf32, #tpu.memory_space<vmem>>
        %dma_start3A_461 = arith.constant 80 : i32
        %dma_start3A_462 = tpu.memref_slice %arg5[%dma_start3A_461] : memref<320xi32, #tpu.memory_space<vmem>> -> memref<80xi32, #tpu.memory_space<vmem>>
        %dma_start3A_463 = arith.constant 0 : i32
        %dma_start3A_464 = arith.constant 0 : i32
        %dma_start3A_465 = tpu.memref_slice %arg2[%dma_start3A_463, %dma_start3A_464] : memref<200000x128xf32, #tpu.memory_space<hbm>> -> memref<200000x128xf32, #tpu.memory_space<hbm>>
        tpu.enqueue_indirect_dma source(%dma_start3A_465 : memref<200000x128xf32, #tpu.memory_space<hbm>>) target(%dma_start3A_460 : memref<80x128xf32, #tpu.memory_space<vmem>>) offsets(%dma_start3A_462 : memref<80xi32, #tpu.memory_space<vmem>>) semaphore(%arg13 : memref<!tpu.dma_semaphore, #tpu.memory_space<semaphore_mem>>)
        %dma_start3A_466 = arith.constant 160 : i32
        %dma_start3A_467 = arith.constant 0 : i32
        %dma_start3A_468 = tpu.memref_slice %arg9[%dma_start3A_466, %dma_start3A_467] : memref<320x128xf32, #tpu.memory_space<vmem>> -> memref<80x128xf32, #tpu.memory_space<vmem>>
        %dma_start3A_469 = arith.constant 160 : i32
        %dma_start3A_470 = tpu.memref_slice %arg5[%dma_start3A_469] : memref<320xi32, #tpu.memory_space<vmem>> -> memref<80xi32, #tpu.memory_space<vmem>>
        %dma_start3A_471 = arith.constant 0 : i32
        %dma_start3A_472 = arith.constant 0 : i32
        %dma_start3A_473 = tpu.memref_slice %arg2[%dma_start3A_471, %dma_start3A_472] : memref<200000x128xf32, #tpu.memory_space<hbm>> -> memref<200000x128xf32, #tpu.memory_space<hbm>>
        tpu.enqueue_indirect_dma source(%dma_start3A_473 : memref<200000x128xf32, #tpu.memory_space<hbm>>) target(%dma_start3A_468 : memref<80x128xf32, #tpu.memory_space<vmem>>) offsets(%dma_start3A_470 : memref<80xi32, #tpu.memory_space<vmem>>) semaphore(%arg13 : memref<!tpu.dma_semaphore, #tpu.memory_space<semaphore_mem>>)
        %dma_start3A_474 = arith.constant 240 : i32
        %dma_start3A_475 = arith.constant 0 : i32
        %dma_start3A_476 = tpu.memref_slice %arg9[%dma_start3A_474, %dma_start3A_475] : memref<320x128xf32, #tpu.memory_space<vmem>> -> memref<80x128xf32, #tpu.memory_space<vmem>>
        %dma_start3A_477 = arith.constant 240 : i32
        %dma_start3A_478 = tpu.memref_slice %arg5[%dma_start3A_477] : memref<320xi32, #tpu.memory_space<vmem>> -> memref<80xi32, #tpu.memory_space<vmem>>
        %dma_start3A_479 = arith.constant 0 : i32
        %dma_start3A_480 = arith.constant 0 : i32
        %dma_start3A_481 = tpu.memref_slice %arg2[%dma_start3A_479, %dma_start3A_480] : memref<200000x128xf32, #tpu.memory_space<hbm>> -> memref<200000x128xf32, #tpu.memory_space<hbm>>
        tpu.enqueue_indirect_dma source(%dma_start3A_481 : memref<200000x128xf32, #tpu.memory_space<hbm>>) target(%dma_start3A_476 : memref<80x128xf32, #tpu.memory_space<vmem>>) offsets(%dma_start3A_478 : memref<80xi32, #tpu.memory_space<vmem>>) semaphore(%arg13 : memref<!tpu.dma_semaphore, #tpu.memory_space<semaphore_mem>>)
      } else {
      }
      %add3A_366 = arith.constant 5 : i32
      %add3A_367 = arith.addi %add3A_96, %add3A_366 : i32
      %ge3A_368 = arith.constant 40 : i32
      %ge3A_369 = arith.cmpi sge, %add3A_367, %ge3A_368 : i32
      %jit3A_370 = arith.constant 1 : i32
      %jit3A_371 = arith.constant 0 : i32
      %select_n3A_372 = arith.select %ge3A_369, %jit3A_370, %jit3A_371 : i32
      %mul3A_373 = arith.constant 40 : i32
      %mul3A_374 = arith.muli %select_n3A_372, %mul3A_373 : i32
      %sub3A_375 = arith.subi %add3A_367, %mul3A_374 : i32
      %mul3A_376 = arith.constant 32 : i32
      %mul3A_377 = arith.muli %sub3A_375, %mul3A_376 : i32
      %add3A_378 = arith.addi %mul3A_377, %add3A : i32
      %ge3A_379 = arith.constant 0 : i32
      %ge3A_380 = arith.cmpi sge, %add3A_378, %ge3A_379 : i32
      %lt3A_381 = arith.constant 1250 : i32
      %lt3A_382 = arith.cmpi slt, %add3A_378, %lt3A_381 : i32
      %and3A_383 = arith.andi %ge3A_380, %lt3A_382 : i1
      %convert_element_type3A_384 = arith.extui %and3A_383 : i1 to i32
      %cond3A_385 = arith.constant 0 : i32
      %cond3A_386 = arith.cmpi ne, %convert_element_type3A_384, %cond3A_385 : i32
      scf.if %cond3A_386 {
        %ge3A_429 = arith.constant 40 : i32
        %ge3A_430 = arith.cmpi sge, %add3A_367, %ge3A_429 : i32
        %jit3A_431 = arith.constant 1 : i32
        %jit3A_432 = arith.constant 0 : i32
        %select_n3A_433 = arith.select %ge3A_430, %jit3A_431, %jit3A_432 : i32
        %mul3A_434 = arith.constant 40 : i32
        %mul3A_435 = arith.muli %select_n3A_433, %mul3A_434 : i32
        %sub3A_436 = arith.subi %add3A_367, %mul3A_435 : i32
        %mul3A_437 = arith.constant 32 : i32
        %mul3A_438 = arith.muli %sub3A_436, %mul3A_437 : i32
        %add3A_439 = arith.addi %mul3A_438, %add3A : i32
        %ge3A_440 = arith.constant 0 : i32
        %ge3A_441 = arith.cmpi sge, %add3A_439, %ge3A_440 : i32
        %lt3A_442 = arith.constant 1250 : i32
        %lt3A_443 = arith.cmpi slt, %add3A_439, %lt3A_442 : i32
        %and3A_444 = arith.andi %ge3A_441, %lt3A_443 : i1
        %mul3A_445 = arith.constant 1250 : i32
        %mul3A_446 = arith.muli %select_n3A_433, %mul3A_445 : i32
        %add3A_447 = arith.addi %mul3A_446, %add3A_439 : i32
        %mul3A_448 = arith.constant 320 : i32
        %mul3A_449 = arith.muli %add3A_447, %mul3A_448 : i32
        %dma_start3A = tpu.memref_slice %arg3[%mul3A_449] : memref<800000xi32, #tpu.memory_space<hbm>> -> memref<320xi32, #tpu.memory_space<hbm>>
        %dma_start3A_450 = tpu.memref_slice %arg3[%mul3A_449] : memref<800000xi32, #tpu.memory_space<hbm>> -> memref<320xi32, #tpu.memory_space<hbm>>
        tpu.enqueue_dma source(%dma_start3A_450 : memref<320xi32, #tpu.memory_space<hbm>>) target(%arg6 : memref<320xi32, #tpu.memory_space<vmem>>) target_semaphore(%arg16 : memref<!tpu.dma_semaphore, #tpu.memory_space<semaphore_mem>>)
      } else {
      }
      %add3A_387 = arith.constant 1 : i32
      %add3A_388 = arith.addi %add3A_96, %add3A_387 : i32
      %ge3A_389 = arith.constant 40 : i32
      %ge3A_390 = arith.cmpi sge, %add3A_388, %ge3A_389 : i32
      %jit3A_391 = arith.constant 1 : i32
      %jit3A_392 = arith.constant 0 : i32
      %select_n3A_393 = arith.select %ge3A_390, %jit3A_391, %jit3A_392 : i32
      %mul3A_394 = arith.constant 40 : i32
      %mul3A_395 = arith.muli %select_n3A_393, %mul3A_394 : i32
      %sub3A_396 = arith.subi %add3A_388, %mul3A_395 : i32
      %mul3A_397 = arith.constant 32 : i32
      %mul3A_398 = arith.muli %sub3A_396, %mul3A_397 : i32
      %add3A_399 = arith.addi %mul3A_398, %add3A : i32
      %ge3A_400 = arith.constant 0 : i32
      %ge3A_401 = arith.cmpi sge, %add3A_399, %ge3A_400 : i32
      %lt3A_402 = arith.constant 1250 : i32
      %lt3A_403 = arith.cmpi slt, %add3A_399, %lt3A_402 : i32
      %and3A_404 = arith.andi %ge3A_401, %lt3A_403 : i1
      %convert_element_type3A_405 = arith.extui %and3A_404 : i1 to i32
      %cond3A_406 = arith.constant 0 : i32
      %cond3A_407 = arith.cmpi ne, %convert_element_type3A_405, %cond3A_406 : i32
      scf.if %cond3A_407 {
        %mul3A_429 = arith.constant 100000 : i32
        %mul3A_430 = arith.muli %select_n3A_393, %mul3A_429 : i32
        %mul3A_431 = arith.constant 80 : i32
        %mul3A_432 = arith.muli %add3A_399, %mul3A_431 : i32
        %add3A_433 = arith.addi %mul3A_430, %mul3A_432 : i32
        %dma_wait3A = arith.constant 0 : i32
        %dma_wait3A_434 = tpu.memref_slice %arg4[%add3A_433, %dma_wait3A] : memref<200000x128xf32, #tpu.memory_space<hbm>> -> memref<80x128xf32, #tpu.memory_space<hbm>>
        %dma_wait3A_435 = arith.constant 0 : i32
        %dma_wait3A_436 = tpu.memref_slice %arg4[%add3A_433, %dma_wait3A_435] : memref<200000x128xf32, #tpu.memory_space<hbm>> -> memref<80x128xf32, #tpu.memory_space<hbm>>
        tpu.wait_dma2 semaphore(%arg18 : memref<!tpu.dma_semaphore, #tpu.memory_space<semaphore_mem>>) src(%arg12 : memref<80x128xf32, #tpu.memory_space<vmem>>) dst(%dma_wait3A_436 : memref<80x128xf32, #tpu.memory_space<hbm>>)
      } else {
      }
      %add3A_408 = arith.constant 3 : i32
      %add3A_409 = arith.addi %add3A_96, %add3A_408 : i32
      %ge3A_410 = arith.constant 40 : i32
      %ge3A_411 = arith.cmpi sge, %add3A_409, %ge3A_410 : i32
      %jit3A_412 = arith.constant 1 : i32
      %jit3A_413 = arith.constant 0 : i32
      %select_n3A_414 = arith.select %ge3A_411, %jit3A_412, %jit3A_413 : i32
      %mul3A_415 = arith.constant 40 : i32
      %mul3A_416 = arith.muli %select_n3A_414, %mul3A_415 : i32
      %sub3A_417 = arith.subi %add3A_409, %mul3A_416 : i32
      %mul3A_418 = arith.constant 32 : i32
      %mul3A_419 = arith.muli %sub3A_417, %mul3A_418 : i32
      %add3A_420 = arith.addi %mul3A_419, %add3A : i32
      %ge3A_421 = arith.constant 0 : i32
      %ge3A_422 = arith.cmpi sge, %add3A_420, %ge3A_421 : i32
      %lt3A_423 = arith.constant 1250 : i32
      %lt3A_424 = arith.cmpi slt, %add3A_420, %lt3A_423 : i32
      %and3A_425 = arith.andi %ge3A_422, %lt3A_424 : i1
      %convert_element_type3A_426 = arith.extui %and3A_425 : i1 to i32
      %cond3A_427 = arith.constant 0 : i32
      %cond3A_428 = arith.cmpi ne, %convert_element_type3A_426, %cond3A_427 : i32
      scf.if %cond3A_428 {
        %dma_wait3A = arith.constant 0 : i32
        %dma_wait3A_429 = arith.constant 0 : i32
        %dma_wait3A_430 = tpu.memref_slice %arg10[%dma_wait3A, %dma_wait3A_429] : memref<320x128xf32, #tpu.memory_space<vmem>> -> memref<80x128xf32, #tpu.memory_space<vmem>>
        %dma_wait3A_431 = arith.constant 0 : i32
        %dma_wait3A_432 = tpu.memref_slice %arg8[%dma_wait3A_431] : memref<320xi32, #tpu.memory_space<vmem>> -> memref<80xi32, #tpu.memory_space<vmem>>
        %dma_wait3A_433 = arith.constant 0 : i32
        %dma_wait3A_434 = arith.constant 0 : i32
        %dma_wait3A_435 = tpu.memref_slice %arg2[%dma_wait3A_433, %dma_wait3A_434] : memref<200000x128xf32, #tpu.memory_space<hbm>> -> memref<200000x128xf32, #tpu.memory_space<hbm>>
        tpu.wait_indirect_dma semaphore(%arg14 : memref<!tpu.dma_semaphore, #tpu.memory_space<semaphore_mem>>) src(%dma_wait3A_435 : memref<200000x128xf32, #tpu.memory_space<hbm>>) dst(%dma_wait3A_430 : memref<80x128xf32, #tpu.memory_space<vmem>>)
        %dma_wait3A_436 = arith.constant 80 : i32
        %dma_wait3A_437 = arith.constant 0 : i32
        %dma_wait3A_438 = tpu.memref_slice %arg10[%dma_wait3A_436, %dma_wait3A_437] : memref<320x128xf32, #tpu.memory_space<vmem>> -> memref<80x128xf32, #tpu.memory_space<vmem>>
        %dma_wait3A_439 = arith.constant 80 : i32
        %dma_wait3A_440 = tpu.memref_slice %arg8[%dma_wait3A_439] : memref<320xi32, #tpu.memory_space<vmem>> -> memref<80xi32, #tpu.memory_space<vmem>>
        %dma_wait3A_441 = arith.constant 0 : i32
        %dma_wait3A_442 = arith.constant 0 : i32
        %dma_wait3A_443 = tpu.memref_slice %arg2[%dma_wait3A_441, %dma_wait3A_442] : memref<200000x128xf32, #tpu.memory_space<hbm>> -> memref<200000x128xf32, #tpu.memory_space<hbm>>
        tpu.wait_indirect_dma semaphore(%arg14 : memref<!tpu.dma_semaphore, #tpu.memory_space<semaphore_mem>>) src(%dma_wait3A_443 : memref<200000x128xf32, #tpu.memory_space<hbm>>) dst(%dma_wait3A_438 : memref<80x128xf32, #tpu.memory_space<vmem>>)
        %dma_wait3A_444 = arith.constant 160 : i32
        %dma_wait3A_445 = arith.constant 0 : i32
        %dma_wait3A_446 = tpu.memref_slice %arg10[%dma_wait3A_444, %dma_wait3A_445] : memref<320x128xf32, #tpu.memory_space<vmem>> -> memref<80x128xf32, #tpu.memory_space<vmem>>
        %dma_wait3A_447 = arith.constant 160 : i32
        %dma_wait3A_448 = tpu.memref_slice %arg8[%dma_wait3A_447] : memref<320xi32, #tpu.memory_space<vmem>> -> memref<80xi32, #tpu.memory_space<vmem>>
        %dma_wait3A_449 = arith.constant 0 : i32
        %dma_wait3A_450 = arith.constant 0 : i32
        %dma_wait3A_451 = tpu.memref_slice %arg2[%dma_wait3A_449, %dma_wait3A_450] : memref<200000x128xf32, #tpu.memory_space<hbm>> -> memref<200000x128xf32, #tpu.memory_space<hbm>>
        tpu.wait_indirect_dma semaphore(%arg14 : memref<!tpu.dma_semaphore, #tpu.memory_space<semaphore_mem>>) src(%dma_wait3A_451 : memref<200000x128xf32, #tpu.memory_space<hbm>>) dst(%dma_wait3A_446 : memref<80x128xf32, #tpu.memory_space<vmem>>)
        %dma_wait3A_452 = arith.constant 240 : i32
        %dma_wait3A_453 = arith.constant 0 : i32
        %dma_wait3A_454 = tpu.memref_slice %arg10[%dma_wait3A_452, %dma_wait3A_453] : memref<320x128xf32, #tpu.memory_space<vmem>> -> memref<80x128xf32, #tpu.memory_space<vmem>>
        %dma_wait3A_455 = arith.constant 240 : i32
        %dma_wait3A_456 = tpu.memref_slice %arg8[%dma_wait3A_455] : memref<320xi32, #tpu.memory_space<vmem>> -> memref<80xi32, #tpu.memory_space<vmem>>
        %dma_wait3A_457 = arith.constant 0 : i32
        %dma_wait3A_458 = arith.constant 0 : i32
        %dma_wait3A_459 = tpu.memref_slice %arg2[%dma_wait3A_457, %dma_wait3A_458] : memref<200000x128xf32, #tpu.memory_space<hbm>> -> memref<200000x128xf32, #tpu.memory_space<hbm>>
        tpu.wait_indirect_dma semaphore(%arg14 : memref<!tpu.dma_semaphore, #tpu.memory_space<semaphore_mem>>) src(%dma_wait3A_459 : memref<200000x128xf32, #tpu.memory_space<hbm>>) dst(%dma_wait3A_454 : memref<80x128xf32, #tpu.memory_space<vmem>>)
        %mul3A_460 = arith.constant 80 : i32
        %mul3A_461 = arith.muli %add3A_420, %mul3A_460 : i32
        %scan3A_462 = arith.constant 0 : i32
        %scan3A_463 = arith.constant 80 : i32
        %scan3A_464 = arith.addi %scan3A_462, %scan3A_463 : i32
        %scan3A_465 = arith.constant 1 : i32
        scf.for %scan3A_473 = %scan3A_462 to %scan3A_464 step %scan3A_465  : i32 {
          %mul3A_474 = arith.constant 1 : i32
          %mul3A_475 = arith.muli %scan3A_473, %mul3A_474 : i32
          %add3A_476 = arith.constant 0 : i32
          %add3A_477 = arith.addi %add3A_476, %mul3A_475 : i32
          %add3A_478 = arith.addi %mul3A_461, %add3A_477 : i32
          %jit3A_479 = arith.constant 400 : i32
          %eq3A = arith.constant 0 : i32
          %eq3A_480 = arith.cmpi eq, %jit3A_479, %eq3A : i32
          %jit3A_481 = arith.constant 1 : i32
          %select_n3A_482 = arith.select %eq3A_480, %jit3A_481, %jit3A_479 : i32
          %rem3A = arith.remsi %add3A_478, %select_n3A_482 : i32
          %ne3A = arith.constant 0 : i32
          %ne3A_483 = arith.cmpi ne, %rem3A, %ne3A : i32
          %lt3A_484 = arith.constant 0 : i32
          %lt3A_485 = arith.cmpi slt, %rem3A, %lt3A_484 : i32
          %lt3A_486 = arith.constant 0 : i32
          %lt3A_487 = arith.cmpi slt, %select_n3A_482, %lt3A_486 : i32
          %ne3A_488 = arith.xori %lt3A_485, %lt3A_487 : i1
          %and3A_489 = arith.andi %ne3A_488, %ne3A_483 : i1
          %add3A_490 = arith.addi %rem3A, %select_n3A_482 : i32
          %select_n3A_491 = arith.select %and3A_489, %add3A_490, %rem3A : i32
          %ge3A_492 = arith.constant 400 : i32
          %ge3A_493 = arith.cmpi sge, %add3A_478, %ge3A_492 : i32
          %jit3A_494 = arith.constant 1.000000e+00 : f32
          %jit3A_495 = arith.constant 0.000000e+00 : f32
          %select_n3A_496 = arith.select %ge3A_493, %jit3A_494, %jit3A_495 : f32
          %lt3A_497 = arith.constant 99600 : i32
          %lt3A_498 = arith.cmpi slt, %add3A_478, %lt3A_497 : i32
          %jit3A_499 = arith.constant 1.000000e+00 : f32
          %jit3A_500 = arith.constant 0.000000e+00 : f32
          %select_n3A_501 = arith.select %lt3A_498, %jit3A_499, %jit3A_500 : f32
          %gt3A = arith.constant 0 : i32
          %gt3A_502 = arith.cmpi sgt, %select_n3A_491, %gt3A : i32
          %jit3A_503 = arith.constant 1.000000e+00 : f32
          %jit3A_504 = arith.constant 0.000000e+00 : f32
          %select_n3A_505 = arith.select %gt3A_502, %jit3A_503, %jit3A_504 : f32
          %lt3A_506 = arith.constant 399 : i32
          %lt3A_507 = arith.cmpi slt, %select_n3A_491, %lt3A_506 : i32
          %jit3A_508 = arith.constant 1.000000e+00 : f32
          %jit3A_509 = arith.constant 0.000000e+00 : f32
          %select_n3A_510 = arith.select %lt3A_507, %jit3A_508, %jit3A_509 : f32
          %get3A = arith.index_cast %add3A_477 : i32 to index
          %get3A_511 = arith.constant 0 : index
          %get3A_512 = tpu.vector_load %arg10[%get3A, %get3A_511] {strides = array<i32>} : memref<320x128xf32, #tpu.memory_space<vmem>>, vector<1x16xf32>,
          %get3A_513 = vector.shape_cast %get3A_512 : vector<1x16xf32> to vector<16xf32>
          %mul3A_514 = vector.broadcast %select_n3A_496 : f32 to vector<16xf32>
          %mul3A_515 = arith.mulf %get3A_513, %mul3A_514 : vector<16xf32>
          %add3A_516 = arith.constant 80 : i32
          %add3A_517 = arith.addi %add3A_516, %add3A_477 : i32
          %get3A_518 = arith.index_cast %add3A_517 : i32 to index
          %get3A_519 = arith.constant 0 : index
          %get3A_520 = tpu.vector_load %arg10[%get3A_518, %get3A_519] {strides = array<i32>} : memref<320x128xf32, #tpu.memory_space<vmem>>, vector<1x16xf32>,
          %get3A_521 = vector.shape_cast %get3A_520 : vector<1x16xf32> to vector<16xf32>
          %mul3A_522 = vector.broadcast %select_n3A_501 : f32 to vector<16xf32>
          %mul3A_523 = arith.mulf %get3A_521, %mul3A_522 : vector<16xf32>
          %add3A_524 = arith.addf %mul3A_515, %mul3A_523 : vector<16xf32>
          %add3A_525 = arith.constant 160 : i32
          %add3A_526 = arith.addi %add3A_525, %add3A_477 : i32
          %get3A_527 = arith.index_cast %add3A_526 : i32 to index
          %get3A_528 = arith.constant 0 : index
          %get3A_529 = tpu.vector_load %arg10[%get3A_527, %get3A_528] {strides = array<i32>} : memref<320x128xf32, #tpu.memory_space<vmem>>, vector<1x16xf32>,
          %get3A_530 = vector.shape_cast %get3A_529 : vector<1x16xf32> to vector<16xf32>
          %mul3A_531 = vector.broadcast %select_n3A_505 : f32 to vector<16xf32>
          %mul3A_532 = arith.mulf %get3A_530, %mul3A_531 : vector<16xf32>
          %add3A_533 = arith.addf %add3A_524, %mul3A_532 : vector<16xf32>
          %add3A_534 = arith.constant 240 : i32
          %add3A_535 = arith.addi %add3A_534, %add3A_477 : i32
          %get3A_536 = arith.index_cast %add3A_535 : i32 to index
          %get3A_537 = arith.constant 0 : index
          %get3A_538 = tpu.vector_load %arg10[%get3A_536, %get3A_537] {strides = array<i32>} : memref<320x128xf32, #tpu.memory_space<vmem>>, vector<1x16xf32>,
          %get3A_539 = vector.shape_cast %get3A_538 : vector<1x16xf32> to vector<16xf32>
          %mul3A_540 = vector.broadcast %select_n3A_510 : f32 to vector<16xf32>
          %mul3A_541 = arith.mulf %get3A_539, %mul3A_540 : vector<16xf32>
          %add3A_542 = arith.addf %add3A_533, %mul3A_541 : vector<16xf32>
          %swap3A = arith.index_cast %add3A_477 : i32 to index
          %swap3A_543 = arith.constant 0 : index
          %swap3A_544 = tpu.vector_load %arg12[%swap3A, %swap3A_543] {strides = array<i32>} : memref<80x128xf32, #tpu.memory_space<vmem>>, vector<1x16xf32>,
          %swap3A_545 = vector.shape_cast %swap3A_544 : vector<1x16xf32> to vector<16xf32>
          %swap3A_546 = vector.shape_cast %add3A_542 : vector<16xf32> to vector<1x16xf32>
          tpu.vector_store %arg12[%swap3A, %swap3A_543], %swap3A_546 {strides = array<i32>} : memref<80x128xf32, #tpu.memory_space<vmem>>, vector<1x16xf32>,
          %get3A_547 = arith.index_cast %add3A_477 : i32 to index
          %get3A_548 = arith.constant 16 : index
          %get3A_549 = tpu.vector_load %arg10[%get3A_547, %get3A_548] {strides = array<i32>} : memref<320x128xf32, #tpu.memory_space<vmem>>, vector<1x16xf32>,
          %get3A_550 = vector.shape_cast %get3A_549 : vector<1x16xf32> to vector<16xf32>
          %mul3A_551 = vector.broadcast %select_n3A_496 : f32 to vector<16xf32>
          %mul3A_552 = arith.mulf %get3A_550, %mul3A_551 : vector<16xf32>
          %add3A_553 = arith.constant 80 : i32
          %add3A_554 = arith.addi %add3A_553, %add3A_477 : i32
          %get3A_555 = arith.index_cast %add3A_554 : i32 to index
          %get3A_556 = arith.constant 16 : index
          %get3A_557 = tpu.vector_load %arg10[%get3A_555, %get3A_556] {strides = array<i32>} : memref<320x128xf32, #tpu.memory_space<vmem>>, vector<1x16xf32>,
          %get3A_558 = vector.shape_cast %get3A_557 : vector<1x16xf32> to vector<16xf32>
          %mul3A_559 = vector.broadcast %select_n3A_501 : f32 to vector<16xf32>
          %mul3A_560 = arith.mulf %get3A_558, %mul3A_559 : vector<16xf32>
          %add3A_561 = arith.addf %mul3A_552, %mul3A_560 : vector<16xf32>
          %add3A_562 = arith.constant 160 : i32
          %add3A_563 = arith.addi %add3A_562, %add3A_477 : i32
          %get3A_564 = arith.index_cast %add3A_563 : i32 to index
          %get3A_565 = arith.constant 16 : index
          %get3A_566 = tpu.vector_load %arg10[%get3A_564, %get3A_565] {strides = array<i32>} : memref<320x128xf32, #tpu.memory_space<vmem>>, vector<1x16xf32>,
          %get3A_567 = vector.shape_cast %get3A_566 : vector<1x16xf32> to vector<16xf32>
          %mul3A_568 = vector.broadcast %select_n3A_505 : f32 to vector<16xf32>
          %mul3A_569 = arith.mulf %get3A_567, %mul3A_568 : vector<16xf32>
          %add3A_570 = arith.addf %add3A_561, %mul3A_569 : vector<16xf32>
          %add3A_571 = arith.constant 240 : i32
          %add3A_572 = arith.addi %add3A_571, %add3A_477 : i32
          %get3A_573 = arith.index_cast %add3A_572 : i32 to index
          %get3A_574 = arith.constant 16 : index
          %get3A_575 = tpu.vector_load %arg10[%get3A_573, %get3A_574] {strides = array<i32>} : memref<320x128xf32, #tpu.memory_space<vmem>>, vector<1x16xf32>,
          %get3A_576 = vector.shape_cast %get3A_575 : vector<1x16xf32> to vector<16xf32>
          %mul3A_577 = vector.broadcast %select_n3A_510 : f32 to vector<16xf32>
          %mul3A_578 = arith.mulf %get3A_576, %mul3A_577 : vector<16xf32>
          %add3A_579 = arith.addf %add3A_570, %mul3A_578 : vector<16xf32>
          %swap3A_580 = arith.index_cast %add3A_477 : i32 to index
          %swap3A_581 = arith.constant 16 : index
          %swap3A_582 = tpu.vector_load %arg12[%swap3A_580, %swap3A_581] {strides = array<i32>} : memref<80x128xf32, #tpu.memory_space<vmem>>, vector<1x16xf32>,
          %swap3A_583 = vector.shape_cast %swap3A_582 : vector<1x16xf32> to vector<16xf32>
          %swap3A_584 = vector.shape_cast %add3A_579 : vector<16xf32> to vector<1x16xf32>
          tpu.vector_store %arg12[%swap3A_580, %swap3A_581], %swap3A_584 {strides = array<i32>} : memref<80x128xf32, #tpu.memory_space<vmem>>, vector<1x16xf32>,
          %get3A_585 = arith.index_cast %add3A_477 : i32 to index
          %get3A_586 = arith.constant 32 : index
          %get3A_587 = tpu.vector_load %arg10[%get3A_585, %get3A_586] {strides = array<i32>} : memref<320x128xf32, #tpu.memory_space<vmem>>, vector<1x16xf32>,
          %get3A_588 = vector.shape_cast %get3A_587 : vector<1x16xf32> to vector<16xf32>
          %mul3A_589 = vector.broadcast %select_n3A_496 : f32 to vector<16xf32>
          %mul3A_590 = arith.mulf %get3A_588, %mul3A_589 : vector<16xf32>
          %add3A_591 = arith.constant 80 : i32
          %add3A_592 = arith.addi %add3A_591, %add3A_477 : i32
          %get3A_593 = arith.index_cast %add3A_592 : i32 to index
          %get3A_594 = arith.constant 32 : index
          %get3A_595 = tpu.vector_load %arg10[%get3A_593, %get3A_594] {strides = array<i32>} : memref<320x128xf32, #tpu.memory_space<vmem>>, vector<1x16xf32>,
          %get3A_596 = vector.shape_cast %get3A_595 : vector<1x16xf32> to vector<16xf32>
          %mul3A_597 = vector.broadcast %select_n3A_501 : f32 to vector<16xf32>
          %mul3A_598 = arith.mulf %get3A_596, %mul3A_597 : vector<16xf32>
          %add3A_599 = arith.addf %mul3A_590, %mul3A_598 : vector<16xf32>
          %add3A_600 = arith.constant 160 : i32
          %add3A_601 = arith.addi %add3A_600, %add3A_477 : i32
          %get3A_602 = arith.index_cast %add3A_601 : i32 to index
          %get3A_603 = arith.constant 32 : index
          %get3A_604 = tpu.vector_load %arg10[%get3A_602, %get3A_603] {strides = array<i32>} : memref<320x128xf32, #tpu.memory_space<vmem>>, vector<1x16xf32>,
          %get3A_605 = vector.shape_cast %get3A_604 : vector<1x16xf32> to vector<16xf32>
          %mul3A_606 = vector.broadcast %select_n3A_505 : f32 to vector<16xf32>
          %mul3A_607 = arith.mulf %get3A_605, %mul3A_606 : vector<16xf32>
          %add3A_608 = arith.addf %add3A_599, %mul3A_607 : vector<16xf32>
          %add3A_609 = arith.constant 240 : i32
          %add3A_610 = arith.addi %add3A_609, %add3A_477 : i32
          %get3A_611 = arith.index_cast %add3A_610 : i32 to index
          %get3A_612 = arith.constant 32 : index
          %get3A_613 = tpu.vector_load %arg10[%get3A_611, %get3A_612] {strides = array<i32>} : memref<320x128xf32, #tpu.memory_space<vmem>>, vector<1x16xf32>,
          %get3A_614 = vector.shape_cast %get3A_613 : vector<1x16xf32> to vector<16xf32>
          %mul3A_615 = vector.broadcast %select_n3A_510 : f32 to vector<16xf32>
          %mul3A_616 = arith.mulf %get3A_614, %mul3A_615 : vector<16xf32>
          %add3A_617 = arith.addf %add3A_608, %mul3A_616 : vector<16xf32>
          %swap3A_618 = arith.index_cast %add3A_477 : i32 to index
          %swap3A_619 = arith.constant 32 : index
          %swap3A_620 = tpu.vector_load %arg12[%swap3A_618, %swap3A_619] {strides = array<i32>} : memref<80x128xf32, #tpu.memory_space<vmem>>, vector<1x16xf32>,
          %swap3A_621 = vector.shape_cast %swap3A_620 : vector<1x16xf32> to vector<16xf32>
          %swap3A_622 = vector.shape_cast %add3A_617 : vector<16xf32> to vector<1x16xf32>
          tpu.vector_store %arg12[%swap3A_618, %swap3A_619], %swap3A_622 {strides = array<i32>} : memref<80x128xf32, #tpu.memory_space<vmem>>, vector<1x16xf32>,
          %get3A_623 = arith.index_cast %add3A_477 : i32 to index
          %get3A_624 = arith.constant 48 : index
          %get3A_625 = tpu.vector_load %arg10[%get3A_623, %get3A_624] {strides = array<i32>} : memref<320x128xf32, #tpu.memory_space<vmem>>, vector<1x16xf32>,
          %get3A_626 = vector.shape_cast %get3A_625 : vector<1x16xf32> to vector<16xf32>
          %mul3A_627 = vector.broadcast %select_n3A_496 : f32 to vector<16xf32>
          %mul3A_628 = arith.mulf %get3A_626, %mul3A_627 : vector<16xf32>
          %add3A_629 = arith.constant 80 : i32
          %add3A_630 = arith.addi %add3A_629, %add3A_477 : i32
          %get3A_631 = arith.index_cast %add3A_630 : i32 to index
          %get3A_632 = arith.constant 48 : index
          %get3A_633 = tpu.vector_load %arg10[%get3A_631, %get3A_632] {strides = array<i32>} : memref<320x128xf32, #tpu.memory_space<vmem>>, vector<1x16xf32>,
          %get3A_634 = vector.shape_cast %get3A_633 : vector<1x16xf32> to vector<16xf32>
          %mul3A_635 = vector.broadcast %select_n3A_501 : f32 to vector<16xf32>
          %mul3A_636 = arith.mulf %get3A_634, %mul3A_635 : vector<16xf32>
          %add3A_637 = arith.addf %mul3A_628, %mul3A_636 : vector<16xf32>
          %add3A_638 = arith.constant 160 : i32
          %add3A_639 = arith.addi %add3A_638, %add3A_477 : i32
          %get3A_640 = arith.index_cast %add3A_639 : i32 to index
          %get3A_641 = arith.constant 48 : index
          %get3A_642 = tpu.vector_load %arg10[%get3A_640, %get3A_641] {strides = array<i32>} : memref<320x128xf32, #tpu.memory_space<vmem>>, vector<1x16xf32>,
          %get3A_643 = vector.shape_cast %get3A_642 : vector<1x16xf32> to vector<16xf32>
          %mul3A_644 = vector.broadcast %select_n3A_505 : f32 to vector<16xf32>
          %mul3A_645 = arith.mulf %get3A_643, %mul3A_644 : vector<16xf32>
          %add3A_646 = arith.addf %add3A_637, %mul3A_645 : vector<16xf32>
          %add3A_647 = arith.constant 240 : i32
          %add3A_648 = arith.addi %add3A_647, %add3A_477 : i32
          %get3A_649 = arith.index_cast %add3A_648 : i32 to index
          %get3A_650 = arith.constant 48 : index
          %get3A_651 = tpu.vector_load %arg10[%get3A_649, %get3A_650] {strides = array<i32>} : memref<320x128xf32, #tpu.memory_space<vmem>>, vector<1x16xf32>,
          %get3A_652 = vector.shape_cast %get3A_651 : vector<1x16xf32> to vector<16xf32>
          %mul3A_653 = vector.broadcast %select_n3A_510 : f32 to vector<16xf32>
          %mul3A_654 = arith.mulf %get3A_652, %mul3A_653 : vector<16xf32>
          %add3A_655 = arith.addf %add3A_646, %mul3A_654 : vector<16xf32>
          %swap3A_656 = arith.index_cast %add3A_477 : i32 to index
          %swap3A_657 = arith.constant 48 : index
          %swap3A_658 = tpu.vector_load %arg12[%swap3A_656, %swap3A_657] {strides = array<i32>} : memref<80x128xf32, #tpu.memory_space<vmem>>, vector<1x16xf32>,
          %swap3A_659 = vector.shape_cast %swap3A_658 : vector<1x16xf32> to vector<16xf32>
          %swap3A_660 = vector.shape_cast %add3A_655 : vector<16xf32> to vector<1x16xf32>
          tpu.vector_store %arg12[%swap3A_656, %swap3A_657], %swap3A_660 {strides = array<i32>} : memref<80x128xf32, #tpu.memory_space<vmem>>, vector<1x16xf32>,
          %get3A_661 = arith.index_cast %add3A_477 : i32 to index
          %get3A_662 = arith.constant 64 : index
          %get3A_663 = tpu.vector_load %arg10[%get3A_661, %get3A_662] {strides = array<i32>} : memref<320x128xf32, #tpu.memory_space<vmem>>, vector<1x16xf32>,
          %get3A_664 = vector.shape_cast %get3A_663 : vector<1x16xf32> to vector<16xf32>
          %mul3A_665 = vector.broadcast %select_n3A_496 : f32 to vector<16xf32>
          %mul3A_666 = arith.mulf %get3A_664, %mul3A_665 : vector<16xf32>
          %add3A_667 = arith.constant 80 : i32
          %add3A_668 = arith.addi %add3A_667, %add3A_477 : i32
          %get3A_669 = arith.index_cast %add3A_668 : i32 to index
          %get3A_670 = arith.constant 64 : index
          %get3A_671 = tpu.vector_load %arg10[%get3A_669, %get3A_670] {strides = array<i32>} : memref<320x128xf32, #tpu.memory_space<vmem>>, vector<1x16xf32>,
          %get3A_672 = vector.shape_cast %get3A_671 : vector<1x16xf32> to vector<16xf32>
          %mul3A_673 = vector.broadcast %select_n3A_501 : f32 to vector<16xf32>
          %mul3A_674 = arith.mulf %get3A_672, %mul3A_673 : vector<16xf32>
          %add3A_675 = arith.addf %mul3A_666, %mul3A_674 : vector<16xf32>
          %add3A_676 = arith.constant 160 : i32
          %add3A_677 = arith.addi %add3A_676, %add3A_477 : i32
          %get3A_678 = arith.index_cast %add3A_677 : i32 to index
          %get3A_679 = arith.constant 64 : index
          %get3A_680 = tpu.vector_load %arg10[%get3A_678, %get3A_679] {strides = array<i32>} : memref<320x128xf32, #tpu.memory_space<vmem>>, vector<1x16xf32>,
          %get3A_681 = vector.shape_cast %get3A_680 : vector<1x16xf32> to vector<16xf32>
          %mul3A_682 = vector.broadcast %select_n3A_505 : f32 to vector<16xf32>
          %mul3A_683 = arith.mulf %get3A_681, %mul3A_682 : vector<16xf32>
          %add3A_684 = arith.addf %add3A_675, %mul3A_683 : vector<16xf32>
          %add3A_685 = arith.constant 240 : i32
          %add3A_686 = arith.addi %add3A_685, %add3A_477 : i32
          %get3A_687 = arith.index_cast %add3A_686 : i32 to index
          %get3A_688 = arith.constant 64 : index
          %get3A_689 = tpu.vector_load %arg10[%get3A_687, %get3A_688] {strides = array<i32>} : memref<320x128xf32, #tpu.memory_space<vmem>>, vector<1x16xf32>,
          %get3A_690 = vector.shape_cast %get3A_689 : vector<1x16xf32> to vector<16xf32>
          %mul3A_691 = vector.broadcast %select_n3A_510 : f32 to vector<16xf32>
          %mul3A_692 = arith.mulf %get3A_690, %mul3A_691 : vector<16xf32>
          %add3A_693 = arith.addf %add3A_684, %mul3A_692 : vector<16xf32>
          %swap3A_694 = arith.index_cast %add3A_477 : i32 to index
          %swap3A_695 = arith.constant 64 : index
          %swap3A_696 = tpu.vector_load %arg12[%swap3A_694, %swap3A_695] {strides = array<i32>} : memref<80x128xf32, #tpu.memory_space<vmem>>, vector<1x16xf32>,
          %swap3A_697 = vector.shape_cast %swap3A_696 : vector<1x16xf32> to vector<16xf32>
          %swap3A_698 = vector.shape_cast %add3A_693 : vector<16xf32> to vector<1x16xf32>
          tpu.vector_store %arg12[%swap3A_694, %swap3A_695], %swap3A_698 {strides = array<i32>} : memref<80x128xf32, #tpu.memory_space<vmem>>, vector<1x16xf32>,
          %get3A_699 = arith.index_cast %add3A_477 : i32 to index
          %get3A_700 = arith.constant 80 : index
          %get3A_701 = tpu.vector_load %arg10[%get3A_699, %get3A_700] {strides = array<i32>} : memref<320x128xf32, #tpu.memory_space<vmem>>, vector<1x16xf32>,
          %get3A_702 = vector.shape_cast %get3A_701 : vector<1x16xf32> to vector<16xf32>
          %mul3A_703 = vector.broadcast %select_n3A_496 : f32 to vector<16xf32>
          %mul3A_704 = arith.mulf %get3A_702, %mul3A_703 : vector<16xf32>
          %add3A_705 = arith.constant 80 : i32
          %add3A_706 = arith.addi %add3A_705, %add3A_477 : i32
          %get3A_707 = arith.index_cast %add3A_706 : i32 to index
          %get3A_708 = arith.constant 80 : index
          %get3A_709 = tpu.vector_load %arg10[%get3A_707, %get3A_708] {strides = array<i32>} : memref<320x128xf32, #tpu.memory_space<vmem>>, vector<1x16xf32>,
          %get3A_710 = vector.shape_cast %get3A_709 : vector<1x16xf32> to vector<16xf32>
          %mul3A_711 = vector.broadcast %select_n3A_501 : f32 to vector<16xf32>
          %mul3A_712 = arith.mulf %get3A_710, %mul3A_711 : vector<16xf32>
          %add3A_713 = arith.addf %mul3A_704, %mul3A_712 : vector<16xf32>
          %add3A_714 = arith.constant 160 : i32
          %add3A_715 = arith.addi %add3A_714, %add3A_477 : i32
          %get3A_716 = arith.index_cast %add3A_715 : i32 to index
          %get3A_717 = arith.constant 80 : index
          %get3A_718 = tpu.vector_load %arg10[%get3A_716, %get3A_717] {strides = array<i32>} : memref<320x128xf32, #tpu.memory_space<vmem>>, vector<1x16xf32>,
          %get3A_719 = vector.shape_cast %get3A_718 : vector<1x16xf32> to vector<16xf32>
          %mul3A_720 = vector.broadcast %select_n3A_505 : f32 to vector<16xf32>
          %mul3A_721 = arith.mulf %get3A_719, %mul3A_720 : vector<16xf32>
          %add3A_722 = arith.addf %add3A_713, %mul3A_721 : vector<16xf32>
          %add3A_723 = arith.constant 240 : i32
          %add3A_724 = arith.addi %add3A_723, %add3A_477 : i32
          %get3A_725 = arith.index_cast %add3A_724 : i32 to index
          %get3A_726 = arith.constant 80 : index
          %get3A_727 = tpu.vector_load %arg10[%get3A_725, %get3A_726] {strides = array<i32>} : memref<320x128xf32, #tpu.memory_space<vmem>>, vector<1x16xf32>,
          %get3A_728 = vector.shape_cast %get3A_727 : vector<1x16xf32> to vector<16xf32>
          %mul3A_729 = vector.broadcast %select_n3A_510 : f32 to vector<16xf32>
          %mul3A_730 = arith.mulf %get3A_728, %mul3A_729 : vector<16xf32>
          %add3A_731 = arith.addf %add3A_722, %mul3A_730 : vector<16xf32>
          %swap3A_732 = arith.index_cast %add3A_477 : i32 to index
          %swap3A_733 = arith.constant 80 : index
          %swap3A_734 = tpu.vector_load %arg12[%swap3A_732, %swap3A_733] {strides = array<i32>} : memref<80x128xf32, #tpu.memory_space<vmem>>, vector<1x16xf32>,
          %swap3A_735 = vector.shape_cast %swap3A_734 : vector<1x16xf32> to vector<16xf32>
          %swap3A_736 = vector.shape_cast %add3A_731 : vector<16xf32> to vector<1x16xf32>
          tpu.vector_store %arg12[%swap3A_732, %swap3A_733], %swap3A_736 {strides = array<i32>} : memref<80x128xf32, #tpu.memory_space<vmem>>, vector<1x16xf32>,
          %get3A_737 = arith.index_cast %add3A_477 : i32 to index
          %get3A_738 = arith.constant 96 : index
          %get3A_739 = tpu.vector_load %arg10[%get3A_737, %get3A_738] {strides = array<i32>} : memref<320x128xf32, #tpu.memory_space<vmem>>, vector<1x16xf32>,
          %get3A_740 = vector.shape_cast %get3A_739 : vector<1x16xf32> to vector<16xf32>
          %mul3A_741 = vector.broadcast %select_n3A_496 : f32 to vector<16xf32>
          %mul3A_742 = arith.mulf %get3A_740, %mul3A_741 : vector<16xf32>
          %add3A_743 = arith.constant 80 : i32
          %add3A_744 = arith.addi %add3A_743, %add3A_477 : i32
          %get3A_745 = arith.index_cast %add3A_744 : i32 to index
          %get3A_746 = arith.constant 96 : index
          %get3A_747 = tpu.vector_load %arg10[%get3A_745, %get3A_746] {strides = array<i32>} : memref<320x128xf32, #tpu.memory_space<vmem>>, vector<1x16xf32>,
          %get3A_748 = vector.shape_cast %get3A_747 : vector<1x16xf32> to vector<16xf32>
          %mul3A_749 = vector.broadcast %select_n3A_501 : f32 to vector<16xf32>
          %mul3A_750 = arith.mulf %get3A_748, %mul3A_749 : vector<16xf32>
          %add3A_751 = arith.addf %mul3A_742, %mul3A_750 : vector<16xf32>
          %add3A_752 = arith.constant 160 : i32
          %add3A_753 = arith.addi %add3A_752, %add3A_477 : i32
          %get3A_754 = arith.index_cast %add3A_753 : i32 to index
          %get3A_755 = arith.constant 96 : index
          %get3A_756 = tpu.vector_load %arg10[%get3A_754, %get3A_755] {strides = array<i32>} : memref<320x128xf32, #tpu.memory_space<vmem>>, vector<1x16xf32>,
          %get3A_757 = vector.shape_cast %get3A_756 : vector<1x16xf32> to vector<16xf32>
          %mul3A_758 = vector.broadcast %select_n3A_505 : f32 to vector<16xf32>
          %mul3A_759 = arith.mulf %get3A_757, %mul3A_758 : vector<16xf32>
          %add3A_760 = arith.addf %add3A_751, %mul3A_759 : vector<16xf32>
          %add3A_761 = arith.constant 240 : i32
          %add3A_762 = arith.addi %add3A_761, %add3A_477 : i32
          %get3A_763 = arith.index_cast %add3A_762 : i32 to index
          %get3A_764 = arith.constant 96 : index
          %get3A_765 = tpu.vector_load %arg10[%get3A_763, %get3A_764] {strides = array<i32>} : memref<320x128xf32, #tpu.memory_space<vmem>>, vector<1x16xf32>,
          %get3A_766 = vector.shape_cast %get3A_765 : vector<1x16xf32> to vector<16xf32>
          %mul3A_767 = vector.broadcast %select_n3A_510 : f32 to vector<16xf32>
          %mul3A_768 = arith.mulf %get3A_766, %mul3A_767 : vector<16xf32>
          %add3A_769 = arith.addf %add3A_760, %mul3A_768 : vector<16xf32>
          %swap3A_770 = arith.index_cast %add3A_477 : i32 to index
          %swap3A_771 = arith.constant 96 : index
          %swap3A_772 = tpu.vector_load %arg12[%swap3A_770, %swap3A_771] {strides = array<i32>} : memref<80x128xf32, #tpu.memory_space<vmem>>, vector<1x16xf32>,
          %swap3A_773 = vector.shape_cast %swap3A_772 : vector<1x16xf32> to vector<16xf32>
          %swap3A_774 = vector.shape_cast %add3A_769 : vector<16xf32> to vector<1x16xf32>
          tpu.vector_store %arg12[%swap3A_770, %swap3A_771], %swap3A_774 {strides = array<i32>} : memref<80x128xf32, #tpu.memory_space<vmem>>, vector<1x16xf32>,
          %get3A_775 = arith.index_cast %add3A_477 : i32 to index
          %get3A_776 = arith.constant 112 : index
          %get3A_777 = tpu.vector_load %arg10[%get3A_775, %get3A_776] {strides = array<i32>} : memref<320x128xf32, #tpu.memory_space<vmem>>, vector<1x16xf32>,
          %get3A_778 = vector.shape_cast %get3A_777 : vector<1x16xf32> to vector<16xf32>
          %mul3A_779 = vector.broadcast %select_n3A_496 : f32 to vector<16xf32>
          %mul3A_780 = arith.mulf %get3A_778, %mul3A_779 : vector<16xf32>
          %add3A_781 = arith.constant 80 : i32
          %add3A_782 = arith.addi %add3A_781, %add3A_477 : i32
          %get3A_783 = arith.index_cast %add3A_782 : i32 to index
          %get3A_784 = arith.constant 112 : index
          %get3A_785 = tpu.vector_load %arg10[%get3A_783, %get3A_784] {strides = array<i32>} : memref<320x128xf32, #tpu.memory_space<vmem>>, vector<1x16xf32>,
          %get3A_786 = vector.shape_cast %get3A_785 : vector<1x16xf32> to vector<16xf32>
          %mul3A_787 = vector.broadcast %select_n3A_501 : f32 to vector<16xf32>
          %mul3A_788 = arith.mulf %get3A_786, %mul3A_787 : vector<16xf32>
          %add3A_789 = arith.addf %mul3A_780, %mul3A_788 : vector<16xf32>
          %add3A_790 = arith.constant 160 : i32
          %add3A_791 = arith.addi %add3A_790, %add3A_477 : i32
          %get3A_792 = arith.index_cast %add3A_791 : i32 to index
          %get3A_793 = arith.constant 112 : index
          %get3A_794 = tpu.vector_load %arg10[%get3A_792, %get3A_793] {strides = array<i32>} : memref<320x128xf32, #tpu.memory_space<vmem>>, vector<1x16xf32>,
          %get3A_795 = vector.shape_cast %get3A_794 : vector<1x16xf32> to vector<16xf32>
          %mul3A_796 = vector.broadcast %select_n3A_505 : f32 to vector<16xf32>
          %mul3A_797 = arith.mulf %get3A_795, %mul3A_796 : vector<16xf32>
          %add3A_798 = arith.addf %add3A_789, %mul3A_797 : vector<16xf32>
          %add3A_799 = arith.constant 240 : i32
          %add3A_800 = arith.addi %add3A_799, %add3A_477 : i32
          %get3A_801 = arith.index_cast %add3A_800 : i32 to index
          %get3A_802 = arith.constant 112 : index
          %get3A_803 = tpu.vector_load %arg10[%get3A_801, %get3A_802] {strides = array<i32>} : memref<320x128xf32, #tpu.memory_space<vmem>>, vector<1x16xf32>,
          %get3A_804 = vector.shape_cast %get3A_803 : vector<1x16xf32> to vector<16xf32>
          %mul3A_805 = vector.broadcast %select_n3A_510 : f32 to vector<16xf32>
          %mul3A_806 = arith.mulf %get3A_804, %mul3A_805 : vector<16xf32>
          %add3A_807 = arith.addf %add3A_798, %mul3A_806 : vector<16xf32>
          %swap3A_808 = arith.index_cast %add3A_477 : i32 to index
          %swap3A_809 = arith.constant 112 : index
          %swap3A_810 = tpu.vector_load %arg12[%swap3A_808, %swap3A_809] {strides = array<i32>} : memref<80x128xf32, #tpu.memory_space<vmem>>, vector<1x16xf32>,
          %swap3A_811 = vector.shape_cast %swap3A_810 : vector<1x16xf32> to vector<16xf32>
          %swap3A_812 = vector.shape_cast %add3A_807 : vector<16xf32> to vector<1x16xf32>
          tpu.vector_store %arg12[%swap3A_808, %swap3A_809], %swap3A_812 {strides = array<i32>} : memref<80x128xf32, #tpu.memory_space<vmem>>, vector<1x16xf32>,
        }
        %scan3A_466 = arith.constant 80 : i32
        %mul3A_467 = arith.constant 100000 : i32
        %mul3A_468 = arith.muli %select_n3A_414, %mul3A_467 : i32
        %add3A_469 = arith.addi %mul3A_468, %mul3A_461 : i32
        %dma_start3A = arith.constant 0 : i32
        %dma_start3A_470 = tpu.memref_slice %arg4[%add3A_469, %dma_start3A] : memref<200000x128xf32, #tpu.memory_space<hbm>> -> memref<80x128xf32, #tpu.memory_space<hbm>>
        %dma_start3A_471 = arith.constant 0 : i32
        %dma_start3A_472 = tpu.memref_slice %arg4[%add3A_469, %dma_start3A_471] : memref<200000x128xf32, #tpu.memory_space<hbm>> -> memref<80x128xf32, #tpu.memory_space<hbm>>
        tpu.enqueue_dma source(%arg12 : memref<80x128xf32, #tpu.memory_space<vmem>>) target(%dma_start3A_472 : memref<80x128xf32, #tpu.memory_space<hbm>>) target_semaphore(%arg18 : memref<!tpu.dma_semaphore, #tpu.memory_space<semaphore_mem>>)
      } else {
      }
    }
    %scan3A_53 = arith.constant 20 : i32
    %jit3A_54 = arith.constant true
    %jit3A_55 = arith.constant 1 : i32
    %jit3A_56 = arith.constant 0 : i32
    %select_n3A_57 = arith.select %jit3A_54, %jit3A_55, %jit3A_56 : i32
    %mul3A_58 = arith.constant 40 : i32
    %mul3A_59 = arith.muli %select_n3A_57, %mul3A_58 : i32
    %sub3A_60 = arith.constant 78 : i32
    %sub3A_61 = arith.subi %sub3A_60, %mul3A_59 : i32
    %mul3A_62 = arith.constant 32 : i32
    %mul3A_63 = arith.muli %sub3A_61, %mul3A_62 : i32
    %add3A_64 = arith.addi %mul3A_63, %add3A : i32
    %ge3A_65 = arith.constant 0 : i32
    %ge3A_66 = arith.cmpi sge, %add3A_64, %ge3A_65 : i32
    %lt3A_67 = arith.constant 1250 : i32
    %lt3A_68 = arith.cmpi slt, %add3A_64, %lt3A_67 : i32
    %and3A_69 = arith.andi %ge3A_66, %lt3A_68 : i1
    %convert_element_type3A_70 = arith.extui %and3A_69 : i1 to i32
    %cond3A_71 = arith.constant 0 : i32
    %cond3A_72 = arith.cmpi ne, %convert_element_type3A_70, %cond3A_71 : i32
    scf.if %cond3A_72 {
      %mul3A_92 = arith.constant 100000 : i32
      %mul3A_93 = arith.muli %select_n3A_57, %mul3A_92 : i32
      %mul3A_94 = arith.constant 80 : i32
      %mul3A_95 = arith.muli %add3A_64, %mul3A_94 : i32
      %add3A_96 = arith.addi %mul3A_93, %mul3A_95 : i32
      %dma_wait3A = arith.constant 0 : i32
      %dma_wait3A_97 = tpu.memref_slice %arg4[%add3A_96, %dma_wait3A] : memref<200000x128xf32, #tpu.memory_space<hbm>> -> memref<80x128xf32, #tpu.memory_space<hbm>>
      %dma_wait3A_98 = arith.constant 0 : i32
      %dma_wait3A_99 = tpu.memref_slice %arg4[%add3A_96, %dma_wait3A_98] : memref<200000x128xf32, #tpu.memory_space<hbm>> -> memref<80x128xf32, #tpu.memory_space<hbm>>
      tpu.wait_dma2 semaphore(%arg17 : memref<!tpu.dma_semaphore, #tpu.memory_space<semaphore_mem>>) src(%arg11 : memref<80x128xf32, #tpu.memory_space<vmem>>) dst(%dma_wait3A_99 : memref<80x128xf32, #tpu.memory_space<hbm>>)
    } else {
    }
    %jit3A_73 = arith.constant true
    %jit3A_74 = arith.constant 1 : i32
    %jit3A_75 = arith.constant 0 : i32
    %select_n3A_76 = arith.select %jit3A_73, %jit3A_74, %jit3A_75 : i32
    %mul3A_77 = arith.constant 40 : i32
    %mul3A_78 = arith.muli %select_n3A_76, %mul3A_77 : i32
    %sub3A_79 = arith.constant 79 : i32
    %sub3A_80 = arith.subi %sub3A_79, %mul3A_78 : i32
    %mul3A_81 = arith.constant 32 : i32
    %mul3A_82 = arith.muli %sub3A_80, %mul3A_81 : i32
    %add3A_83 = arith.addi %mul3A_82, %add3A : i32
    %ge3A_84 = arith.constant 0 : i32
    %ge3A_85 = arith.cmpi sge, %add3A_83, %ge3A_84 : i32
    %lt3A_86 = arith.constant 1250 : i32
    %lt3A_87 = arith.cmpi slt, %add3A_83, %lt3A_86 : i32
    %and3A_88 = arith.andi %ge3A_85, %lt3A_87 : i1
    %convert_element_type3A_89 = arith.extui %and3A_88 : i1 to i32
    %cond3A_90 = arith.constant 0 : i32
    %cond3A_91 = arith.cmpi ne, %convert_element_type3A_89, %cond3A_90 : i32
    scf.if %cond3A_91 {
      %mul3A_92 = arith.constant 100000 : i32
      %mul3A_93 = arith.muli %select_n3A_76, %mul3A_92 : i32
      %mul3A_94 = arith.constant 80 : i32
      %mul3A_95 = arith.muli %add3A_83, %mul3A_94 : i32
      %add3A_96 = arith.addi %mul3A_93, %mul3A_95 : i32
      %dma_wait3A = arith.constant 0 : i32
      %dma_wait3A_97 = tpu.memref_slice %arg4[%add3A_96, %dma_wait3A] : memref<200000x128xf32, #tpu.memory_space<hbm>> -> memref<80x128xf32, #tpu.memory_space<hbm>>
      %dma_wait3A_98 = arith.constant 0 : i32
      %dma_wait3A_99 = tpu.memref_slice %arg4[%add3A_96, %dma_wait3A_98] : memref<200000x128xf32, #tpu.memory_space<hbm>> -> memref<80x128xf32, #tpu.memory_space<hbm>>
      tpu.wait_dma2 semaphore(%arg18 : memref<!tpu.dma_semaphore, #tpu.memory_space<semaphore_mem>>) src(%arg12 : memref<80x128xf32, #tpu.memory_space<vmem>>) dst(%dma_wait3A_99 : memref<80x128xf32, #tpu.memory_space<hbm>>)
    } else {
    }
    return
  }
}

module attributes {stable_mosaic.version = 14 : i64} {
  func.func @_mm_kernel(%arg0: i32, %arg1: memref<8000x128xf32, #tpu.memory_space<vmem>>, %arg2: memref<128x128xf32, #tpu.memory_space<vmem>>, %arg3: memref<1x128xf32, #tpu.memory_space<vmem>>, %arg4: memref<8000x128xf32, #tpu.memory_space<vmem>>) attributes {dimension_semantics = [#tpu.dimension_semantics<arbitrary>], iteration_bounds = array<i64: 25>, scalar_prefetch = 0 : i64, scratch_operands = 0 : i64, tpu.core_type = #tpu.core_type<tc>, window_params = [{transform_indices = @transform_0, window_bounds = array<i64: 8000, 128>}, {pipeline_mode = #tpu.pipeline_mode<synchronous>, transform_indices = @transform_1, window_bounds = array<i64: 128, 128>}, {pipeline_mode = #tpu.pipeline_mode<synchronous>, transform_indices = @transform_2, window_bounds = array<i64: 1, 128>}, {transform_indices = @transform_3, window_bounds = array<i64: 8000, 128>}]} {
    %get3A = arith.constant 0 : index
    %get3A_0 = arith.constant 0 : index
    %get3A_1 = vector.load %arg1[%get3A, %get3A_0] : memref<8000x128xf32, #tpu.memory_space<vmem>>, vector<8000x128xf32>
    %get3A_2 = arith.constant 0 : index
    %get3A_3 = arith.constant 0 : index
    %get3A_4 = vector.load %arg2[%get3A_2, %get3A_3] : memref<128x128xf32, #tpu.memory_space<vmem>>, vector<128x128xf32>
    %dot_general3A = arith.constant dense<0.000000e+00> : vector<8000x128xf32>
    %dot_general3A_5 = tpu.matmul %get3A_1, %get3A_4, %dot_general3A {dimension_numbers = #tpu.dot_dimension_numbers<[1], [0], [0], [1], [0, 0, 1, 1], [], []>, transpose_lhs_hint = false} : vector<8000x128xf32>, vector<128x128xf32>, vector<8000x128xf32> -> vector<8000x128xf32>
    %get3A_6 = arith.constant 0 : index
    %get3A_7 = arith.constant 0 : index
    %get3A_8 = vector.load %arg3[%get3A_6, %get3A_7] : memref<1x128xf32, #tpu.memory_space<vmem>>, vector<1x128xf32>
    %get3A_9 = vector.shape_cast %get3A_8 : vector<1x128xf32> to vector<128xf32>
    %broadcast_in_dim3A = vector.shape_cast %get3A_9 : vector<128xf32> to vector<1x128xf32>
    %add3A = vector.broadcast %broadcast_in_dim3A : vector<1x128xf32> to vector<8000x128xf32>
    %add3A_10 = arith.addf %dot_general3A_5, %add3A : vector<8000x128xf32>
    %swap3A = arith.constant 0 : index
    %swap3A_11 = arith.constant 0 : index
    %swap3A_12 = vector.load %arg4[%swap3A, %swap3A_11] : memref<8000x128xf32, #tpu.memory_space<vmem>>, vector<8000x128xf32>
    tpu.vector_store %arg4[%swap3A, %swap3A_11], %add3A_10 {strides = array<i32>} : memref<8000x128xf32, #tpu.memory_space<vmem>>, vector<8000x128xf32>,
    return
  }
  func.func @transform_0(%arg0: i32) -> (i32, i32) {
    %c0_i32 = arith.constant 0 : i32
    %c0_i32_0 = arith.constant 0 : i32
    return %arg0, %c0_i32 : i32, i32
  }
  func.func @transform_1(%arg0: i32) -> (i32, i32) {
    %c0_i32 = arith.constant 0 : i32
    %c0_i32_0 = arith.constant 0 : i32
    %c0_i32_1 = arith.constant 0 : i32
    return %c0_i32, %c0_i32_0 : i32, i32
  }
  func.func @transform_2(%arg0: i32) -> (i32, i32) {
    %c0_i32 = arith.constant 0 : i32
    %c0_i32_0 = arith.constant 0 : i32
    %c0_i32_1 = arith.constant 0 : i32
    return %c0_i32, %c0_i32_0 : i32, i32
  }
  func.func @transform_3(%arg0: i32) -> (i32, i32) {
    %c0_i32 = arith.constant 0 : i32
    %c0_i32_0 = arith.constant 0 : i32
    return %arg0, %c0_i32 : i32, i32
  }
}

</mosaic_0001>

<sc_bundles>
// kernel: kernel.4.cloned.1.call-start
scs
__scs_entry_jumppad:
0x0: {  	(pc) =	sbr.rel $0x88, $3  }
0x1: {  	(tag) =	ssettag $0x0;
	lr =	simm.s32 $0x1  }
0x2: {  	[smem:$0x3F9E] =	sst lr;
	_ =	strace $0xD0000000  }
0x3: {  	_ = 	snop  }
0x4: {  	_ = 	snop  }
0x5: {  	_ = 	snop  }
0x6: {  	_ = 	snop  }
0x7: {  	_ = 	snop  }
__scs_overlays_trampoline_lowered:
0x8: {  	[smem:$0x3FAD] =	sst s0  }
0x9: {  	[smem:$0x3FAE] =	sst s1  }
0xa: {  	[smem:$0x3FAF] =	sst s2  }
0xb: {  	[smem:$0x3FB0] =	sst s3  }
0xc: {  	[smem:$0x3FB1] =	sst s4  }
0xd: {  	[smem:$0x3FB2] =	sst s5  }
0xe: {  	[smem:$0x3FB3] =	sst s6  }
0xf: {  	[smem:$0x3FB4] =	sst s7  }
0x10: {  	[smem:$0x3FB5] =	sst s8  }
0x11: {  	[smem:$0x3FB6] =	sst s9;
	s0 =	simm.s32 @!p0 $0x0  }
0x12: {  	s1 =	sld [smem:$0x3F9C];
	s0 =	simm.s32 @p0 $0x1  }
0x13: {  	[smem:$0x3FB7] =	sst s0;
	s0 =	simm.s32 @!p1 $0x0  }
0x14: {  	s2 =	sld [smem:$0x3F9B];
	s0 =	simm.s32 @p1 $0x1  }
0x15: {  	[smem:$0x3FB8] =	sst s0;
	s0 =	simm.s32 @!p2 $0x0  }
0x16: {  	s3 =	sld [smem:$0x3FDB];
	s0 =	simm.s32 @p2 $0x1  }
0x17: {  	s4 =	simm.s32 $0x1BF5;
	[smem:$0x3FBA] =	sst s0  }
0x18: {  	s0 =	sld [smem:$0x3F9D];
	_ =	swait.ge [sflag:s4], $0x0  }
0x19: {  	s7 =	sld [smem:$0x3F9E]  }
0x1a: {  	s8 =	sadd.s32 $0xFFFFE003, lr  }
0x1b: {  	s9 =	sadd.s32 $0xFFFFFEF7, lr;
	s5 =	simm.s32 $0xFFFFFFFF;
	p2 =	slt.u32 s8, $0xFFFFF086  }
0x1c: {  	p1 =	slt.u32 s9, $0xF7A;
	s5 =	simm.s32 @!p2 $0x0  }
0x1d: {  	s5 =	simm.s32 @p1 $0x1;
	p0 =	seq.s32 s7, s2  }
0x1e: {  	s7 =	smul.u32 @!p0 $0xF7A, s2;
	p2 =	seq.s32 @!p0 s5, $0x0  }
0x1f: {  	s9 =	smul.u32 $0xF7A, s1;
	s8 =	simm.s32 @!p0 $0x1BF5;
	p2 =	por !p2, p0  }
0x20: {  	[sflag:s8] =	ssyncset.s32 @!p0 $0xFFFFF086;
	s6 =	sadd.s32 @!p0 s3, s7;
	s7 =	simm.s32 @!p0 $0x108  }
0x21: {  	s3 =	sadd.s32 s3, s9;
	s6 =	sadd.s32 @!p0 $0x88, s6;
	s7 =	simm.s32 @p2 $0x1082  }
0x22: {  	[simem:s7], [sflag:s8] =	dma.local @!p0 [hbm:s6], $0xF7A  }
0x23: {  	s9 =	sor.u32 $0xD0000000, s2;
	s6 =	simm.s32 $0x108;
	_ =	swait.ge @!p0 [sflag:s8], $0x0  }
0x24: {  	s3 =	sadd.s32 $0x88, s3;
	s6 =	simm.s32 @!p1 $0x1082;
	[sflag:s4] =	ssyncset.s32 $0xFFFFF086  }
0x25: {  	[simem:s6], [sflag:s4] =	dma.local [hbm:s3], $0xF7A  }
0x26: {  	[smem:$0x3F9E] =	sst s1;
	(tag) =	ssettag s2;
	_ =	strace s9  }
0x27: {  	s1 =	sld [smem:$0x3FAE]  }
0x28: {  	s2 =	sld [smem:$0x3FAF]  }
0x29: {  	s4 =	sld [smem:$0x3FB1]  }
0x2a: {  	p0 =	seq.s32 s5, $0x0;
	s5 =	sld [smem:$0x3FB2]  }
0x2b: {  	s6 =	sld [smem:$0x3FB3]  }
0x2c: {  	s7 =	sld [smem:$0x3FB4]  }
0x2d: {  	s3 =	simm.s32 $0x108;
	s8 =	sld [smem:$0x3FB5]  }
0x2e: {  	s3 =	simm.s32 @!p0 $0x1082;
	s9 =	sld [smem:$0x3FB6]  }
0x2f: {  	lr =	sadd.s32 s0, s3;
	s0 =	sld [smem:$0x3FAD]  }
0x30: {  	s3 =	sld [smem:$0x3FB0]  }
0x31: {  	[smem:$0x3FB9] =	sst s10  }
0x32: {  	s10 =	sld [smem:$0x3FB7];
	_ =	sdelay $0x3  }
0x33: {  	p0 =	seq.s32 s10, $0x1;
	s10 =	sld [smem:$0x3FB9];
	_ =	sdelay $0x3  }
0x34: {  	[smem:$0x3FB9] =	sst s10  }
0x35: {  	s10 =	sld [smem:$0x3FB8];
	_ =	sdelay $0x3  }
0x36: {  	p1 =	seq.s32 s10, $0x1;
	s10 =	sld [smem:$0x3FB9];
	_ =	sdelay $0x3  }
0x37: {  	[smem:$0x3FB9] =	sst s10  }
0x38: {  	s10 =	sld [smem:$0x3FBA]  }
0x39: {  	_ = 	snop;
	(pc) =	sbr.ind lr, $3  }
0x3a: {  	_ = 	snop  }
0x3b: {  	_ = 	snop  }
0x3c: {  	p2 =	seq.s32 s10, $0x1;
	s10 =	sld [smem:$0x3FB9]  }
0x3d: {  	_ =	shalt  }
0x3e: {  	_ =	shalt  }
0x3f: {  	_ =	shalt  }
0x40: {  	_ =	shalt  }
0x41: {  	_ =	shalt  }
0x42: {  	_ =	shalt  }
0x43: {  	_ =	shalt  }
0x44: {  	_ =	shalt  }
0x45: {  	_ =	shalt  }
0x46: {  	_ =	shalt  }
0x47: {  	_ =	shalt  }
0x48: {  	_ =	shalt  }
0x49: {  	_ =	shalt  }
0x4a: {  	_ =	shalt  }
0x4b: {  	_ =	shalt  }
0x4c: {  	_ =	shalt  }
0x4d: {  	_ =	shalt  }
0x4e: {  	_ =	shalt  }
0x4f: {  	_ =	shalt  }
0x50: {  	_ =	shalt  }
0x51: {  	_ =	shalt  }
0x52: {  	_ =	shalt  }
0x53: {  	_ =	shalt  }
0x54: {  	_ =	shalt  }
0x55: {  	_ =	shalt  }
0x56: {  	_ =	shalt  }
0x57: {  	_ =	shalt  }
0x58: {  	_ =	shalt  }
0x59: {  	_ =	shalt  }
0x5a: {  	_ =	shalt  }
0x5b: {  	_ =	shalt  }
0x5c: {  	_ =	shalt  }
0x5d: {  	_ =	shalt  }
0x5e: {  	_ =	shalt  }
0x5f: {  	_ =	shalt  }
0x60: {  	_ =	shalt  }
0x61: {  	_ =	shalt  }
0x62: {  	_ =	shalt  }
0x63: {  	_ =	shalt  }
0x64: {  	_ =	shalt  }
0x65: {  	_ =	shalt  }
0x66: {  	_ =	shalt  }
0x67: {  	_ =	shalt  }
0x68: {  	_ =	shalt  }
0x69: {  	_ =	shalt  }
0x6a: {  	_ =	shalt  }
0x6b: {  	_ =	shalt  }
0x6c: {  	_ =	shalt  }
0x6d: {  	_ =	shalt  }
0x6e: {  	_ =	shalt  }
0x6f: {  	_ =	shalt  }
0x70: {  	_ =	shalt  }
0x71: {  	_ =	shalt  }
0x72: {  	_ =	shalt  }
0x73: {  	_ =	shalt  }
0x74: {  	_ =	shalt  }
0x75: {  	_ =	shalt  }
0x76: {  	_ =	shalt  }
0x77: {  	_ =	shalt  }
0x78: {  	_ =	shalt  }
0x79: {  	_ =	shalt  }
0x7a: {  	_ =	shalt  }
0x7b: {  	_ =	shalt  }
0x7c: {  	_ =	shalt  }
0x7d: {  	_ =	shalt  }
0x7e: {  	_ =	shalt  }
0x7f: {  	_ =	shalt  }
0x80: {  	_ =	shalt  }
0x81: {  	_ =	shalt  }
0x82: {  	_ =	shalt  }
0x83: {  	_ =	shalt  }
0x84: {  	_ =	shalt  }
0x85: {  	_ =	shalt  }
0x86: {  	_ =	shalt  }
0x87: {  	_ =	shalt  }
.Lfunc_end0:
.L_simem_size_0:
called_computation_lowered:
.L_overlay_start_0:
0x88: {  	s2 =	sld [smem:$0x3FD9]  }
0x89: {  	s3 =	sld [smem:$0x3FFE];
	_ =	sdelay $0x1  }
0x8a: {  	s1 =	srdreg.scid  }
0x8b: {  	s0 =	sand.u32 $0x1, s1  }
0x8c: {  	s17 =	sshll.u32 s0, $0xA;
	s2 =	sadd.s32 s3, s2  }
0x8d: {  	s2 =	sadd.s32 s2, s17  }
0x8e: {  	[smem:$0x3FC5] =	sst s2  }
0x8f: {  	_ = 	snop  }
0x90: {  	s2 =	sld [smem:$0x3FC9]  }
0x91: {  	s18 =	sld [smem:$0x3FD0];
	(tm) =	ssettm $0x1  }
0x92: {  	s4 =	sld [smem:$0x3FFB];
	_ =	sdelay $0x3  }
0x93: {  	_ =	strace s4  }
0x94: {  	s4 =	sld [smem:$0x3FFC];
	_ =	sdelay $0x3  }
0x95: {  	_ =	strace s4  }
0x96: {  	s4 =	sld [smem:$0x3FFD];
	_ =	sdelay $0x3  }
0x97: {  	_ =	strace s4  }
0x98: {  	_ =	strace $0x8FFFFFFF  }
0x99: {  	s19 =	sld [smem:$0x3FDB];
	_ =	sdelay $0x1  }
0x9a: {  	s5 =	simm.s32 $_scs_section_size  }
0x9b: {  	s6 =	simm.s32 $_size__tile_overlayer_lowered;
	s7 =	simm.s32 $_tile_overlayer_lowered  }
0x9c: {  	s22 =	simm.s32 $0x1BFF;
	s21 =	sshll.u32 s7, $0x1;
	s4 =	sadd.s32 s5, s19  }
0x9d: {  	s8 =	simm.s32 $0x0;
	s20 =	sshll.u32 s6, $0x1;
	s6 =	sadd.s32 s21, s4  }
0x9e: {  	[timem:s8], [sflag:s22] =	dma.local [hbm:s6], s20  }
0x9f: {  	_ =	swait.ge [sflag:s22], s20  }
0xa0: {  	s5 =	ssub.s32 $0x0, s20;
	[sflag:s22] =	ssyncset.done $0x0  }
0xa1: {  	[sflag:s22] =	ssyncadd.s32 s5;
	_ =	sdelay $0x1  }
0xa2: {  	s23 =	simm.s32 $0x1B8B  }
0xa3: {  	_ =	swait.ge [sflag:s23], $0x1  }
0xa4: {  	[sflag:s23] =	ssyncset.done $0x0  }
0xa5: {  	s25 =	simm.s32 $0x1B8E;
	s24 =	sld [smem:$0x3FFE];
	[sflag:s23] =	ssyncadd.s32 $0xFFFFFFFF  }
0xa6: {  	s26 =	simm.s32 $execute0_lowered;
	[smem:$0x3FD2] =	sst s25  }
0xa7: {  	s6 =	sshll.u32 s26, $0x1;
	_ =	strace $0x80000046;
	[dreg:$0x1] =	wrdreg $0xFFFFFFFF  }
0xa8: {  	s28 =	simm.s32 $_size_execute0_lowered;
	s4 =	sadd.s32 s4, s6;
	[dreg:$0x0] =	wrdreg $0x0  }
0xa9: {  	s6 =	sshll.u32 s28, $0x1;
	[dreg:$0x2] =	wrdreg s4  }
0xaa: {  	[dreg:$0x3] =	wrdreg s6  }
0xab: {  	[dreg:$0x4] =	wrdreg $0xC0  }
0xac: {  	_ =	task [dreg:s8], $0x5FFFF  }
0xad: {  	[dreg:$0x1] =	wrdreg $0xFFFFFFFF  }
0xae: {  	[dreg:$0x0] =	wrdreg $0x60  }
0xaf: {  	[dreg:$0x2] =	wrdreg s2  }
0xb0: {  	[dreg:$0x3] =	wrdreg s18  }
0xb1: {  	[dreg:$0x4] =	wrdreg s24  }
0xb2: {  	[dreg:$0x5] =	wrdreg $0x9  }
0xb3: {  	_ =	task.clear_ibuf [dreg:s8], $0x6FFFF;
	_ =	strace $0x90000046  }
0xb4: {  	s29 =	simm.s32 $0x9;
	_ =	strace $0x80000048  }
0xb5: {  	_ =	swait.ge [sflag:s29], $0x1  }
0xb6: {  	[sflag:s29] =	ssyncadd.s32 $0xFFFFFFFF  }
0xb7: {  	_ =	strace $0x90000048  }
0xb8: {  	_ =	sfence  }
0xb9: {  	s30 =	sld [smem:$0x0];
	_ =	sdelay $0x2  }
0xba: {  	s31 =	sshll.u32 s1, $0xD;
	s1 =	sshrl.u32 s1, $0x2  }
0xbb: {  	s3 =	sand.u32 $0x4000, s31;
	s1 =	sadd.s32 s1, s30  }
0xbc: {  	s0 =	sor.u32 s3, s0;
	s1 =	sshll.u32 s1, $0x11  }
0xbd: {  	s0 =	sor.u32 s1, s0  }
0xbe: {  	s0 =	sadd.s32 $0x8F2B, s0  }
0xbf: {  	[sflag:s0] =	ssyncadd.remote.s32 $0x1  }
0xc0: {  	_ =	sfence.sel $0xFFFF  }
0xc1: {  	[dreg:$0x0] =	wrdreg $0xFFFFFFFF;
	(pc) =	sbr.abs _section_cstart, $3  }
0xc2: {  	[dreg:$0x1] =	wrdreg $0xFFFFFFFF  }
0xc3: {  	_ =	task.clear_ibuf [dreg:s8], $0x2FFFF;
	_ =	strace $0x9FFFFFFF  }
0xc4: {  	(tm) =	ssettm $0x7FFFFFFF  }
0xc5: {  	_ =	shalt  }
tec
execute0_lowered:
.L_overlay_start_1:
0x0: {  	(tag) =	ssettag $0x1  }
0x1: {  	s0 =	rddreg [dreg:$0x0]  }
0x2: {  	s1 =	rddreg [dreg:$0x1];
	s2 =	srdreg.scid  }
0x3: {  	s6 =	stileid.u32;
	s5 =	rddreg [dreg:$0x2];
	s3 =	simm.s32 $0x0  }
0x4: {  	s18 =	simm.s32 $0x1;
	s2 =	sand.u32 $0x1, s2;
	s7 =	sshll.u32 s6, $0x1  }
0x5: {  	s22 =	simm.s32 $0x14600;
	s20 =	simm.s32 $0x2;
	s4 =	sor.u32 s2, s7  }
0x6: {  	s21 =	simm.s32 $0x16E00;
	s2 =	ssub.s32 $0x2, s2;
	s8 =	smul.u32 $0x28, s4  }
0x7: {  	[smem:$0x7FF] =	sst s3;
	p0 =	sne.s32 s6, $0x0;
	s9 =	sshrl.u32 s2, $0x1  }
.Ltmp0:
0x8: {  	s2 =	ssub.s32 s2, s9;
	s8 =	sadd.s32 s1, s8;
	(pc) =	sbr.rel .LBB2_1-.Ltmp0, $4  }
0x9: {  	_ =	strace $0x80000047;
	s2 =	smax.u32 s2, $0x1;
	[dreg:$0x4] =	wrdreg s8  }
0xa: {  	s8 =	sadd.s32 $0x500, s8;
	[dreg:$0x6] =	wrdreg s2;
	s2 =	simm.s32 @!p0 $0x0  }
0xb: {  	s5 =	sadd.s32 $0x800, s5;
	[dreg:$0x5] =	wrdreg s8;
	s2 =	simm.s32 @p0 $0x1  }
0xc: {  	s8 =	ssub.s32 $0x4E2, s7;
	s7 =	simm.s32 $0x0;
	[smem:$0x7FD] =	sst s2  }
.LBB2_19:
0xd: {  	s2 =	simm.s32 $0x5  }
0xe: {  	_ =	swait.ge [sflag:s2], $0x2800  }
0xf: {  	s31 =	sld [smem:$0x7FD];
	_ =	sdelay $0x2  }
0x10: {  	[sflag:s2] =	ssyncset.done $0x0;
	p1 =	seq.s32 s31, $0x1  }
0x11: {  	[sflag:s2] =	ssyncadd.s32 $0xFFFFD800;
	s2 =	simm.s32 @!p1 $0x6  }
0x12: {  	_ =	swait.ge @!p1 [sflag:s2], $0x2800  }
0x13: {  	s7 =	rddreg [dreg:$0x7]  }
0x14: {  	s6 =	rddreg [dreg:$0x6];
	s7 =	sadd.s32 $0x1, s7  }
0x15: {  	p0 =	sne.s32 s7, s6  }
.Ltmp1:
0x16: {  	_ = 	snop;
	(pc) =	sbr.rel @!p0 .LBB2_20-.Ltmp1, $3  }
0x17: {  	_ =	sdelay $0x1  }
0x18: {  	[sflag:s2] =	ssyncset.done @!p1 $0x0  }
0x19: {  	[sflag:s2] =	ssyncadd.s32 @!p1 $0xFFFFD800  }
.LBB2_1:
0x1a: {  	[dreg:$0x7] =	wrdreg s7  }
0x1b: {  	s2 =	rddreg [dreg:$0x4];
	s24 =	simm.s32 $0x3  }
0x1c: {  	[tilespmem:s3], [sflag:$0x3] =	stream.linear.gather [hbm4b:s2+s3], $0x140, $0x38;
	[tilespmem:$0x19600] =	vst v63  }
0x1d: {  	_ =	swait.ge [sflag:s24], $0x140  }
0x1e: {  	[sflag:s24] =	ssyncset.done $0x0  }
0x1f: {  	s16 =	simm.s32 $0x50;
	s6 =	simm.s32 $0x600;
	[sflag:s24] =	ssyncadd.s32 $0xFFFFFEC0  }
0x20: {  	[tilespmem:s6], [sflag:$0x1] =	stream.indirect.gather [hbm4b:s0+s16], $0x80, s3, s16, $0xb8;
	[tilespmem:$0x19600] =	vst v63  }
0x21: {  	s17 =	simm.s32 $0x2E00  }
0x22: {  	[tilespmem:s17], [sflag:$0x1] =	stream.indirect.gather [hbm4b:s0+s16], $0x80, s16, s16, $0xb8;
	[tilespmem:$0x19600] =	vst v63  }
0x23: {  	s19 =	simm.s32 $0xA0;
	s23 =	simm.s32 $0x5600  }
0x24: {  	[tilespmem:s23], [sflag:$0x1] =	stream.indirect.gather [hbm4b:s0+s16], $0x80, s19, s16, $0xb8;
	[tilespmem:$0x19600] =	vst v63  }
.Ltmp2:
0x25: {  	s25 =	simm.s32 $0xF0;
	s26 =	simm.s32 $0x7E00;
	(pc) =	sbr.rel .LBB2_2-.Ltmp2, $4  }
0x26: {  	s31 =	simm.s32 $0x180;
	s28 =	simm.s32 $0x0;
	s29 =	simm.s32 $0x0  }
0x27: {  	[tilespmem:s26], [sflag:$0x1] =	stream.indirect.gather [hbm4b:s0+s16], $0x80, s25, s16, $0xb8;
	[tilespmem:$0x19600] =	vst v63  }
0x28: {  	s30 =	rddreg [dreg:$0x5];
	s25 =	simm.s32 $0x2;
	s26 =	simm.s32 $0x1  }
0x29: {  	[tilespmem:s31], [sflag:$0x4] =	stream.linear.gather [hbm4b:s30+s3], $0x140, $0x38;
	[tilespmem:$0x19600] =	vst v63  }
.LBB2_18:
0x2a: {  	s29 =	sadd.s32 $0x1, s29  }
0x2b: {  	p0 =	sne.s32 s29, $0x14  }
.Ltmp3:
0x2c: {  	_ = 	snop;
	(pc) =	sbr.rel @!p0 .LBB2_19-.Ltmp3, $3  }
0x2d: {  	_ =	sdelay $0x1  }
0x2e: {  	s28 =	sadd.s32 $0x4, s28  }
0x2f: {  	s26 =	sadd.s32 $0x4, s26;
	s25 =	sadd.s32 $0x4, s25;
	s24 =	sadd.s32 $0x4, s24  }
.LBB2_2:
0x30: {  	p3 =	sgt.u32 s29, $0x9;
	s31 =	simm.s32 $0x7FFFFD8  }
0x31: {  	s12 =	sshll.u32 s29, $0x2;
	s31 =	simm.s32 @!p3 $0x0  }
0x32: {  	s2 =	sadd.s32 s12, s31  }
0x33: {  	s2 =	sshll.u32 s2, $0x5  }
0x34: {  	s11 =	sor.u32 s4, s2  }
0x35: {  	s13 =	sor.u32 $0x20, s11  }
0x36: {  	p1 =	sgt.u32 s13, $0x4E1  }
0x37: {  	s2 =	simm.s32 @!p1 $0x4  }
0x38: {  	_ =	swait.ge @!p1 [sflag:s2], $0x140  }
0x39: {  	s6 =	simm.s32 @!p1 $0x50;
	[sflag:s2] =	ssyncset.done @!p1 $0x0  }
0x3a: {  	s7 =	simm.s32 @!p1 $0xA600;
	[sflag:s2] =	ssyncadd.s32 @!p1 $0xFFFFFEC0;
	s2 =	simm.s32 @!p1 $0x180  }
0x3b: {  	[tilespmem:s7], [sflag:$0x2] =	stream.indirect.gather @!p1 [hbm4b:s0+s6], $0x80, s2, s6, $0xb8;
	[tilespmem:$0x19600] =	vst v63  }
0x3c: {  	s2 =	simm.s32 @!p1 $0x1D0;
	s7 =	simm.s32 @!p1 $0xCE00  }
0x3d: {  	[tilespmem:s7], [sflag:$0x2] =	stream.indirect.gather @!p1 [hbm4b:s0+s6], $0x80, s2, s6, $0xb8;
	[tilespmem:$0x19600] =	vst v63  }
0x3e: {  	s2 =	simm.s32 @!p1 $0x220;
	s7 =	simm.s32 @!p1 $0xF600  }
0x3f: {  	[tilespmem:s7], [sflag:$0x2] =	stream.indirect.gather @!p1 [hbm4b:s0+s6], $0x80, s2, s6, $0xb8;
	[tilespmem:$0x19600] =	vst v63  }
0x40: {  	s2 =	sadd.s32 $0x40, s11  }
0x41: {  	p2 =	sgt.u32 s2, $0x4E1  }
0x42: {  	p4 =	sgt.u32 @!p2 s29, $0x9  }
0x43: {  	s7 =	simm.s32 @!p2 $0x4E2;
	p4 =	por !p4, p2  }
0x44: {  	s7 =	simm.s32 @p4 $0x0  }
0x45: {  	s7 =	sadd.s32 @!p2 s7, s2  }
0x46: {  	s9 =	simm.s32 @!p1 $0x270;
	s10 =	simm.s32 @!p1 $0x11E00;
	s7 =	smul.u32 @!p2 $0x28, s7  }
0x47: {  	[tilespmem:s10], [sflag:$0x2] =	stream.indirect.gather @!p1 [hbm4b:s0+s6], $0x80, s9, s6, $0xb8;
	[tilespmem:$0x19600] =	vst v63  }
0x48: {  	s15 =	simm.s32 @!p2 $0x300;
	s6 =	sadd.s32 @!p2 s1, s7;
	s7 =	simm.s32 @!p2 $0x0  }
0x49: {  	[tilespmem:s15], [sflag:$0x3] =	stream.linear.gather @!p2 [hbm4b:s6+s7], $0x140, $0x38;
	[tilespmem:$0x19600] =	vst v63  }
0x4a: {  	p4 =	slt.u32 s29, $0xB;
	s6 =	simm.s32 $0x0  }
0x4b: {  	s6 =	simm.s32 @!p4 $0x7FFFFD8  }
0x4c: {  	s6 =	sadd.s32 s6, s12  }
0x4d: {  	s14 =	sshll.u32 s6, $0x5  }
0x4e: {  	p4 =	sgt.u32 s11, $0x4E1;
	s6 =	sadd.s32 $0xFFFFFFC0, s14  }
.Ltmp4:
0x4f: {  	p5 =	sge.u32 s6, s8;
	(pc) =	sbr.rel @p4 .LBB2_6-.Ltmp4, $4  }
0x50: {  	s6 =	simm.s32 @!p5 $0x5  }
0x51: {  	_ =	swait.ge @!p5 [sflag:s6], $0x2800  }
0x52: {  	s30 =	simm.s32 $0x186A0;
	[sflag:s6] =	ssyncset.done @!p5 $0x0  }
0x53: {  	s30 =	simm.s32 @!p3 $0x0;
	[sflag:s6] =	ssyncadd.s32 @!p5 $0xFFFFD800  }
0x54: {  	_ =	swait.ge [sflag:s18], $0x2800  }
0x55: {  	[sflag:s18] =	ssyncset.done $0x0  }
0x56: {  	[sflag:s18] =	ssyncadd.s32 $0xFFFFD800  }
0x57: {  	_ =	swait.ge [sflag:s18], $0x2800  }
0x58: {  	[sflag:s18] =	ssyncset.done $0x0  }
0x59: {  	[sflag:s18] =	ssyncadd.s32 $0xFFFFD800  }
0x5a: {  	_ =	swait.ge [sflag:s18], $0x2800  }
0x5b: {  	[sflag:s18] =	ssyncset.done $0x0  }
0x5c: {  	[sflag:s18] =	ssyncadd.s32 $0xFFFFD800  }
0x5d: {  	_ =	swait.ge [sflag:s18], $0x2800  }
0x5e: {  	[sflag:s18] =	ssyncset.done $0x0  }
0x5f: {  	s16 =	simm.s32 $0x0;
	[sflag:s18] =	ssyncadd.s32 $0xFFFFD800  }
0x60: {  	v0 =	vld [tilespmem:s16+$0x670]  }
0x61: {  	v1 =	vld [tilespmem:s16+$0x2E70]  }
0x62: {  	s6 =	sadd.s32 s28, s31;
	v2 =	vld [tilespmem:s16+$0x600]  }
0x63: {  	s6 =	sshll.u32 s6, $0x5;
	v3 =	vld [tilespmem:s16+$0x5670]  }
0x64: {  	s6 =	sor.u32 s6, s4;
	v4 =	vld [tilespmem:s16+$0x2E00]  }
0x65: {  	s6 =	smul.u32 $0x50, s6;
	v5 =	vld [tilespmem:s16+$0x7E70]  }
0x66: {  	v6 =	vld [tilespmem:s16+$0x610]  }
0x67: {  	s7 =	smulhi.u32 $0x51EB851F, s6;
	v7 =	vld [tilespmem:s16+$0x2E10]  }
0x68: {  	v8 =	vld [tilespmem:s16+$0x620]  }
0x69: {  	s7 =	sshrl.u32 s7, $0x7;
	v9 =	vld [tilespmem:s16+$0x630]  }
0x6a: {  	s10 =	simm.f32 $1.000000000e+00;
	s7 =	smul.u32 $0xFFFFFE70, s7;
	v10 =	vld [tilespmem:s16+$0x640]  }
0x6b: {  	s17 =	simm.f32 $1.000000000e+00;
	p3 =	sgt.u32 s6, $0x18F;
	p5 =	slt.u32 s6, $0x18510;
	v11 =	vld [tilespmem:s16+$0x650]  }
0x6c: {  	s10 =	simm.s32 @!p3 $0x0;
	s17 =	simm.s32 @!p5 $0x0;
	s7 =	sadd.s32 s7, s6;
	v12 =	vld [tilespmem:s16+$0x660]  }
0x6d: {  	s9 =	simm.f32 $0.0e+00;
	p3 =	seq.s32 s7, $0x0;
	v13 =	vld [tilespmem:s16+$0x2E60];
	v0 =	vmul.f32 s10, v0;
	v1 =	vmul.f32 s17, v1  }
0x6e: {  	s9 =	simm.s32 @!p3 $0x3F800000;
	v14 =	vld [tilespmem:s16+$0x5600]  }
0x6f: {  	p3 =	slt.u32 s7, $0x18F;
	s7 =	simm.f32 $1.000000000e+00;
	v15 =	vld [tilespmem:s16+$0x5610];
	v0 =	vadd.f32 v1, v0;
	v1 =	vmul.f32 s9, v3  }
0x70: {  	v16 =	vld [tilespmem:s16+$0x5620];
	s7 =	simm.s32 @!p3 $0x0  }
0x71: {  	v3 =	vld [tilespmem:s16+$0x2E20];
	v0 =	vadd.f32 v1, v0;
	v1 =	vmul.f32 s7, v5  }
0x72: {  	v5 =	vld [tilespmem:s16+$0x2E30]  }
0x73: {  	v2 =	vmul.f32 s10, v2;
	v4 =	vmul.f32 s17, v4;
	v0 =	vadd.f32 v1, v0;
	v1 =	vld [tilespmem:s16+$0x2E40]  }
0x74: {  	v17 =	vld [tilespmem:s16+$0x5630];
	v6 =	vmul.f32 s10, v6;
	v7 =	vmul.f32 s17, v7  }
0x75: {  	v8 =	vmul.f32 s10, v8;
	v2 =	vadd.f32 v4, v2;
	v4 =	vmul.f32 s10, v9;
	[tilespmem:s16+$0x14670] =	vst v0;
	v0 =	vld [tilespmem:s16+$0x2E50]  }
0x76: {  	v18 =	vld [tilespmem:s16+$0x5650];
	v6 =	vadd.f32 v7, v6;
	v7 =	vmul.f32 s10, v10;
	v3 =	vmul.f32 s17, v3  }
0x77: {  	v9 =	vld [tilespmem:s16+$0x5640];
	v10 =	vmul.f32 s17, v13;
	v5 =	vmul.f32 s17, v5  }
0x78: {  	v3 =	vadd.f32 v3, v8;
	v8 =	vmul.f32 s10, v11;
	v11 =	vld [tilespmem:s16+$0x5660];
	v1 =	vmul.f32 s17, v1  }
0x79: {  	v13 =	vmul.f32 s9, v15;
	v4 =	vadd.f32 v5, v4;
	v5 =	vmul.f32 s10, v12;
	v12 =	vld [tilespmem:s16+$0x7E00]  }
0x7a: {  	v0 =	vmul.f32 s17, v0;
	v1 =	vadd.f32 v1, v7;
	v7 =	vmul.f32 s9, v14;
	v14 =	vld [tilespmem:s16+$0x7E10]  }
0x7b: {  	v63 =	vld [tilespmem:s16+$0x7E20];
	v6 =	vadd.f32 v13, v6;
	v15 =	vadd.f32 v10, v5;
	v5 =	vmul.f32 s9, v16  }
0x7c: {  	v10 =	vld [tilespmem:s16+$0x7E30];
	v0 =	vadd.f32 v0, v8;
	v19 =	vadd.f32 v7, v2;
	v2 =	vmul.f32 s9, v17  }
0x7d: {  	v5 =	vadd.f32 v5, v3;
	v3 =	vmul.f32 s9, v9;
	v7 =	vmul.f32 s9, v18;
	v9 =	vld [tilespmem:s16+$0x7E40]  }
0x7e: {  	s6 =	sadd.s32 $0x1, s6;
	v8 =	vld [tilespmem:s16+$0x7E50];
	v12 =	vmul.f32 s7, v12;
	v4 =	vadd.f32 v2, v4;
	v2 =	vmul.f32 s9, v11  }
0x7f: {  	s10 =	smulhi.u32 $0x51EB851F, s6;
	v3 =	vadd.f32 v3, v1;
	v1 =	vadd.f32 v7, v0;
	s9 =	simm.s32 $0x80;
	v7 =	vld [tilespmem:s16+$0x7E60];
	v11 =	vmul.f32 s7, v14  }
0x80: {  	s22 =	simm.s32 $0x400;
	s17 =	smul.u32 $0x50, s11;
	v13 =	vadd.f32 v12, v19;
	v12 =	vmul.f32 s7, v63;
	v0 =	vadd.f32 v2, v15;
	v2 =	vld [tilespmem:s9+$0x670]  }
.LBB2_4:
0x81: {  	p3 =	sne.s32 s22, $0x9E00;
	v14 =	vld [tilespmem:s9+$0x2E70];
	v6 =	vadd.f32 v11, v6;
	v10 =	vmul.f32 s7, v10  }
0x82: {  	s10 =	sshrl.u32 s10, $0x7;
	v11 =	vld [tilespmem:s9+$0x600];
	[tilespmem:s16+$0x14600] =	vst v13;
	v5 =	vadd.f32 v12, v5;
	v9 =	vmul.f32 s7, v9  }
0x83: {  	p5 =	sgt.u32 s6, $0x18F;
	s10 =	smul.u32 $0xFFFFFE70, s10;
	v12 =	vld [tilespmem:s9+$0x5670];
	[tilespmem:s16+$0x14610] =	vst v6;
	v4 =	vadd.f32 v10, v4;
	v6 =	vmul.f32 s7, v8  }
0x84: {  	p6 =	slt.u32 s6, $0x18510;
	s19 =	simm.f32 $1.000000000e+00;
	s23 =	simm.f32 $1.000000000e+00;
	v8 =	vld [tilespmem:s9+$0x2E00];
	[tilespmem:s16+$0x14620] =	vst v5;
	v3 =	vadd.f32 v9, v3;
	v5 =	vmul.f32 s7, v7  }
0x85: {  	s19 =	simm.s32 @!p5 $0x0;
	s23 =	simm.s32 @!p6 $0x0;
	s7 =	sadd.s32 s10, s6;
	v7 =	vld [tilespmem:s9+$0x7E70];
	[tilespmem:s16+$0x14630] =	vst v4;
	v1 =	vadd.f32 v6, v1  }
0x86: {  	v2 =	vmul.f32 s19, v2;
	s10 =	simm.f32 $0.0e+00;
	p5 =	seq.s32 s7, $0x0;
	v4 =	vld [tilespmem:s9+$0x610];
	v6 =	vmul.f32 s23, v14;
	[tilespmem:s16+$0x14640] =	vst v3;
	v0 =	vadd.f32 v5, v0  }
0x87: {  	s10 =	simm.s32 @!p5 $0x3F800000;
	v3 =	vmul.f32 s19, v11;
	v5 =	vld [tilespmem:s9+$0x2E10];
	[tilespmem:s16+$0x14650] =	vst v1  }
0x88: {  	p5 =	slt.u32 s7, $0x18F;
	s7 =	simm.f32 $1.000000000e+00;
	v1 =	vld [tilespmem:s9+$0x620];
	v2 =	vadd.f32 v6, v2;
	v6 =	vmul.f32 s10, v12;
	[tilespmem:s16+$0x14660] =	vst v0;
	s16 =	smov.u32 s9  }
0x89: {  	s7 =	simm.s32 @!p5 $0x0;
	v0 =	vmul.f32 s23, v8;
	v8 =	vld [tilespmem:s16+$0x2E20]  }
0x8a: {  	v9 =	vld [tilespmem:s16+$0x630];
	v2 =	vadd.f32 v6, v2;
	v6 =	vmul.f32 s7, v7  }
0x8b: {  	v0 =	vadd.f32 v0, v3;
	v3 =	vmul.f32 s19, v4;
	v4 =	vld [tilespmem:s16+$0x2E30]  }
0x8c: {  	v5 =	vmul.f32 s23, v5;
	v7 =	vld [tilespmem:s16+$0x640];
	v2 =	vadd.f32 v6, v2  }
0x8d: {  	v1 =	vmul.f32 s19, v1;
	v6 =	vld [tilespmem:s16+$0x2E40]  }
0x8e: {  	v3 =	vadd.f32 v5, v3;
	v5 =	vmul.f32 s23, v8;
	v8 =	vld [tilespmem:s16+$0x650];
	[tilespmem:s16+$0x14670] =	vst v2  }
0x8f: {  	v2 =	vmul.f32 s19, v9;
	v9 =	vld [tilespmem:s16+$0x2E50]  }
0x90: {  	v1 =	vadd.f32 v5, v1;
	v4 =	vmul.f32 s23, v4;
	v5 =	vld [tilespmem:s16+$0x660]  }
0x91: {  	v7 =	vmul.f32 s19, v7;
	v10 =	vld [tilespmem:s16+$0x2E60]  }
0x92: {  	v11 =	vld [tilespmem:s16+$0x5600];
	v2 =	vadd.f32 v4, v2;
	v4 =	vmul.f32 s23, v6  }
0x93: {  	v6 =	vld [tilespmem:s16+$0x5610];
	v8 =	vmul.f32 s19, v8  }
0x94: {  	v12 =	vld [tilespmem:s16+$0x5620];
	v7 =	vadd.f32 v4, v7;
	v4 =	vmul.f32 s23, v9  }
0x95: {  	v9 =	vld [tilespmem:s16+$0x5630];
	v5 =	vmul.f32 s19, v5  }
0x96: {  	v13 =	vld [tilespmem:s16+$0x5640];
	v8 =	vadd.f32 v4, v8;
	v4 =	vmul.f32 s23, v10  }
0x97: {  	v10 =	vmul.f32 s10, v11;
	v11 =	vld [tilespmem:s16+$0x5650]  }
0x98: {  	v6 =	vmul.f32 s10, v6;
	v14 =	vadd.f32 v4, v5;
	v15 =	vld [tilespmem:s16+$0x5660]  }
0x99: {  	v16 =	vadd.f32 v10, v0;
	v0 =	vld [tilespmem:s16+$0x7E00];
	v4 =	vmul.f32 s10, v12  }
0x9a: {  	v6 =	vadd.f32 v6, v3;
	v12 =	vld [tilespmem:s16+$0x7E10];
	v3 =	vmul.f32 s10, v9  }
0x9b: {  	v5 =	vadd.f32 v4, v1;
	v17 =	vld [tilespmem:s16+$0x7E20];
	v1 =	vmul.f32 s10, v13  }
.Ltmp5:
0x9c: {  	v4 =	vadd.f32 v3, v2;
	v10 =	vld [tilespmem:s16+$0x7E30];
	v2 =	vmul.f32 s10, v11;
	(pc) =	sbr.rel @p3 .LBB2_4-.Ltmp5, $4  }
0x9d: {  	v3 =	vadd.f32 v1, v7;
	v9 =	vld [tilespmem:s16+$0x7E40];
	v7 =	vmul.f32 s10, v15  }
0x9e: {  	v13 =	vmul.f32 s7, v0;
	v1 =	vadd.f32 v2, v8;
	v8 =	vld [tilespmem:s16+$0x7E50]  }
0x9f: {  	s6 =	sadd.s32 $0x1, s6;
	s9 =	sshra.s32 s22, $0x2;
	v11 =	vmul.f32 s7, v12;
	v0 =	vadd.f32 v7, v14;
	v7 =	vld [tilespmem:s16+$0x7E60]  }
0xa0: {  	s22 =	sadd.s32 $0x200, s22;
	s10 =	smulhi.u32 $0x51EB851F, s6;
	v2 =	vld [tilespmem:s9+$0x670];
	v13 =	vadd.f32 v13, v16;
	v12 =	vmul.f32 s7, v17  }
0xa1: {  	v14 =	vld [tilespmem:s9+$0x2E70];
	v6 =	vadd.f32 v11, v6;
	v10 =	vmul.f32 s7, v10  }
0xa2: {  	v15 =	vld [tilespmem:s9+$0x600];
	[tilespmem:s16+$0x14600] =	vst v13;
	v5 =	vadd.f32 v12, v5;
	v9 =	vmul.f32 s7, v9  }
0xa3: {  	v19 =	vld [tilespmem:s9+$0x5670];
	[tilespmem:s16+$0x14610] =	vst v6;
	v4 =	vadd.f32 v10, v4;
	v8 =	vmul.f32 s7, v8  }
0xa4: {  	v6 =	vld [tilespmem:s9+$0x2E00];
	[tilespmem:s16+$0x14620] =	vst v5;
	v3 =	vadd.f32 v9, v3;
	v7 =	vmul.f32 s7, v7  }
0xa5: {  	v5 =	vld [tilespmem:s9+$0x7E70];
	[tilespmem:s16+$0x14630] =	vst v4;
	v1 =	vadd.f32 v8, v1  }
0xa6: {  	v4 =	vld [tilespmem:s9+$0x610];
	[tilespmem:s16+$0x14640] =	vst v3;
	v0 =	vadd.f32 v7, v0  }
0xa7: {  	v3 =	vld [tilespmem:s9+$0x2E10];
	[tilespmem:s16+$0x14650] =	vst v1  }
0xa8: {  	v22 =	vld [tilespmem:s9+$0x620];
	[tilespmem:s16+$0x14660] =	vst v0  }
0xa9: {  	v25 =	vld [tilespmem:s9+$0x2E20]  }
0xaa: {  	v26 =	vld [tilespmem:s9+$0x630]  }
0xab: {  	v28 =	vld [tilespmem:s9+$0x2E30]  }
0xac: {  	s10 =	sshrl.u32 s10, $0x7;
	v29 =	vld [tilespmem:s9+$0x640]  }
0xad: {  	p3 =	sgt.u32 s6, $0x18F;
	s10 =	smul.u32 $0xFFFFFE70, s10;
	v30 =	vld [tilespmem:s9+$0x2E40]  }
0xae: {  	p5 =	slt.u32 s6, $0x18510;
	s19 =	simm.f32 $1.000000000e+00;
	s22 =	simm.f32 $1.000000000e+00;
	v31 =	vld [tilespmem:s9+$0x650]  }
0xaf: {  	s19 =	simm.s32 @!p3 $0x0;
	s22 =	simm.s32 @!p5 $0x0;
	s10 =	sadd.s32 s10, s6;
	v32 =	vld [tilespmem:s9+$0x2E50]  }
0xb0: {  	s7 =	simm.f32 $0.0e+00;
	v20 =	vmul.f32 s19, v2;
	p3 =	seq.s32 s10, $0x0;
	v21 =	vmul.f32 s22, v14;
	v33 =	vld [tilespmem:s9+$0x660]  }
0xb1: {  	s6 =	simm.f32 $1.000000000e+00;
	s7 =	simm.s32 @!p3 $0x3F800000;
	p3 =	slt.u32 s10, $0x18F;
	v34 =	vld [tilespmem:s9+$0x2E60]  }
0xb2: {  	v15 =	vmul.f32 s19, v15;
	v23 =	vadd.f32 v21, v20;
	v24 =	vmul.f32 s7, v19;
	s6 =	simm.s32 @!p3 $0x0;
	v13 =	vld [tilespmem:s9+$0x5600]  }
0xb3: {  	v35 =	vld [tilespmem:s9+$0x5610];
	v6 =	vmul.f32 s22, v6;
	v27 =	vmul.f32 s6, v5  }
0xb4: {  	v16 =	vld [tilespmem:s9+$0x5620];
	v0 =	vadd.f32 v24, v23;
	v4 =	vmul.f32 s19, v4;
	v3 =	vmul.f32 s22, v3  }
0xb5: {  	v17 =	vld [tilespmem:s9+$0x5630];
	v7 =	vmul.f32 s19, v22;
	v2 =	vmul.f32 s22, v25  }
0xb6: {  	v18 =	vld [tilespmem:s9+$0x5640];
	v0 =	vadd.f32 v27, v0;
	v8 =	vmul.f32 s19, v26;
	v5 =	vmul.f32 s22, v28  }
0xb7: {  	v38 =	vld [tilespmem:s9+$0x7E00];
	v9 =	vmul.f32 s19, v29;
	v1 =	vmul.f32 s22, v30  }
0xb8: {  	v41 =	vld [tilespmem:s9+$0x7E10];
	[tilespmem:s9+$0x14670] =	vst v0;
	v37 =	vmul.f32 s19, v31;
	v0 =	vmul.f32 s22, v32  }
0xb9: {  	v43 =	vld [tilespmem:s9+$0x7E20];
	v39 =	vmul.f32 s19, v33;
	v40 =	vmul.f32 s22, v34  }
0xba: {  	v19 =	vld [tilespmem:s9+$0x5650];
	v6 =	vadd.f32 v6, v15;
	v42 =	vmul.f32 s7, v13;
	v44 =	vmul.f32 s7, v35  }
0xbb: {  	v45 =	vld [tilespmem:s9+$0x7E30];
	v3 =	vadd.f32 v3, v4;
	v46 =	vmul.f32 s7, v16;
	v47 =	vmul.f32 s7, v17  }
0xbc: {  	v36 =	vld [tilespmem:s9+$0x5660];
	v49 =	vmul.f32 s7, v18;
	v10 =	vmul.f32 s6, v38;
	v2 =	vadd.f32 v2, v7  }
0xbd: {  	v48 =	vld [tilespmem:s9+$0x7E40];
	v51 =	vmul.f32 s6, v41;
	v5 =	vadd.f32 v5, v8;
	v1 =	vadd.f32 v1, v9  }
0xbe: {  	v50 =	vld [tilespmem:s9+$0x7E50];
	v54 =	vmul.f32 s6, v43;
	v0 =	vadd.f32 v0, v37;
	v6 =	vadd.f32 v42, v6  }
0xbf: {  	v52 =	vld [tilespmem:s9+$0x7E60];
	v55 =	vmul.f32 s7, v19;
	v7 =	vadd.f32 v40, v39;
	v3 =	vadd.f32 v44, v3  }
0xc0: {  	v56 =	vmul.f32 s6, v45;
	v2 =	vadd.f32 v46, v2;
	v53 =	vadd.f32 v10, v6  }
0xc1: {  	v57 =	vmul.f32 s7, v36;
	v5 =	vadd.f32 v47, v5;
	v3 =	vadd.f32 v51, v3  }
0xc2: {  	v58 =	vmul.f32 s6, v48;
	v1 =	vadd.f32 v49, v1;
	[tilespmem:s9+$0x14600] =	vst v53;
	v2 =	vadd.f32 v54, v2  }
0xc3: {  	v60 =	vmul.f32 s6, v50;
	v0 =	vadd.f32 v55, v0;
	[tilespmem:s9+$0x14610] =	vst v3;
	v59 =	vadd.f32 v56, v5  }
0xc4: {  	v62 =	vmul.f32 s6, v52;
	v61 =	vadd.f32 v57, v7;
	v1 =	vadd.f32 v58, v1;
	[tilespmem:s9+$0x14620] =	vst v2  }
0xc5: {  	v0 =	vadd.f32 v60, v0;
	[tilespmem:s9+$0x14630] =	vst v59  }
0xc6: {  	s23 =	sadd.s32 s30, s17;
	v63 =	vadd.f32 v62, v61;
	[tilespmem:s9+$0x14640] =	vst v1  }
0xc7: {  	s6 =	sshll.u32 s23, $0x4;
	[tilespmem:s9+$0x14650] =	vst v0  }
0xc8: {  	s22 =	simm.s32 $0x14600;
	s6 =	sadd.s32 s5, s6;
	[tilespmem:s9+$0x14660] =	vst v63  }
0xc9: {  	[hbm4b:s6+s3] =	stream.linear.scatter [tilespmem:s22], [sflag:$0x5], $0x2800, $0x38;
	[tilespmem:$0x19600] =	vst v63  }
.LBB2_6:
0xca: {  	s6 =	simm.s32 @!p2 $0x3  }
0xcb: {  	_ =	swait.ge @!p2 [sflag:s6], $0x140  }
0xcc: {  	s7 =	simm.s32 @!p2 $0x600;
	[sflag:s6] =	ssyncset.done @!p2 $0x0  }
0xcd: {  	s11 =	sadd.s32 $0x60, s11;
	[sflag:s6] =	ssyncadd.s32 @!p2 $0xFFFFFEC0;
	s6 =	simm.s32 @!p2 $0x50  }
0xce: {  	[tilespmem:s7], [sflag:$0x1] =	stream.indirect.gather @!p2 [hbm4b:s0+s6], $0x80, s15, s6, $0xb8;
	[tilespmem:$0x19600] =	vst v63  }
0xcf: {  	s9 =	simm.s32 @!p2 $0x2E00;
	p3 =	sgt.u32 s11, $0x4E1;
	s7 =	simm.s32 @!p2 $0x350  }
0xd0: {  	[tilespmem:s9], [sflag:$0x1] =	stream.indirect.gather @!p2 [hbm4b:s0+s6], $0x80, s7, s6, $0xb8;
	[tilespmem:$0x19600] =	vst v63  }
0xd1: {  	p5 =	sgt.u32 @!p3 s29, $0x9;
	s7 =	simm.s32 @!p2 $0x3A0;
	s9 =	simm.s32 @!p2 $0x5600  }
0xd2: {  	[tilespmem:s9], [sflag:$0x1] =	stream.indirect.gather @!p2 [hbm4b:s0+s6], $0x80, s7, s6, $0xb8;
	[tilespmem:$0x19600] =	vst v63  }
0xd3: {  	p5 =	por !p5, p3;
	s7 =	simm.s32 @!p3 $0x4E2  }
0xd4: {  	s7 =	simm.s32 @p5 $0x0  }
0xd5: {  	s10 =	simm.s32 @!p2 $0x7E00;
	s7 =	sadd.s32 @!p3 s7, s11  }
0xd6: {  	s23 =	sadd.s32 $0xFFFFFFE0, s14;
	s9 =	simm.s32 @!p2 $0x3F0;
	s7 =	smul.u32 @!p3 $0x28, s7  }
0xd7: {  	[tilespmem:s10], [sflag:$0x1] =	stream.indirect.gather @!p2 [hbm4b:s0+s6], $0x80, s9, s6, $0xb8;
	[tilespmem:$0x19600] =	vst v63  }
0xd8: {  	s15 =	simm.s32 @!p3 $0x480;
	s6 =	sadd.s32 @!p3 s1, s7;
	s7 =	simm.s32 @!p3 $0x0  }
0xd9: {  	[tilespmem:s15], [sflag:$0x4] =	stream.linear.gather @!p3 [hbm4b:s6+s7], $0x140, $0x38;
	[tilespmem:$0x19600] =	vst v63  }
.Ltmp6:
0xda: {  	p5 =	sge.u32 s23, s8;
	(pc) =	sbr.rel @p1 .LBB2_10-.Ltmp6, $4  }
0xdb: {  	s6 =	simm.s32 @!p5 $0x6  }
0xdc: {  	_ =	swait.ge @!p5 [sflag:s6], $0x2800  }
0xdd: {  	[sflag:s6] =	ssyncset.done @!p5 $0x0  }
0xde: {  	[sflag:s6] =	ssyncadd.s32 @!p5 $0xFFFFD800  }
0xdf: {  	_ =	swait.ge [sflag:s20], $0x2800  }
0xe0: {  	[sflag:s20] =	ssyncset.done $0x0  }
0xe1: {  	[sflag:s20] =	ssyncadd.s32 $0xFFFFD800  }
0xe2: {  	_ =	swait.ge [sflag:s20], $0x2800  }
0xe3: {  	[sflag:s20] =	ssyncset.done $0x0  }
0xe4: {  	[sflag:s20] =	ssyncadd.s32 $0xFFFFD800  }
0xe5: {  	_ =	swait.ge [sflag:s20], $0x2800  }
0xe6: {  	[sflag:s20] =	ssyncset.done $0x0  }
0xe7: {  	[sflag:s20] =	ssyncadd.s32 $0xFFFFD800  }
0xe8: {  	_ =	swait.ge [sflag:s20], $0x2800  }
0xe9: {  	[sflag:s20] =	ssyncset.done $0x0  }
0xea: {  	s14 =	simm.s32 $0x0;
	[sflag:s20] =	ssyncadd.s32 $0xFFFFD800  }
0xeb: {  	v0 =	vld [tilespmem:s14+$0xA670]  }
0xec: {  	v1 =	vld [tilespmem:s14+$0xCE70]  }
0xed: {  	s6 =	sadd.s32 s26, s31;
	v2 =	vld [tilespmem:s14+$0xA600]  }
0xee: {  	s6 =	sshll.u32 s6, $0x5;
	v3 =	vld [tilespmem:s14+$0xF670]  }
0xef: {  	s6 =	sor.u32 s6, s4;
	v4 =	vld [tilespmem:s14+$0xCE00]  }
0xf0: {  	s6 =	smul.u32 $0x50, s6;
	v5 =	vld [tilespmem:s14+$0x11E70]  }
0xf1: {  	v6 =	vld [tilespmem:s14+$0xA610]  }
0xf2: {  	s7 =	smulhi.u32 $0x51EB851F, s6;
	v7 =	vld [tilespmem:s14+$0xCE10]  }
0xf3: {  	v8 =	vld [tilespmem:s14+$0xA620]  }
0xf4: {  	s7 =	sshrl.u32 s7, $0x7;
	v9 =	vld [tilespmem:s14+$0xA630]  }
0xf5: {  	s10 =	simm.f32 $1.000000000e+00;
	s7 =	smul.u32 $0xFFFFFE70, s7;
	v10 =	vld [tilespmem:s14+$0xA640]  }
0xf6: {  	s16 =	simm.f32 $1.000000000e+00;
	p5 =	sgt.u32 s6, $0x18F;
	p6 =	slt.u32 s6, $0x18510;
	v11 =	vld [tilespmem:s14+$0xA650]  }
0xf7: {  	s10 =	simm.s32 @!p5 $0x0;
	s16 =	simm.s32 @!p6 $0x0;
	s7 =	sadd.s32 s7, s6;
	v12 =	vld [tilespmem:s14+$0xA660]  }
0xf8: {  	s9 =	simm.f32 $0.0e+00;
	p5 =	seq.s32 s7, $0x0;
	v13 =	vld [tilespmem:s14+$0xCE60];
	v0 =	vmul.f32 s10, v0;
	v1 =	vmul.f32 s16, v1  }
0xf9: {  	s9 =	simm.s32 @!p5 $0x3F800000;
	v14 =	vld [tilespmem:s14+$0xF600]  }
0xfa: {  	p5 =	slt.u32 s7, $0x18F;
	s7 =	simm.f32 $1.000000000e+00;
	v15 =	vld [tilespmem:s14+$0xF610];
	v0 =	vadd.f32 v1, v0;
	v1 =	vmul.f32 s9, v3  }
0xfb: {  	v16 =	vld [tilespmem:s14+$0xF620];
	s7 =	simm.s32 @!p5 $0x0  }
0xfc: {  	v3 =	vld [tilespmem:s14+$0xCE20];
	v0 =	vadd.f32 v1, v0;
	v1 =	vmul.f32 s7, v5  }
0xfd: {  	v5 =	vld [tilespmem:s14+$0xCE30]  }
0xfe: {  	v2 =	vmul.f32 s10, v2;
	v4 =	vmul.f32 s16, v4;
	v0 =	vadd.f32 v1, v0;
	v1 =	vld [tilespmem:s14+$0xCE40]  }
0xff: {  	v17 =	vld [tilespmem:s14+$0xF630];
	v6 =	vmul.f32 s10, v6;
	v7 =	vmul.f32 s16, v7  }
0x100: {  	v8 =	vmul.f32 s10, v8;
	v2 =	vadd.f32 v4, v2;
	v4 =	vmul.f32 s10, v9;
	[tilespmem:s14+$0x16E70] =	vst v0;
	v0 =	vld [tilespmem:s14+$0xCE50]  }
0x101: {  	v18 =	vld [tilespmem:s14+$0xF650];
	v6 =	vadd.f32 v7, v6;
	v7 =	vmul.f32 s10, v10;
	v3 =	vmul.f32 s16, v3  }
0x102: {  	v9 =	vld [tilespmem:s14+$0xF640];
	v10 =	vmul.f32 s16, v13;
	v5 =	vmul.f32 s16, v5  }
0x103: {  	v3 =	vadd.f32 v3, v8;
	v8 =	vmul.f32 s10, v11;
	v11 =	vld [tilespmem:s14+$0xF660];
	v1 =	vmul.f32 s16, v1  }
0x104: {  	v13 =	vmul.f32 s9, v15;
	v4 =	vadd.f32 v5, v4;
	v5 =	vmul.f32 s10, v12;
	v12 =	vld [tilespmem:s14+$0x11E00]  }
0x105: {  	v0 =	vmul.f32 s16, v0;
	v1 =	vadd.f32 v1, v7;
	v7 =	vmul.f32 s9, v14;
	v14 =	vld [tilespmem:s14+$0x11E10]  }
0x106: {  	v63 =	vld [tilespmem:s14+$0x11E20];
	v6 =	vadd.f32 v13, v6;
	v15 =	vadd.f32 v10, v5;
	v5 =	vmul.f32 s9, v16  }
0x107: {  	v10 =	vld [tilespmem:s14+$0x11E30];
	v0 =	vadd.f32 v0, v8;
	v19 =	vadd.f32 v7, v2;
	v2 =	vmul.f32 s9, v17  }
0x108: {  	v5 =	vadd.f32 v5, v3;
	v3 =	vmul.f32 s9, v9;
	v7 =	vmul.f32 s9, v18;
	v9 =	vld [tilespmem:s14+$0x11E40]  }
0x109: {  	v8 =	vld [tilespmem:s14+$0x11E50];
	v12 =	vmul.f32 s7, v12;
	v4 =	vadd.f32 v2, v4;
	v2 =	vmul.f32 s9, v11  }
0x10a: {  	s13 =	smul.u32 $0x50, s13;
	s6 =	sadd.s32 $0x1, s6;
	v3 =	vadd.f32 v3, v1;
	v1 =	vadd.f32 v7, v0;
	s9 =	simm.s32 $0x80;
	v7 =	vld [tilespmem:s14+$0x11E60];
	v11 =	vmul.f32 s7, v14  }
0x10b: {  	s10 =	smulhi.u32 $0x51EB851F, s6;
	s16 =	simm.s32 $0x400;
	v13 =	vadd.f32 v12, v19;
	v12 =	vmul.f32 s7, v63;
	v0 =	vadd.f32 v2, v15;
	v2 =	vld [tilespmem:s9+$0xA670]  }
.LBB2_8:
0x10c: {  	p5 =	sne.s32 s16, $0x9E00;
	v14 =	vld [tilespmem:s9+$0xCE70];
	v6 =	vadd.f32 v11, v6;
	v10 =	vmul.f32 s7, v10  }
0x10d: {  	s10 =	sshrl.u32 s10, $0x7;
	v11 =	vld [tilespmem:s9+$0xA600];
	[tilespmem:s14+$0x16E00] =	vst v13;
	v5 =	vadd.f32 v12, v5;
	v9 =	vmul.f32 s7, v9  }
0x10e: {  	p6 =	sgt.u32 s6, $0x18F;
	s10 =	smul.u32 $0xFFFFFE70, s10;
	v12 =	vld [tilespmem:s9+$0xF670];
	[tilespmem:s14+$0x16E10] =	vst v6;
	v4 =	vadd.f32 v10, v4;
	v6 =	vmul.f32 s7, v8  }
0x10f: {  	p0 =	slt.u32 s6, $0x18510;
	s19 =	simm.f32 $1.000000000e+00;
	s17 =	simm.f32 $1.000000000e+00;
	v8 =	vld [tilespmem:s9+$0xCE00];
	[tilespmem:s14+$0x16E20] =	vst v5;
	v3 =	vadd.f32 v9, v3;
	v5 =	vmul.f32 s7, v7  }
0x110: {  	s19 =	simm.s32 @!p6 $0x0;
	s17 =	simm.s32 @!p0 $0x0;
	s7 =	sadd.s32 s10, s6;
	v7 =	vld [tilespmem:s9+$0x11E70];
	[tilespmem:s14+$0x16E30] =	vst v4;
	v1 =	vadd.f32 v6, v1  }
0x111: {  	v2 =	vmul.f32 s19, v2;
	s10 =	simm.f32 $0.0e+00;
	p0 =	seq.s32 s7, $0x0;
	v4 =	vld [tilespmem:s9+$0xA610];
	v6 =	vmul.f32 s17, v14;
	[tilespmem:s14+$0x16E40] =	vst v3;
	v0 =	vadd.f32 v5, v0  }
0x112: {  	s10 =	simm.s32 @!p0 $0x3F800000;
	v3 =	vmul.f32 s19, v11;
	v5 =	vld [tilespmem:s9+$0xCE10];
	[tilespmem:s14+$0x16E50] =	vst v1  }
0x113: {  	p0 =	slt.u32 s7, $0x18F;
	s7 =	simm.f32 $1.000000000e+00;
	v1 =	vld [tilespmem:s9+$0xA620];
	v2 =	vadd.f32 v6, v2;
	v6 =	vmul.f32 s10, v12;
	[tilespmem:s14+$0x16E60] =	vst v0;
	s14 =	smov.u32 s9  }
0x114: {  	s7 =	simm.s32 @!p0 $0x0;
	v0 =	vmul.f32 s17, v8;
	v8 =	vld [tilespmem:s14+$0xCE20]  }
0x115: {  	v9 =	vld [tilespmem:s14+$0xA630];
	v2 =	vadd.f32 v6, v2;
	v6 =	vmul.f32 s7, v7  }
0x116: {  	v0 =	vadd.f32 v0, v3;
	v3 =	vmul.f32 s19, v4;
	v4 =	vld [tilespmem:s14+$0xCE30]  }
0x117: {  	v5 =	vmul.f32 s17, v5;
	v7 =	vld [tilespmem:s14+$0xA640];
	v2 =	vadd.f32 v6, v2  }
0x118: {  	v1 =	vmul.f32 s19, v1;
	v6 =	vld [tilespmem:s14+$0xCE40]  }
0x119: {  	v3 =	vadd.f32 v5, v3;
	v5 =	vmul.f32 s17, v8;
	v8 =	vld [tilespmem:s14+$0xA650];
	[tilespmem:s14+$0x16E70] =	vst v2  }
0x11a: {  	v2 =	vmul.f32 s19, v9;
	v9 =	vld [tilespmem:s14+$0xCE50]  }
0x11b: {  	v1 =	vadd.f32 v5, v1;
	v4 =	vmul.f32 s17, v4;
	v5 =	vld [tilespmem:s14+$0xA660]  }
0x11c: {  	v7 =	vmul.f32 s19, v7;
	v10 =	vld [tilespmem:s14+$0xCE60]  }
0x11d: {  	v11 =	vld [tilespmem:s14+$0xF600];
	v2 =	vadd.f32 v4, v2;
	v4 =	vmul.f32 s17, v6  }
0x11e: {  	v6 =	vld [tilespmem:s14+$0xF610];
	v8 =	vmul.f32 s19, v8  }
0x11f: {  	v12 =	vld [tilespmem:s14+$0xF620];
	v7 =	vadd.f32 v4, v7;
	v4 =	vmul.f32 s17, v9  }
0x120: {  	v9 =	vld [tilespmem:s14+$0xF630];
	v5 =	vmul.f32 s19, v5  }
0x121: {  	v13 =	vld [tilespmem:s14+$0xF640];
	v8 =	vadd.f32 v4, v8;
	v4 =	vmul.f32 s17, v10  }
0x122: {  	v10 =	vmul.f32 s10, v11;
	v11 =	vld [tilespmem:s14+$0xF650]  }
0x123: {  	v6 =	vmul.f32 s10, v6;
	v14 =	vadd.f32 v4, v5;
	v15 =	vld [tilespmem:s14+$0xF660]  }
0x124: {  	v16 =	vadd.f32 v10, v0;
	v0 =	vld [tilespmem:s14+$0x11E00];
	v4 =	vmul.f32 s10, v12  }
0x125: {  	v6 =	vadd.f32 v6, v3;
	v12 =	vld [tilespmem:s14+$0x11E10];
	v3 =	vmul.f32 s10, v9  }
0x126: {  	v5 =	vadd.f32 v4, v1;
	v17 =	vld [tilespmem:s14+$0x11E20];
	v1 =	vmul.f32 s10, v13  }
.Ltmp7:
0x127: {  	v4 =	vadd.f32 v3, v2;
	v10 =	vld [tilespmem:s14+$0x11E30];
	v2 =	vmul.f32 s10, v11;
	(pc) =	sbr.rel @p5 .LBB2_8-.Ltmp7, $4  }
0x128: {  	v3 =	vadd.f32 v1, v7;
	v9 =	vld [tilespmem:s14+$0x11E40];
	v7 =	vmul.f32 s10, v15  }
0x129: {  	v13 =	vmul.f32 s7, v0;
	v1 =	vadd.f32 v2, v8;
	v8 =	vld [tilespmem:s14+$0x11E50]  }
0x12a: {  	s6 =	sadd.s32 $0x1, s6;
	s9 =	sshra.s32 s16, $0x2;
	v11 =	vmul.f32 s7, v12;
	v0 =	vadd.f32 v7, v14;
	v7 =	vld [tilespmem:s14+$0x11E60]  }
0x12b: {  	s16 =	sadd.s32 $0x200, s16;
	s10 =	smulhi.u32 $0x51EB851F, s6;
	v2 =	vld [tilespmem:s9+$0xA670];
	v13 =	vadd.f32 v13, v16;
	v12 =	vmul.f32 s7, v17  }
0x12c: {  	v14 =	vld [tilespmem:s9+$0xCE70];
	v6 =	vadd.f32 v11, v6;
	v10 =	vmul.f32 s7, v10  }
0x12d: {  	v15 =	vld [tilespmem:s9+$0xA600];
	[tilespmem:s14+$0x16E00] =	vst v13;
	v5 =	vadd.f32 v12, v5;
	v9 =	vmul.f32 s7, v9  }
0x12e: {  	v19 =	vld [tilespmem:s9+$0xF670];
	[tilespmem:s14+$0x16E10] =	vst v6;
	v4 =	vadd.f32 v10, v4;
	v8 =	vmul.f32 s7, v8  }
0x12f: {  	v6 =	vld [tilespmem:s9+$0xCE00];
	[tilespmem:s14+$0x16E20] =	vst v5;
	v3 =	vadd.f32 v9, v3;
	v7 =	vmul.f32 s7, v7  }
0x130: {  	v5 =	vld [tilespmem:s9+$0x11E70];
	[tilespmem:s14+$0x16E30] =	vst v4;
	v1 =	vadd.f32 v8, v1  }
0x131: {  	v4 =	vld [tilespmem:s9+$0xA610];
	[tilespmem:s14+$0x16E40] =	vst v3;
	v0 =	vadd.f32 v7, v0  }
0x132: {  	v3 =	vld [tilespmem:s9+$0xCE10];
	[tilespmem:s14+$0x16E50] =	vst v1  }
0x133: {  	v22 =	vld [tilespmem:s9+$0xA620];
	[tilespmem:s14+$0x16E60] =	vst v0  }
0x134: {  	v25 =	vld [tilespmem:s9+$0xCE20]  }
0x135: {  	v26 =	vld [tilespmem:s9+$0xA630]  }
0x136: {  	v28 =	vld [tilespmem:s9+$0xCE30]  }
0x137: {  	s10 =	sshrl.u32 s10, $0x7;
	v29 =	vld [tilespmem:s9+$0xA640]  }
0x138: {  	p0 =	sgt.u32 s6, $0x18F;
	s10 =	smul.u32 $0xFFFFFE70, s10;
	v30 =	vld [tilespmem:s9+$0xCE40]  }
0x139: {  	p5 =	slt.u32 s6, $0x18510;
	s16 =	simm.f32 $1.000000000e+00;
	s17 =	simm.f32 $1.000000000e+00;
	v31 =	vld [tilespmem:s9+$0xA650]  }
0x13a: {  	s16 =	simm.s32 @!p0 $0x0;
	s17 =	simm.s32 @!p5 $0x0;
	s19 =	sadd.s32 s10, s6;
	v32 =	vld [tilespmem:s9+$0xCE50]  }
0x13b: {  	s7 =	simm.f32 $0.0e+00;
	v20 =	vmul.f32 s16, v2;
	p0 =	seq.s32 s19, $0x0;
	v21 =	vmul.f32 s17, v14;
	v33 =	vld [tilespmem:s9+$0xA660]  }
0x13c: {  	s6 =	simm.f32 $1.000000000e+00;
	s7 =	simm.s32 @!p0 $0x3F800000;
	p0 =	slt.u32 s19, $0x18F;
	v34 =	vld [tilespmem:s9+$0xCE60]  }
0x13d: {  	v15 =	vmul.f32 s16, v15;
	v23 =	vadd.f32 v21, v20;
	v24 =	vmul.f32 s7, v19;
	s6 =	simm.s32 @!p0 $0x0;
	v13 =	vld [tilespmem:s9+$0xF600]  }
0x13e: {  	v35 =	vld [tilespmem:s9+$0xF610];
	v6 =	vmul.f32 s17, v6;
	v27 =	vmul.f32 s6, v5  }
0x13f: {  	v16 =	vld [tilespmem:s9+$0xF620];
	v0 =	vadd.f32 v24, v23;
	v4 =	vmul.f32 s16, v4;
	v3 =	vmul.f32 s17, v3  }
0x140: {  	v17 =	vld [tilespmem:s9+$0xF630];
	v7 =	vmul.f32 s16, v22;
	v2 =	vmul.f32 s17, v25  }
0x141: {  	v18 =	vld [tilespmem:s9+$0xF640];
	v0 =	vadd.f32 v27, v0;
	v8 =	vmul.f32 s16, v26;
	v5 =	vmul.f32 s17, v28  }
0x142: {  	v38 =	vld [tilespmem:s9+$0x11E00];
	v9 =	vmul.f32 s16, v29;
	v1 =	vmul.f32 s17, v30  }
0x143: {  	v41 =	vld [tilespmem:s9+$0x11E10];
	[tilespmem:s9+$0x16E70] =	vst v0;
	v37 =	vmul.f32 s16, v31;
	v0 =	vmul.f32 s17, v32  }
0x144: {  	v43 =	vld [tilespmem:s9+$0x11E20];
	v39 =	vmul.f32 s16, v33;
	v40 =	vmul.f32 s17, v34  }
0x145: {  	v19 =	vld [tilespmem:s9+$0xF650];
	v6 =	vadd.f32 v6, v15;
	v42 =	vmul.f32 s7, v13;
	v44 =	vmul.f32 s7, v35  }
0x146: {  	v45 =	vld [tilespmem:s9+$0x11E30];
	v3 =	vadd.f32 v3, v4;
	v46 =	vmul.f32 s7, v16;
	v47 =	vmul.f32 s7, v17  }
0x147: {  	v36 =	vld [tilespmem:s9+$0xF660];
	v49 =	vmul.f32 s7, v18;
	v10 =	vmul.f32 s6, v38;
	v2 =	vadd.f32 v2, v7  }
0x148: {  	v48 =	vld [tilespmem:s9+$0x11E40];
	v51 =	vmul.f32 s6, v41;
	v5 =	vadd.f32 v5, v8;
	v1 =	vadd.f32 v1, v9  }
0x149: {  	v50 =	vld [tilespmem:s9+$0x11E50];
	v54 =	vmul.f32 s6, v43;
	v0 =	vadd.f32 v0, v37;
	v6 =	vadd.f32 v42, v6  }
0x14a: {  	v52 =	vld [tilespmem:s9+$0x11E60];
	v55 =	vmul.f32 s7, v19;
	v7 =	vadd.f32 v40, v39;
	v3 =	vadd.f32 v44, v3  }
0x14b: {  	v56 =	vmul.f32 s6, v45;
	v2 =	vadd.f32 v46, v2;
	v53 =	vadd.f32 v10, v6  }
0x14c: {  	v57 =	vmul.f32 s7, v36;
	v5 =	vadd.f32 v47, v5;
	v3 =	vadd.f32 v51, v3  }
0x14d: {  	v58 =	vmul.f32 s6, v48;
	v1 =	vadd.f32 v49, v1;
	[tilespmem:s9+$0x16E00] =	vst v53;
	v2 =	vadd.f32 v54, v2  }
0x14e: {  	v60 =	vmul.f32 s6, v50;
	v0 =	vadd.f32 v55, v0;
	[tilespmem:s9+$0x16E10] =	vst v3;
	v59 =	vadd.f32 v56, v5  }
0x14f: {  	v62 =	vmul.f32 s6, v52;
	v61 =	vadd.f32 v57, v7;
	v1 =	vadd.f32 v58, v1;
	[tilespmem:s9+$0x16E20] =	vst v2  }
0x150: {  	v0 =	vadd.f32 v60, v0;
	[tilespmem:s9+$0x16E30] =	vst v59  }
0x151: {  	s23 =	sadd.s32 s30, s13;
	v63 =	vadd.f32 v62, v61;
	[tilespmem:s9+$0x16E40] =	vst v1  }
0x152: {  	s6 =	sshll.u32 s23, $0x4;
	[tilespmem:s9+$0x16E50] =	vst v0  }
0x153: {  	s6 =	sadd.s32 s5, s6;
	[tilespmem:s9+$0x16E60] =	vst v63  }
0x154: {  	[hbm4b:s6+s3] =	stream.linear.scatter [tilespmem:s21], [sflag:$0x6], $0x2800, $0x38;
	[tilespmem:$0x19600] =	vst v63  }
.LBB2_10:
0x155: {  	s6 =	simm.s32 @!p3 $0x4  }
0x156: {  	_ =	swait.ge @!p3 [sflag:s6], $0x140  }
0x157: {  	[sflag:s6] =	ssyncset.done @!p3 $0x0  }
0x158: {  	s7 =	simm.s32 @!p3 $0xA600;
	[sflag:s6] =	ssyncadd.s32 @!p3 $0xFFFFFEC0;
	s6 =	simm.s32 @!p3 $0x50  }
0x159: {  	[tilespmem:s7], [sflag:$0x2] =	stream.indirect.gather @!p3 [hbm4b:s0+s6], $0x80, s15, s6, $0xb8;
	[tilespmem:$0x19600] =	vst v63  }
0x15a: {  	s9 =	simm.s32 @!p3 $0xCE00;
	s7 =	simm.s32 @!p3 $0x4D0  }
0x15b: {  	[tilespmem:s9], [sflag:$0x2] =	stream.indirect.gather @!p3 [hbm4b:s0+s6], $0x80, s7, s6, $0xb8;
	[tilespmem:$0x19600] =	vst v63  }
0x15c: {  	s7 =	simm.s32 @!p3 $0x520;
	s9 =	simm.s32 @!p3 $0xF600  }
0x15d: {  	[tilespmem:s9], [sflag:$0x2] =	stream.indirect.gather @!p3 [hbm4b:s0+s6], $0x80, s7, s6, $0xb8;
	[tilespmem:$0x19600] =	vst v63  }
0x15e: {  	p0 =	sgt.u32 s29, $0x8;
	s7 =	simm.s32 $0x7FFFFD8  }
0x15f: {  	s7 =	simm.s32 @!p0 $0x0  }
0x160: {  	s7 =	sadd.s32 s7, s12  }
0x161: {  	s7 =	sshll.u32 s7, $0x5  }
0x162: {  	s12 =	sor.u32 s4, s7  }
0x163: {  	s7 =	sadd.s32 $0x80, s12  }
0x164: {  	p5 =	sgt.u32 s7, $0x4E1  }
0x165: {  	p0 =	sgt.u32 @!p5 s29, $0x8  }
0x166: {  	s9 =	simm.s32 @!p5 $0x4E2;
	p0 =	por !p0, p5  }
0x167: {  	s9 =	simm.s32 @p0 $0x0  }
0x168: {  	s7 =	sadd.s32 @!p5 s9, s7  }
0x169: {  	s10 =	simm.s32 @!p3 $0x11E00;
	s9 =	simm.s32 @!p3 $0x570;
	s7 =	smul.u32 @!p5 $0x28, s7  }
0x16a: {  	[tilespmem:s10], [sflag:$0x2] =	stream.indirect.gather @!p3 [hbm4b:s0+s6], $0x80, s9, s6, $0xb8;
	[tilespmem:$0x19600] =	vst v63  }
0x16b: {  	s13 =	simm.s32 @!p5 $0x0;
	s6 =	sadd.s32 @!p5 s1, s7  }
0x16c: {  	[tilespmem:s13], [sflag:$0x3] =	stream.linear.gather @!p5 [hbm4b:s6+s13], $0x140, $0x38;
	[tilespmem:$0x19600] =	vst v63  }
.Ltmp8:
0x16d: {  	_ = 	snop;
	(pc) =	sbr.rel @p2 .LBB2_14-.Ltmp8, $4  }
0x16e: {  	s6 =	simm.s32 @!p4 $0x5  }
0x16f: {  	_ =	swait.ge @!p4 [sflag:s6], $0x2800  }
0x170: {  	[sflag:s6] =	ssyncset.done @!p4 $0x0  }
0x171: {  	[sflag:s6] =	ssyncadd.s32 @!p4 $0xFFFFD800  }
0x172: {  	_ =	swait.ge [sflag:s18], $0x2800  }
0x173: {  	[sflag:s18] =	ssyncset.done $0x0  }
0x174: {  	[sflag:s18] =	ssyncadd.s32 $0xFFFFD800  }
0x175: {  	_ =	swait.ge [sflag:s18], $0x2800  }
0x176: {  	[sflag:s18] =	ssyncset.done $0x0  }
0x177: {  	[sflag:s18] =	ssyncadd.s32 $0xFFFFD800  }
0x178: {  	_ =	swait.ge [sflag:s18], $0x2800  }
0x179: {  	[sflag:s18] =	ssyncset.done $0x0  }
0x17a: {  	[sflag:s18] =	ssyncadd.s32 $0xFFFFD800  }
0x17b: {  	_ =	swait.ge [sflag:s18], $0x2800  }
0x17c: {  	[sflag:s18] =	ssyncset.done $0x0  }
0x17d: {  	s14 =	simm.s32 $0x0;
	[sflag:s18] =	ssyncadd.s32 $0xFFFFD800  }
0x17e: {  	v0 =	vld [tilespmem:s14+$0x670]  }
0x17f: {  	v1 =	vld [tilespmem:s14+$0x2E70]  }
0x180: {  	s6 =	sadd.s32 s25, s31;
	v2 =	vld [tilespmem:s14+$0x600]  }
0x181: {  	s6 =	sshll.u32 s6, $0x5;
	v3 =	vld [tilespmem:s14+$0x5670]  }
0x182: {  	s6 =	sor.u32 s6, s4;
	v4 =	vld [tilespmem:s14+$0x2E00]  }
0x183: {  	s6 =	smul.u32 $0x50, s6;
	v5 =	vld [tilespmem:s14+$0x7E70]  }
0x184: {  	v6 =	vld [tilespmem:s14+$0x610]  }
0x185: {  	s7 =	smulhi.u32 $0x51EB851F, s6;
	v7 =	vld [tilespmem:s14+$0x2E10]  }
0x186: {  	v8 =	vld [tilespmem:s14+$0x620]  }
0x187: {  	s7 =	sshrl.u32 s7, $0x7;
	v9 =	vld [tilespmem:s14+$0x630]  }
0x188: {  	s10 =	simm.f32 $1.000000000e+00;
	s7 =	smul.u32 $0xFFFFFE70, s7;
	v10 =	vld [tilespmem:s14+$0x640]  }
0x189: {  	s15 =	simm.f32 $1.000000000e+00;
	p0 =	sgt.u32 s6, $0x18F;
	p2 =	slt.u32 s6, $0x18510;
	v11 =	vld [tilespmem:s14+$0x650]  }
0x18a: {  	s10 =	simm.s32 @!p0 $0x0;
	s15 =	simm.s32 @!p2 $0x0;
	s7 =	sadd.s32 s7, s6;
	v12 =	vld [tilespmem:s14+$0x660]  }
0x18b: {  	s9 =	simm.f32 $0.0e+00;
	p0 =	seq.s32 s7, $0x0;
	v13 =	vld [tilespmem:s14+$0x2E60];
	v0 =	vmul.f32 s10, v0;
	v1 =	vmul.f32 s15, v1  }
0x18c: {  	s9 =	simm.s32 @!p0 $0x3F800000;
	v14 =	vld [tilespmem:s14+$0x5600]  }
0x18d: {  	p0 =	slt.u32 s7, $0x18F;
	s7 =	simm.f32 $1.000000000e+00;
	v15 =	vld [tilespmem:s14+$0x5610];
	v0 =	vadd.f32 v1, v0;
	v1 =	vmul.f32 s9, v3  }
0x18e: {  	v16 =	vld [tilespmem:s14+$0x5620];
	s7 =	simm.s32 @!p0 $0x0  }
0x18f: {  	v3 =	vld [tilespmem:s14+$0x2E20];
	v0 =	vadd.f32 v1, v0;
	v1 =	vmul.f32 s7, v5  }
0x190: {  	v5 =	vld [tilespmem:s14+$0x2E30]  }
0x191: {  	v2 =	vmul.f32 s10, v2;
	v4 =	vmul.f32 s15, v4;
	v0 =	vadd.f32 v1, v0;
	v1 =	vld [tilespmem:s14+$0x2E40]  }
0x192: {  	v17 =	vld [tilespmem:s14+$0x5630];
	v6 =	vmul.f32 s10, v6;
	v7 =	vmul.f32 s15, v7  }
0x193: {  	v8 =	vmul.f32 s10, v8;
	v2 =	vadd.f32 v4, v2;
	v4 =	vmul.f32 s10, v9;
	[tilespmem:s14+$0x14670] =	vst v0;
	v0 =	vld [tilespmem:s14+$0x2E50]  }
0x194: {  	v18 =	vld [tilespmem:s14+$0x5650];
	v6 =	vadd.f32 v7, v6;
	v7 =	vmul.f32 s10, v10;
	v3 =	vmul.f32 s15, v3  }
0x195: {  	v9 =	vld [tilespmem:s14+$0x5640];
	v10 =	vmul.f32 s15, v13;
	v5 =	vmul.f32 s15, v5  }
0x196: {  	v3 =	vadd.f32 v3, v8;
	v8 =	vmul.f32 s10, v11;
	v11 =	vld [tilespmem:s14+$0x5660];
	v1 =	vmul.f32 s15, v1  }
0x197: {  	v13 =	vmul.f32 s9, v15;
	v4 =	vadd.f32 v5, v4;
	v5 =	vmul.f32 s10, v12;
	v12 =	vld [tilespmem:s14+$0x7E00]  }
0x198: {  	v0 =	vmul.f32 s15, v0;
	v1 =	vadd.f32 v1, v7;
	v7 =	vmul.f32 s9, v14;
	v14 =	vld [tilespmem:s14+$0x7E10]  }
0x199: {  	v63 =	vld [tilespmem:s14+$0x7E20];
	v6 =	vadd.f32 v13, v6;
	v15 =	vadd.f32 v10, v5;
	v5 =	vmul.f32 s9, v16  }
0x19a: {  	v10 =	vld [tilespmem:s14+$0x7E30];
	v0 =	vadd.f32 v0, v8;
	v19 =	vadd.f32 v7, v2;
	v2 =	vmul.f32 s9, v17  }
0x19b: {  	v5 =	vadd.f32 v5, v3;
	v3 =	vmul.f32 s9, v9;
	v7 =	vmul.f32 s9, v18;
	v9 =	vld [tilespmem:s14+$0x7E40]  }
0x19c: {  	v8 =	vld [tilespmem:s14+$0x7E50];
	v12 =	vmul.f32 s7, v12;
	v4 =	vadd.f32 v2, v4;
	v2 =	vmul.f32 s9, v11  }
0x19d: {  	s2 =	smul.u32 $0x50, s2;
	s6 =	sadd.s32 $0x1, s6;
	v3 =	vadd.f32 v3, v1;
	v1 =	vadd.f32 v7, v0;
	s9 =	simm.s32 $0x80;
	v7 =	vld [tilespmem:s14+$0x7E60];
	v11 =	vmul.f32 s7, v14  }
0x19e: {  	s10 =	smulhi.u32 $0x51EB851F, s6;
	s15 =	simm.s32 $0x400;
	v13 =	vadd.f32 v12, v19;
	v12 =	vmul.f32 s7, v63;
	v0 =	vadd.f32 v2, v15;
	v2 =	vld [tilespmem:s9+$0x670]  }
.LBB2_12:
0x19f: {  	p2 =	sne.s32 s15, $0x9E00;
	v14 =	vld [tilespmem:s9+$0x2E70];
	v6 =	vadd.f32 v11, v6;
	v10 =	vmul.f32 s7, v10  }
0x1a0: {  	s10 =	sshrl.u32 s10, $0x7;
	v11 =	vld [tilespmem:s9+$0x600];
	[tilespmem:s14+$0x14600] =	vst v13;
	v5 =	vadd.f32 v12, v5;
	v9 =	vmul.f32 s7, v9  }
0x1a1: {  	p0 =	sgt.u32 s6, $0x18F;
	s10 =	smul.u32 $0xFFFFFE70, s10;
	v12 =	vld [tilespmem:s9+$0x5670];
	[tilespmem:s14+$0x14610] =	vst v6;
	v4 =	vadd.f32 v10, v4;
	v6 =	vmul.f32 s7, v8  }
0x1a2: {  	p4 =	slt.u32 s6, $0x18510;
	s17 =	simm.f32 $1.000000000e+00;
	s16 =	simm.f32 $1.000000000e+00;
	v8 =	vld [tilespmem:s9+$0x2E00];
	[tilespmem:s14+$0x14620] =	vst v5;
	v3 =	vadd.f32 v9, v3;
	v5 =	vmul.f32 s7, v7  }
0x1a3: {  	s17 =	simm.s32 @!p0 $0x0;
	s16 =	simm.s32 @!p4 $0x0;
	s7 =	sadd.s32 s10, s6;
	v7 =	vld [tilespmem:s9+$0x7E70];
	[tilespmem:s14+$0x14630] =	vst v4;
	v1 =	vadd.f32 v6, v1  }
0x1a4: {  	v2 =	vmul.f32 s17, v2;
	s10 =	simm.f32 $0.0e+00;
	p0 =	seq.s32 s7, $0x0;
	v4 =	vld [tilespmem:s9+$0x610];
	v6 =	vmul.f32 s16, v14;
	[tilespmem:s14+$0x14640] =	vst v3;
	v0 =	vadd.f32 v5, v0  }
0x1a5: {  	s10 =	simm.s32 @!p0 $0x3F800000;
	v3 =	vmul.f32 s17, v11;
	v5 =	vld [tilespmem:s9+$0x2E10];
	[tilespmem:s14+$0x14650] =	vst v1  }
0x1a6: {  	p0 =	slt.u32 s7, $0x18F;
	s7 =	simm.f32 $1.000000000e+00;
	v1 =	vld [tilespmem:s9+$0x620];
	v2 =	vadd.f32 v6, v2;
	v6 =	vmul.f32 s10, v12;
	[tilespmem:s14+$0x14660] =	vst v0;
	s14 =	smov.u32 s9  }
0x1a7: {  	s7 =	simm.s32 @!p0 $0x0;
	v0 =	vmul.f32 s16, v8;
	v8 =	vld [tilespmem:s14+$0x2E20]  }
0x1a8: {  	v9 =	vld [tilespmem:s14+$0x630];
	v2 =	vadd.f32 v6, v2;
	v6 =	vmul.f32 s7, v7  }
0x1a9: {  	v0 =	vadd.f32 v0, v3;
	v3 =	vmul.f32 s17, v4;
	v4 =	vld [tilespmem:s14+$0x2E30]  }
0x1aa: {  	v5 =	vmul.f32 s16, v5;
	v7 =	vld [tilespmem:s14+$0x640];
	v2 =	vadd.f32 v6, v2  }
0x1ab: {  	v1 =	vmul.f32 s17, v1;
	v6 =	vld [tilespmem:s14+$0x2E40]  }
0x1ac: {  	v3 =	vadd.f32 v5, v3;
	v5 =	vmul.f32 s16, v8;
	v8 =	vld [tilespmem:s14+$0x650];
	[tilespmem:s14+$0x14670] =	vst v2  }
0x1ad: {  	v2 =	vmul.f32 s17, v9;
	v9 =	vld [tilespmem:s14+$0x2E50]  }
0x1ae: {  	v1 =	vadd.f32 v5, v1;
	v4 =	vmul.f32 s16, v4;
	v5 =	vld [tilespmem:s14+$0x660]  }
0x1af: {  	v7 =	vmul.f32 s17, v7;
	v10 =	vld [tilespmem:s14+$0x2E60]  }
0x1b0: {  	v11 =	vld [tilespmem:s14+$0x5600];
	v2 =	vadd.f32 v4, v2;
	v4 =	vmul.f32 s16, v6  }
0x1b1: {  	v6 =	vld [tilespmem:s14+$0x5610];
	v8 =	vmul.f32 s17, v8  }
0x1b2: {  	v12 =	vld [tilespmem:s14+$0x5620];
	v7 =	vadd.f32 v4, v7;
	v4 =	vmul.f32 s16, v9  }
0x1b3: {  	v9 =	vld [tilespmem:s14+$0x5630];
	v5 =	vmul.f32 s17, v5  }
0x1b4: {  	v13 =	vld [tilespmem:s14+$0x5640];
	v8 =	vadd.f32 v4, v8;
	v4 =	vmul.f32 s16, v10  }
0x1b5: {  	v10 =	vmul.f32 s10, v11;
	v11 =	vld [tilespmem:s14+$0x5650]  }
0x1b6: {  	v6 =	vmul.f32 s10, v6;
	v14 =	vadd.f32 v4, v5;
	v15 =	vld [tilespmem:s14+$0x5660]  }
0x1b7: {  	v16 =	vadd.f32 v10, v0;
	v0 =	vld [tilespmem:s14+$0x7E00];
	v4 =	vmul.f32 s10, v12  }
0x1b8: {  	v6 =	vadd.f32 v6, v3;
	v12 =	vld [tilespmem:s14+$0x7E10];
	v3 =	vmul.f32 s10, v9  }
0x1b9: {  	v5 =	vadd.f32 v4, v1;
	v17 =	vld [tilespmem:s14+$0x7E20];
	v1 =	vmul.f32 s10, v13  }
.Ltmp9:
0x1ba: {  	v4 =	vadd.f32 v3, v2;
	v10 =	vld [tilespmem:s14+$0x7E30];
	v2 =	vmul.f32 s10, v11;
	(pc) =	sbr.rel @p2 .LBB2_12-.Ltmp9, $4  }
0x1bb: {  	v3 =	vadd.f32 v1, v7;
	v9 =	vld [tilespmem:s14+$0x7E40];
	v7 =	vmul.f32 s10, v15  }
0x1bc: {  	v13 =	vmul.f32 s7, v0;
	v1 =	vadd.f32 v2, v8;
	v8 =	vld [tilespmem:s14+$0x7E50]  }
0x1bd: {  	s6 =	sadd.s32 $0x1, s6;
	s9 =	sshra.s32 s15, $0x2;
	v11 =	vmul.f32 s7, v12;
	v0 =	vadd.f32 v7, v14;
	v7 =	vld [tilespmem:s14+$0x7E60]  }
0x1be: {  	s15 =	sadd.s32 $0x200, s15;
	s10 =	smulhi.u32 $0x51EB851F, s6;
	v2 =	vld [tilespmem:s9+$0x670];
	v13 =	vadd.f32 v13, v16;
	v12 =	vmul.f32 s7, v17  }
0x1bf: {  	v14 =	vld [tilespmem:s9+$0x2E70];
	v6 =	vadd.f32 v11, v6;
	v10 =	vmul.f32 s7, v10  }
0x1c0: {  	v15 =	vld [tilespmem:s9+$0x600];
	[tilespmem:s14+$0x14600] =	vst v13;
	v5 =	vadd.f32 v12, v5;
	v9 =	vmul.f32 s7, v9  }
0x1c1: {  	v19 =	vld [tilespmem:s9+$0x5670];
	[tilespmem:s14+$0x14610] =	vst v6;
	v4 =	vadd.f32 v10, v4;
	v8 =	vmul.f32 s7, v8  }
0x1c2: {  	v6 =	vld [tilespmem:s9+$0x2E00];
	[tilespmem:s14+$0x14620] =	vst v5;
	v3 =	vadd.f32 v9, v3;
	v7 =	vmul.f32 s7, v7  }
0x1c3: {  	v5 =	vld [tilespmem:s9+$0x7E70];
	[tilespmem:s14+$0x14630] =	vst v4;
	v1 =	vadd.f32 v8, v1  }
0x1c4: {  	v4 =	vld [tilespmem:s9+$0x610];
	[tilespmem:s14+$0x14640] =	vst v3;
	v0 =	vadd.f32 v7, v0  }
0x1c5: {  	v3 =	vld [tilespmem:s9+$0x2E10];
	[tilespmem:s14+$0x14650] =	vst v1  }
0x1c6: {  	v22 =	vld [tilespmem:s9+$0x620];
	[tilespmem:s14+$0x14660] =	vst v0  }
0x1c7: {  	v25 =	vld [tilespmem:s9+$0x2E20]  }
0x1c8: {  	v26 =	vld [tilespmem:s9+$0x630]  }
0x1c9: {  	v28 =	vld [tilespmem:s9+$0x2E30]  }
0x1ca: {  	s10 =	sshrl.u32 s10, $0x7;
	v29 =	vld [tilespmem:s9+$0x640]  }
0x1cb: {  	p0 =	sgt.u32 s6, $0x18F;
	s10 =	smul.u32 $0xFFFFFE70, s10;
	v30 =	vld [tilespmem:s9+$0x2E40]  }
0x1cc: {  	p2 =	slt.u32 s6, $0x18510;
	s15 =	simm.f32 $1.000000000e+00;
	s16 =	simm.f32 $1.000000000e+00;
	v31 =	vld [tilespmem:s9+$0x650]  }
0x1cd: {  	s15 =	simm.s32 @!p0 $0x0;
	s16 =	simm.s32 @!p2 $0x0;
	s23 =	sadd.s32 s10, s6;
	v32 =	vld [tilespmem:s9+$0x2E50]  }
0x1ce: {  	s7 =	simm.f32 $0.0e+00;
	v20 =	vmul.f32 s15, v2;
	p0 =	seq.s32 s23, $0x0;
	v21 =	vmul.f32 s16, v14;
	v33 =	vld [tilespmem:s9+$0x660]  }
0x1cf: {  	s6 =	simm.f32 $1.000000000e+00;
	s7 =	simm.s32 @!p0 $0x3F800000;
	p0 =	slt.u32 s23, $0x18F;
	v34 =	vld [tilespmem:s9+$0x2E60]  }
0x1d0: {  	v15 =	vmul.f32 s15, v15;
	v23 =	vadd.f32 v21, v20;
	v24 =	vmul.f32 s7, v19;
	s6 =	simm.s32 @!p0 $0x0;
	v13 =	vld [tilespmem:s9+$0x5600]  }
0x1d1: {  	v35 =	vld [tilespmem:s9+$0x5610];
	v6 =	vmul.f32 s16, v6;
	v27 =	vmul.f32 s6, v5  }
0x1d2: {  	v16 =	vld [tilespmem:s9+$0x5620];
	v0 =	vadd.f32 v24, v23;
	v4 =	vmul.f32 s15, v4;
	v3 =	vmul.f32 s16, v3  }
0x1d3: {  	v17 =	vld [tilespmem:s9+$0x5630];
	v7 =	vmul.f32 s15, v22;
	v2 =	vmul.f32 s16, v25  }
0x1d4: {  	v18 =	vld [tilespmem:s9+$0x5640];
	v0 =	vadd.f32 v27, v0;
	v8 =	vmul.f32 s15, v26;
	v5 =	vmul.f32 s16, v28  }
0x1d5: {  	v38 =	vld [tilespmem:s9+$0x7E00];
	v9 =	vmul.f32 s15, v29;
	v1 =	vmul.f32 s16, v30  }
0x1d6: {  	v41 =	vld [tilespmem:s9+$0x7E10];
	[tilespmem:s9+$0x14670] =	vst v0;
	v37 =	vmul.f32 s15, v31;
	v0 =	vmul.f32 s16, v32  }
0x1d7: {  	v43 =	vld [tilespmem:s9+$0x7E20];
	v39 =	vmul.f32 s15, v33;
	v40 =	vmul.f32 s16, v34  }
0x1d8: {  	v19 =	vld [tilespmem:s9+$0x5650];
	v6 =	vadd.f32 v6, v15;
	v42 =	vmul.f32 s7, v13;
	v44 =	vmul.f32 s7, v35  }
0x1d9: {  	v45 =	vld [tilespmem:s9+$0x7E30];
	v3 =	vadd.f32 v3, v4;
	v46 =	vmul.f32 s7, v16;
	v47 =	vmul.f32 s7, v17  }
0x1da: {  	v36 =	vld [tilespmem:s9+$0x5660];
	v49 =	vmul.f32 s7, v18;
	v10 =	vmul.f32 s6, v38;
	v2 =	vadd.f32 v2, v7  }
0x1db: {  	v48 =	vld [tilespmem:s9+$0x7E40];
	v51 =	vmul.f32 s6, v41;
	v5 =	vadd.f32 v5, v8;
	v1 =	vadd.f32 v1, v9  }
0x1dc: {  	v50 =	vld [tilespmem:s9+$0x7E50];
	v54 =	vmul.f32 s6, v43;
	v0 =	vadd.f32 v0, v37;
	v6 =	vadd.f32 v42, v6  }
0x1dd: {  	v52 =	vld [tilespmem:s9+$0x7E60];
	v55 =	vmul.f32 s7, v19;
	v7 =	vadd.f32 v40, v39;
	v3 =	vadd.f32 v44, v3  }
0x1de: {  	v56 =	vmul.f32 s6, v45;
	v2 =	vadd.f32 v46, v2;
	v53 =	vadd.f32 v10, v6  }
0x1df: {  	v57 =	vmul.f32 s7, v36;
	v5 =	vadd.f32 v47, v5;
	v3 =	vadd.f32 v51, v3  }
0x1e0: {  	v58 =	vmul.f32 s6, v48;
	v1 =	vadd.f32 v49, v1;
	[tilespmem:s9+$0x14600] =	vst v53;
	v2 =	vadd.f32 v54, v2  }
0x1e1: {  	v60 =	vmul.f32 s6, v50;
	v0 =	vadd.f32 v55, v0;
	[tilespmem:s9+$0x14610] =	vst v3;
	v59 =	vadd.f32 v56, v5  }
0x1e2: {  	v62 =	vmul.f32 s6, v52;
	v61 =	vadd.f32 v57, v7;
	v1 =	vadd.f32 v58, v1;
	[tilespmem:s9+$0x14620] =	vst v2  }
0x1e3: {  	v0 =	vadd.f32 v60, v0;
	[tilespmem:s9+$0x14630] =	vst v59  }
0x1e4: {  	s2 =	sadd.s32 s30, s2;
	v63 =	vadd.f32 v62, v61;
	[tilespmem:s9+$0x14640] =	vst v1  }
0x1e5: {  	s2 =	sshll.u32 s2, $0x4;
	[tilespmem:s9+$0x14650] =	vst v0  }
0x1e6: {  	s2 =	sadd.s32 s5, s2;
	[tilespmem:s9+$0x14660] =	vst v63  }
0x1e7: {  	[hbm4b:s2+s3] =	stream.linear.scatter [tilespmem:s22], [sflag:$0x5], $0x2800, $0x38;
	[tilespmem:$0x19600] =	vst v63  }
.LBB2_14:
0x1e8: {  	s2 =	simm.s32 @!p5 $0x3  }
0x1e9: {  	_ =	swait.ge @!p5 [sflag:s2], $0x140  }
0x1ea: {  	[sflag:s2] =	ssyncset.done @!p5 $0x0  }
0x1eb: {  	s6 =	simm.s32 @!p5 $0x600;
	[sflag:s2] =	ssyncadd.s32 @!p5 $0xFFFFFEC0;
	s2 =	simm.s32 @!p5 $0x50  }
0x1ec: {  	[tilespmem:s6], [sflag:$0x1] =	stream.indirect.gather @!p5 [hbm4b:s0+s2], $0x80, s13, s2, $0xb8;
	[tilespmem:$0x19600] =	vst v63  }
0x1ed: {  	s6 =	simm.s32 @!p5 $0x2E00  }
0x1ee: {  	[tilespmem:s6], [sflag:$0x1] =	stream.indirect.gather @!p5 [hbm4b:s0+s2], $0x80, s2, s2, $0xb8;
	[tilespmem:$0x19600] =	vst v63  }
0x1ef: {  	s7 =	simm.s32 @!p5 $0x5600;
	s6 =	simm.s32 @!p5 $0xA0  }
0x1f0: {  	[tilespmem:s7], [sflag:$0x1] =	stream.indirect.gather @!p5 [hbm4b:s0+s2], $0x80, s6, s2, $0xb8;
	[tilespmem:$0x19600] =	vst v63  }
0x1f1: {  	s6 =	sadd.s32 $0xA0, s12  }
0x1f2: {  	p0 =	sgt.u32 s6, $0x4E1  }
0x1f3: {  	p2 =	sgt.u32 @!p0 s29, $0x8  }
0x1f4: {  	s7 =	simm.s32 @!p0 $0x4E2;
	p2 =	por !p2, p0  }
0x1f5: {  	s7 =	simm.s32 @p2 $0x0  }
0x1f6: {  	s6 =	sadd.s32 @!p0 s7, s6  }
0x1f7: {  	s9 =	simm.s32 @!p5 $0x7E00;
	s7 =	simm.s32 @!p5 $0xF0;
	s6 =	smul.u32 @!p0 $0x28, s6  }
0x1f8: {  	[tilespmem:s9], [sflag:$0x1] =	stream.indirect.gather @!p5 [hbm4b:s0+s2], $0x80, s7, s2, $0xb8;
	[tilespmem:$0x19600] =	vst v63  }
0x1f9: {  	s7 =	simm.s32 @!p0 $0x180;
	s2 =	sadd.s32 @!p0 s1, s6;
	s6 =	simm.s32 @!p0 $0x0  }
0x1fa: {  	[tilespmem:s7], [sflag:$0x4] =	stream.linear.gather @!p0 [hbm4b:s2+s6], $0x140, $0x38;
	[tilespmem:$0x19600] =	vst v63  }
.Ltmp10:
0x1fb: {  	_ = 	snop;
	(pc) =	sbr.rel @p3 .LBB2_18-.Ltmp10, $4  }
0x1fc: {  	s2 =	simm.s32 @!p1 $0x6  }
0x1fd: {  	_ =	swait.ge @!p1 [sflag:s2], $0x2800  }
0x1fe: {  	[sflag:s2] =	ssyncset.done @!p1 $0x0  }
0x1ff: {  	[sflag:s2] =	ssyncadd.s32 @!p1 $0xFFFFD800  }
0x200: {  	_ =	swait.ge [sflag:s20], $0x2800  }
0x201: {  	[sflag:s20] =	ssyncset.done $0x0  }
0x202: {  	[sflag:s20] =	ssyncadd.s32 $0xFFFFD800  }
0x203: {  	_ =	swait.ge [sflag:s20], $0x2800  }
0x204: {  	[sflag:s20] =	ssyncset.done $0x0  }
0x205: {  	[sflag:s20] =	ssyncadd.s32 $0xFFFFD800  }
0x206: {  	_ =	swait.ge [sflag:s20], $0x2800  }
0x207: {  	[sflag:s20] =	ssyncset.done $0x0  }
0x208: {  	s2 =	sadd.s32 s24, s31;
	[sflag:s20] =	ssyncadd.s32 $0xFFFFD800  }
0x209: {  	s2 =	sshll.u32 s2, $0x5;
	_ =	swait.ge [sflag:s20], $0x2800  }
0x20a: {  	s2 =	sor.u32 s2, s4;
	[sflag:s20] =	ssyncset.done $0x0  }
0x20b: {  	s6 =	smul.u32 $0x50, s2;
	s2 =	simm.s32 $0x0;
	[sflag:s20] =	ssyncadd.s32 $0xFFFFD800  }
0x20c: {  	v0 =	vld [tilespmem:s2+$0xA670]  }
0x20d: {  	v1 =	vld [tilespmem:s2+$0xCE70]  }
0x20e: {  	v2 =	vld [tilespmem:s2+$0xA600]  }
0x20f: {  	v3 =	vld [tilespmem:s2+$0xF670]  }
0x210: {  	v4 =	vld [tilespmem:s2+$0xCE00]  }
0x211: {  	v5 =	vld [tilespmem:s2+$0x11E70]  }
0x212: {  	v6 =	vld [tilespmem:s2+$0xA610]  }
0x213: {  	s7 =	smulhi.u32 $0x51EB851F, s6;
	v7 =	vld [tilespmem:s2+$0xCE10]  }
0x214: {  	v8 =	vld [tilespmem:s2+$0xA620]  }
0x215: {  	s7 =	sshrl.u32 s7, $0x7;
	v9 =	vld [tilespmem:s2+$0xA630]  }
0x216: {  	s10 =	simm.f32 $1.000000000e+00;
	s7 =	smul.u32 $0xFFFFFE70, s7;
	v10 =	vld [tilespmem:s2+$0xA640]  }
0x217: {  	s12 =	simm.f32 $1.000000000e+00;
	p0 =	sgt.u32 s6, $0x18F;
	p1 =	slt.u32 s6, $0x18510;
	v11 =	vld [tilespmem:s2+$0xA650]  }
0x218: {  	s10 =	simm.s32 @!p0 $0x0;
	s12 =	simm.s32 @!p1 $0x0;
	s7 =	sadd.s32 s7, s6;
	v12 =	vld [tilespmem:s2+$0xA660]  }
0x219: {  	s9 =	simm.f32 $0.0e+00;
	p0 =	seq.s32 s7, $0x0;
	v13 =	vld [tilespmem:s2+$0xCE60];
	v0 =	vmul.f32 s10, v0;
	v1 =	vmul.f32 s12, v1  }
0x21a: {  	s9 =	simm.s32 @!p0 $0x3F800000;
	v14 =	vld [tilespmem:s2+$0xF600]  }
0x21b: {  	p0 =	slt.u32 s7, $0x18F;
	s7 =	simm.f32 $1.000000000e+00;
	v15 =	vld [tilespmem:s2+$0xF610];
	v0 =	vadd.f32 v1, v0;
	v1 =	vmul.f32 s9, v3  }
0x21c: {  	v16 =	vld [tilespmem:s2+$0xF620];
	s7 =	simm.s32 @!p0 $0x0  }
0x21d: {  	v3 =	vld [tilespmem:s2+$0xCE20];
	v0 =	vadd.f32 v1, v0;
	v1 =	vmul.f32 s7, v5  }
0x21e: {  	v5 =	vld [tilespmem:s2+$0xCE30]  }
0x21f: {  	v2 =	vmul.f32 s10, v2;
	v4 =	vmul.f32 s12, v4;
	v0 =	vadd.f32 v1, v0;
	v1 =	vld [tilespmem:s2+$0xCE40]  }
0x220: {  	v17 =	vld [tilespmem:s2+$0xF630];
	v6 =	vmul.f32 s10, v6;
	v7 =	vmul.f32 s12, v7  }
0x221: {  	v8 =	vmul.f32 s10, v8;
	v2 =	vadd.f32 v4, v2;
	v4 =	vmul.f32 s10, v9;
	[tilespmem:s2+$0x16E70] =	vst v0;
	v0 =	vld [tilespmem:s2+$0xCE50]  }
0x222: {  	v18 =	vld [tilespmem:s2+$0xF650];
	v6 =	vadd.f32 v7, v6;
	v7 =	vmul.f32 s10, v10;
	v3 =	vmul.f32 s12, v3  }
0x223: {  	v9 =	vld [tilespmem:s2+$0xF640];
	v10 =	vmul.f32 s12, v13;
	v5 =	vmul.f32 s12, v5  }
0x224: {  	v3 =	vadd.f32 v3, v8;
	v8 =	vmul.f32 s10, v11;
	v11 =	vld [tilespmem:s2+$0xF660];
	v1 =	vmul.f32 s12, v1  }
0x225: {  	v13 =	vmul.f32 s9, v15;
	v4 =	vadd.f32 v5, v4;
	v5 =	vmul.f32 s10, v12;
	v12 =	vld [tilespmem:s2+$0x11E00]  }
0x226: {  	v0 =	vmul.f32 s12, v0;
	v1 =	vadd.f32 v1, v7;
	v7 =	vmul.f32 s9, v14;
	v14 =	vld [tilespmem:s2+$0x11E10]  }
0x227: {  	v63 =	vld [tilespmem:s2+$0x11E20];
	v6 =	vadd.f32 v13, v6;
	v15 =	vadd.f32 v10, v5;
	v5 =	vmul.f32 s9, v16  }
0x228: {  	v10 =	vld [tilespmem:s2+$0x11E30];
	v0 =	vadd.f32 v0, v8;
	v19 =	vadd.f32 v7, v2;
	v2 =	vmul.f32 s9, v17  }
0x229: {  	v5 =	vadd.f32 v5, v3;
	v3 =	vmul.f32 s9, v9;
	v7 =	vmul.f32 s9, v18;
	v9 =	vld [tilespmem:s2+$0x11E40]  }
0x22a: {  	v8 =	vld [tilespmem:s2+$0x11E50];
	v12 =	vmul.f32 s7, v12;
	v4 =	vadd.f32 v2, v4;
	v2 =	vmul.f32 s9, v11  }
0x22b: {  	s11 =	smul.u32 $0x50, s11;
	s6 =	sadd.s32 $0x1, s6;
	v3 =	vadd.f32 v3, v1;
	v1 =	vadd.f32 v7, v0;
	s9 =	simm.s32 $0x80;
	v7 =	vld [tilespmem:s2+$0x11E60];
	v11 =	vmul.f32 s7, v14  }
0x22c: {  	s10 =	smulhi.u32 $0x51EB851F, s6;
	s12 =	simm.s32 $0x400;
	v13 =	vadd.f32 v12, v19;
	v12 =	vmul.f32 s7, v63;
	v0 =	vadd.f32 v2, v15;
	v2 =	vld [tilespmem:s9+$0xA670]  }
.LBB2_16:
0x22d: {  	p1 =	sne.s32 s12, $0x9E00;
	v14 =	vld [tilespmem:s9+$0xCE70];
	v6 =	vadd.f32 v11, v6;
	v10 =	vmul.f32 s7, v10  }
0x22e: {  	s10 =	sshrl.u32 s10, $0x7;
	v11 =	vld [tilespmem:s9+$0xA600];
	[tilespmem:s2+$0x16E00] =	vst v13;
	v5 =	vadd.f32 v12, v5;
	v9 =	vmul.f32 s7, v9  }
0x22f: {  	p0 =	sgt.u32 s6, $0x18F;
	s10 =	smul.u32 $0xFFFFFE70, s10;
	v12 =	vld [tilespmem:s9+$0xF670];
	[tilespmem:s2+$0x16E10] =	vst v6;
	v4 =	vadd.f32 v10, v4;
	v6 =	vmul.f32 s7, v8  }
0x230: {  	p2 =	slt.u32 s6, $0x18510;
	s14 =	simm.f32 $1.000000000e+00;
	s13 =	simm.f32 $1.000000000e+00;
	v8 =	vld [tilespmem:s9+$0xCE00];
	[tilespmem:s2+$0x16E20] =	vst v5;
	v3 =	vadd.f32 v9, v3;
	v5 =	vmul.f32 s7, v7  }
0x231: {  	s14 =	simm.s32 @!p0 $0x0;
	s13 =	simm.s32 @!p2 $0x0;
	s7 =	sadd.s32 s10, s6;
	v7 =	vld [tilespmem:s9+$0x11E70];
	[tilespmem:s2+$0x16E30] =	vst v4;
	v1 =	vadd.f32 v6, v1  }
0x232: {  	v2 =	vmul.f32 s14, v2;
	s10 =	simm.f32 $0.0e+00;
	p0 =	seq.s32 s7, $0x0;
	v4 =	vld [tilespmem:s9+$0xA610];
	v6 =	vmul.f32 s13, v14;
	[tilespmem:s2+$0x16E40] =	vst v3;
	v0 =	vadd.f32 v5, v0  }
0x233: {  	s10 =	simm.s32 @!p0 $0x3F800000;
	v3 =	vmul.f32 s14, v11;
	v5 =	vld [tilespmem:s9+$0xCE10];
	[tilespmem:s2+$0x16E50] =	vst v1  }
0x234: {  	p0 =	slt.u32 s7, $0x18F;
	s7 =	simm.f32 $1.000000000e+00;
	v1 =	vld [tilespmem:s9+$0xA620];
	v2 =	vadd.f32 v6, v2;
	v6 =	vmul.f32 s10, v12;
	[tilespmem:s2+$0x16E60] =	vst v0;
	s2 =	smov.u32 s9  }
0x235: {  	s7 =	simm.s32 @!p0 $0x0;
	v0 =	vmul.f32 s13, v8;
	v8 =	vld [tilespmem:s2+$0xCE20]  }
0x236: {  	v9 =	vld [tilespmem:s2+$0xA630];
	v2 =	vadd.f32 v6, v2;
	v6 =	vmul.f32 s7, v7  }
0x237: {  	v0 =	vadd.f32 v0, v3;
	v3 =	vmul.f32 s14, v4;
	v4 =	vld [tilespmem:s2+$0xCE30]  }
0x238: {  	v5 =	vmul.f32 s13, v5;
	v7 =	vld [tilespmem:s2+$0xA640];
	v2 =	vadd.f32 v6, v2  }
0x239: {  	v1 =	vmul.f32 s14, v1;
	v6 =	vld [tilespmem:s2+$0xCE40]  }
0x23a: {  	v3 =	vadd.f32 v5, v3;
	v5 =	vmul.f32 s13, v8;
	v8 =	vld [tilespmem:s2+$0xA650];
	[tilespmem:s2+$0x16E70] =	vst v2  }
0x23b: {  	v2 =	vmul.f32 s14, v9;
	v9 =	vld [tilespmem:s2+$0xCE50]  }
0x23c: {  	v1 =	vadd.f32 v5, v1;
	v4 =	vmul.f32 s13, v4;
	v5 =	vld [tilespmem:s2+$0xA660]  }
0x23d: {  	v7 =	vmul.f32 s14, v7;
	v10 =	vld [tilespmem:s2+$0xCE60]  }
0x23e: {  	v11 =	vld [tilespmem:s2+$0xF600];
	v2 =	vadd.f32 v4, v2;
	v4 =	vmul.f32 s13, v6  }
0x23f: {  	v6 =	vld [tilespmem:s2+$0xF610];
	v8 =	vmul.f32 s14, v8  }
0x240: {  	v12 =	vld [tilespmem:s2+$0xF620];
	v7 =	vadd.f32 v4, v7;
	v4 =	vmul.f32 s13, v9  }
0x241: {  	v9 =	vld [tilespmem:s2+$0xF630];
	v5 =	vmul.f32 s14, v5  }
0x242: {  	v13 =	vld [tilespmem:s2+$0xF640];
	v8 =	vadd.f32 v4, v8;
	v4 =	vmul.f32 s13, v10  }
0x243: {  	v10 =	vmul.f32 s10, v11;
	v11 =	vld [tilespmem:s2+$0xF650]  }
0x244: {  	v6 =	vmul.f32 s10, v6;
	v14 =	vadd.f32 v4, v5;
	v15 =	vld [tilespmem:s2+$0xF660]  }
0x245: {  	v16 =	vadd.f32 v10, v0;
	v0 =	vld [tilespmem:s2+$0x11E00];
	v4 =	vmul.f32 s10, v12  }
0x246: {  	v6 =	vadd.f32 v6, v3;
	v12 =	vld [tilespmem:s2+$0x11E10];
	v3 =	vmul.f32 s10, v9  }
0x247: {  	v5 =	vadd.f32 v4, v1;
	v17 =	vld [tilespmem:s2+$0x11E20];
	v1 =	vmul.f32 s10, v13  }
.Ltmp11:
0x248: {  	v4 =	vadd.f32 v3, v2;
	v10 =	vld [tilespmem:s2+$0x11E30];
	v2 =	vmul.f32 s10, v11;
	(pc) =	sbr.rel @p1 .LBB2_16-.Ltmp11, $4  }
0x249: {  	v3 =	vadd.f32 v1, v7;
	v9 =	vld [tilespmem:s2+$0x11E40];
	v7 =	vmul.f32 s10, v15  }
0x24a: {  	v13 =	vmul.f32 s7, v0;
	v1 =	vadd.f32 v2, v8;
	v8 =	vld [tilespmem:s2+$0x11E50]  }
0x24b: {  	s6 =	sadd.s32 $0x1, s6;
	s9 =	sshra.s32 s12, $0x2;
	v11 =	vmul.f32 s7, v12;
	v0 =	vadd.f32 v7, v14;
	v7 =	vld [tilespmem:s2+$0x11E60]  }
0x24c: {  	s12 =	sadd.s32 $0x200, s12;
	s10 =	smulhi.u32 $0x51EB851F, s6;
	v2 =	vld [tilespmem:s9+$0xA670];
	v13 =	vadd.f32 v13, v16;
	v12 =	vmul.f32 s7, v17  }
0x24d: {  	v14 =	vld [tilespmem:s9+$0xCE70];
	v6 =	vadd.f32 v11, v6;
	v10 =	vmul.f32 s7, v10  }
0x24e: {  	v15 =	vld [tilespmem:s9+$0xA600];
	[tilespmem:s2+$0x16E00] =	vst v13;
	v5 =	vadd.f32 v12, v5;
	v9 =	vmul.f32 s7, v9  }
0x24f: {  	v19 =	vld [tilespmem:s9+$0xF670];
	[tilespmem:s2+$0x16E10] =	vst v6;
	v4 =	vadd.f32 v10, v4;
	v8 =	vmul.f32 s7, v8  }
0x250: {  	v6 =	vld [tilespmem:s9+$0xCE00];
	[tilespmem:s2+$0x16E20] =	vst v5;
	v3 =	vadd.f32 v9, v3;
	v7 =	vmul.f32 s7, v7  }
0x251: {  	v5 =	vld [tilespmem:s9+$0x11E70];
	[tilespmem:s2+$0x16E30] =	vst v4;
	v1 =	vadd.f32 v8, v1  }
0x252: {  	v4 =	vld [tilespmem:s9+$0xA610];
	[tilespmem:s2+$0x16E40] =	vst v3;
	v0 =	vadd.f32 v7, v0  }
0x253: {  	v3 =	vld [tilespmem:s9+$0xCE10];
	[tilespmem:s2+$0x16E50] =	vst v1  }
0x254: {  	v22 =	vld [tilespmem:s9+$0xA620];
	[tilespmem:s2+$0x16E60] =	vst v0  }
0x255: {  	v25 =	vld [tilespmem:s9+$0xCE20]  }
0x256: {  	v26 =	vld [tilespmem:s9+$0xA630]  }
0x257: {  	v28 =	vld [tilespmem:s9+$0xCE30]  }
0x258: {  	s10 =	sshrl.u32 s10, $0x7;
	v29 =	vld [tilespmem:s9+$0xA640]  }
0x259: {  	p0 =	sgt.u32 s6, $0x18F;
	s10 =	smul.u32 $0xFFFFFE70, s10;
	v30 =	vld [tilespmem:s9+$0xCE40]  }
0x25a: {  	p1 =	slt.u32 s6, $0x18510;
	s12 =	simm.f32 $1.000000000e+00;
	s7 =	simm.f32 $1.000000000e+00;
	v31 =	vld [tilespmem:s9+$0xA650]  }
0x25b: {  	s12 =	simm.s32 @!p1 $0x0;
	s10 =	sadd.s32 s10, s6;
	s7 =	simm.s32 @!p0 $0x0;
	v32 =	vld [tilespmem:s9+$0xCE50]  }
0x25c: {  	s6 =	simm.f32 $0.0e+00;
	p0 =	seq.s32 s10, $0x0;
	v20 =	vmul.f32 s7, v2;
	v21 =	vmul.f32 s12, v14;
	v33 =	vld [tilespmem:s9+$0xA660]  }
0x25d: {  	s6 =	simm.s32 @!p0 $0x3F800000;
	p0 =	slt.u32 s10, $0x18F;
	s2 =	simm.f32 $1.000000000e+00;
	v34 =	vld [tilespmem:s9+$0xCE60]  }
0x25e: {  	v15 =	vmul.f32 s7, v15;
	v23 =	vadd.f32 v21, v20;
	v24 =	vmul.f32 s6, v19;
	s2 =	simm.s32 @!p0 $0x0;
	v13 =	vld [tilespmem:s9+$0xF600]  }
0x25f: {  	v35 =	vld [tilespmem:s9+$0xF610];
	v6 =	vmul.f32 s12, v6;
	v27 =	vmul.f32 s2, v5  }
0x260: {  	v16 =	vld [tilespmem:s9+$0xF620];
	v0 =	vadd.f32 v24, v23;
	v4 =	vmul.f32 s7, v4;
	v3 =	vmul.f32 s12, v3  }
0x261: {  	v17 =	vld [tilespmem:s9+$0xF630];
	v7 =	vmul.f32 s7, v22;
	v2 =	vmul.f32 s12, v25  }
0x262: {  	v18 =	vld [tilespmem:s9+$0xF640];
	v0 =	vadd.f32 v27, v0;
	v8 =	vmul.f32 s7, v26;
	v5 =	vmul.f32 s12, v28  }
0x263: {  	v38 =	vld [tilespmem:s9+$0x11E00];
	v9 =	vmul.f32 s7, v29;
	v1 =	vmul.f32 s12, v30  }
0x264: {  	v41 =	vld [tilespmem:s9+$0x11E10];
	[tilespmem:s9+$0x16E70] =	vst v0;
	v37 =	vmul.f32 s7, v31;
	v0 =	vmul.f32 s12, v32  }
0x265: {  	v43 =	vld [tilespmem:s9+$0x11E20];
	v39 =	vmul.f32 s7, v33;
	v40 =	vmul.f32 s12, v34  }
0x266: {  	v19 =	vld [tilespmem:s9+$0xF650];
	v6 =	vadd.f32 v6, v15;
	v42 =	vmul.f32 s6, v13;
	v44 =	vmul.f32 s6, v35  }
0x267: {  	v45 =	vld [tilespmem:s9+$0x11E30];
	v3 =	vadd.f32 v3, v4;
	v46 =	vmul.f32 s6, v16;
	v47 =	vmul.f32 s6, v17  }
0x268: {  	v36 =	vld [tilespmem:s9+$0xF660];
	v49 =	vmul.f32 s6, v18;
	v10 =	vmul.f32 s2, v38;
	v2 =	vadd.f32 v2, v7  }
0x269: {  	v48 =	vld [tilespmem:s9+$0x11E40];
	v51 =	vmul.f32 s2, v41;
	v5 =	vadd.f32 v5, v8;
	v1 =	vadd.f32 v1, v9  }
0x26a: {  	v50 =	vld [tilespmem:s9+$0x11E50];
	v54 =	vmul.f32 s2, v43;
	v0 =	vadd.f32 v0, v37;
	v6 =	vadd.f32 v42, v6  }
0x26b: {  	v52 =	vld [tilespmem:s9+$0x11E60];
	v55 =	vmul.f32 s6, v19;
	v7 =	vadd.f32 v40, v39;
	v3 =	vadd.f32 v44, v3  }
0x26c: {  	v56 =	vmul.f32 s2, v45;
	v2 =	vadd.f32 v46, v2;
	v53 =	vadd.f32 v10, v6  }
0x26d: {  	v57 =	vmul.f32 s6, v36;
	v5 =	vadd.f32 v47, v5;
	v3 =	vadd.f32 v51, v3  }
0x26e: {  	v58 =	vmul.f32 s2, v48;
	v1 =	vadd.f32 v49, v1;
	[tilespmem:s9+$0x16E00] =	vst v53;
	v2 =	vadd.f32 v54, v2  }
0x26f: {  	v60 =	vmul.f32 s2, v50;
	v0 =	vadd.f32 v55, v0;
	[tilespmem:s9+$0x16E10] =	vst v3;
	v59 =	vadd.f32 v56, v5  }
0x270: {  	v62 =	vmul.f32 s2, v52;
	v61 =	vadd.f32 v57, v7;
	v1 =	vadd.f32 v58, v1;
	[tilespmem:s9+$0x16E20] =	vst v2  }
.Ltmp12:
0x271: {  	v0 =	vadd.f32 v60, v0;
	[tilespmem:s9+$0x16E30] =	vst v59;
	(pc) =	sbr.rel .LBB2_18-.Ltmp12, $4  }
0x272: {  	s31 =	sadd.s32 s30, s11;
	v63 =	vadd.f32 v62, v61;
	[tilespmem:s9+$0x16E40] =	vst v1  }
0x273: {  	s2 =	sshll.u32 s31, $0x4;
	[tilespmem:s9+$0x16E50] =	vst v0  }
0x274: {  	s2 =	sadd.s32 s5, s2;
	[tilespmem:s9+$0x16E60] =	vst v63  }
0x275: {  	[hbm4b:s2+s3] =	stream.linear.scatter [tilespmem:s21], [sflag:$0x6], $0x2800, $0x38;
	[tilespmem:$0x19600] =	vst v63  }
.LBB2_20:
0x276: {  	_ =	sfence.sel $0x180000  }
0x277: {  	[bflag:$0x0] =	sbarrier.arrive $0xFFFF  }
0x278: {  	_ =	strace $0x90000047  }
0x279: {  	[bflag:$0x2] =	sbarrier.arrive $0xFFFF  }
0x27a: {  	s1 =	sld [smem:$0x7FD];
	_ =	sdelay $0x2  }
0x27b: {  	s0 =	rddreg [dreg:$0x3];
	p0 =	seq.s32 s1, $0x1  }
0x27c: {  	s0 =	sadd.s32 @!p0 $0x100000, s0  }
0x27d: {  	[sflag:s0] =	ssyncadd.tile.s32 @!p0 $0x1;
	_ =	shalt  }
.Lfunc_end2:
_tile_overlayer_lowered:
.L_overlay_start_2:
0x27e: {  	(tag) =	ssettag $0x2  }
0x27f: {  	s0 =	rddreg [dreg:$0x0];
	s2 =	stileid.u32  }
0x280: {  	s1 =	rddreg [dreg:$0x1];
	p0 =	sne.s32 s2, $0x0  }
0x281: {  	s3 =	rddreg [dreg:$0x2];
	[bflag:$0x3] =	sbarrier.arrive $0xFFFF;
	s2 =	simm.s32 @!p0 $0x1C07  }
0x282: {  	[timem:s3], [sflag:s2] =	dma.local @!p0 [hbm:s0], s1  }
0x283: {  	s0 =	simm.s32 @!p0 $0x7  }
0x284: {  	_ =	swait.ge @!p0 [sflag:s0], s1  }
0x285: {  	s1 =	ssub.s32 @!p0 $0x0, s1;
	[sflag:s0] =	ssyncset.done @!p0 $0x0  }
0x286: {  	[sflag:s0] =	ssyncadd.s32 @!p0 s1  }
0x287: {  	[bflag:$0x3] =	sbarrier.arrive $0xFFFF  }
0x288: {  	_ =	shalt  }

</sc_bundles>
